<compile_context>
chip_gen: v7x
topology: tpu7x:2x2x1
jax: 0.10.2.dev20260603
libtpu: 0.0.44.dev20260713+nightly
codegen_flags: <defaults>
</compile_context>

<pallas_src>
import functools

import jax
import jax.numpy as jnp
from jax import lax
from jax.experimental import pallas as pl
from jax.experimental.pallas import tpu as pltpu
from jax.experimental.pallas import tpu_sc as plsc

NC = 50000
NV = 50000
NE = 800000
EMB = 32
NH = 17
BLK = 4096
NBLK = 13
NP = NBLK * BLK
STRIPE = NP // 16
EB = 128
EROWS = 6272
EPAD = EROWS * EB - NE
JMAX = EROWS // 32
KCH = 2
JT = EROWS // 16
NOUTT = JT // KCH


def _vmax_body(var_ref, out_ref):
    i = pl.program_id(0)
    x = var_ref[...]
    rows = lax.broadcasted_iota(jnp.int32, (BLK, 1), 0) + i * BLK
    cf = jnp.maximum(jnp.maximum(jnp.abs(x[:, 0:1]), jnp.abs(x[:, 1:2])), 1.0)
    t = jnp.where(rows < NV, jnp.abs(x[:, 2:3] * cf), 0.0)
    m = jnp.max(t, keepdims=True).reshape(1, 1)

    @pl.when(i == 0)
    def _():
        out_ref[...] = m

    @pl.when(i > 0)
    def _():
        out_ref[...] = jnp.maximum(out_ref[...], m)


def _vmax(var):
    return pl.pallas_call(
        _vmax_body,
        grid=(NBLK,),
        in_specs=[pl.BlockSpec((BLK, 6), lambda i: (i, 0))],
        out_specs=pl.BlockSpec((1, 1), lambda i: (0, 0)),
        out_shape=jax.ShapeDtypeStruct((1, 1), jnp.float32),
    )(var)


def _vembed_body(var_ref, vmax_ref, g_ref, b_ref, w1_ref, b1_ref, w2_ref,
                 b2_ref, out_ref):
    i = pl.program_id(0)
    x = var_ref[...]
    v2m = vmax_ref[...]
    cf = jnp.maximum(jnp.maximum(jnp.abs(x[:, 0:1]), jnp.abs(x[:, 1:2])), 1.0)
    cols = lax.broadcasted_iota(jnp.int32, (BLK, 6), 1)
    vn = jnp.where(cols < 2, x / cf, jnp.where(cols == 2, x * cf / v2m, x))
    m = jnp.mean(vn, axis=1, keepdims=True)
    v = jnp.mean((vn - m) ** 2, axis=1, keepdims=True)
    y = (vn - m) / jnp.sqrt(v + 1e-5) * g_ref[...] + b_ref[...]
    h = jnp.maximum(
        jnp.dot(y, w1_ref[...], preferred_element_type=jnp.float32)
        + b1_ref[...], 0.0)
    e = jnp.maximum(
        jnp.dot(h, w2_ref[...], preferred_element_type=jnp.float32)
        + b2_ref[...], 0.0)
    rows = lax.broadcasted_iota(jnp.int32, (BLK, 1), 0) + i * BLK
    out_ref[...] = jnp.where(rows < NV, e, 0.0)


def _vembed(var, vmax, g, b, w1, b1, w2, b2):
    full = lambda i: (0, 0)
    return pl.pallas_call(
        _vembed_body,
        grid=(NBLK,),
        in_specs=[
            pl.BlockSpec((BLK, 6), lambda i: (i, 0)),
            pl.BlockSpec((1, 1), full),
            pl.BlockSpec((1, 6), full),
            pl.BlockSpec((1, 6), full),
            pl.BlockSpec((6, EMB), full),
            pl.BlockSpec((1, EMB), full),
            pl.BlockSpec((EMB, EMB), full),
            pl.BlockSpec((1, EMB), full),
        ],
        out_specs=pl.BlockSpec((BLK, EMB), lambda i: (i, 0)),
        out_shape=jax.ShapeDtypeStruct((NP, EMB), jnp.float32),
    )(var, vmax, g, b, w1, b1, w2, b2)


_SC_MESH = plsc.VectorSubcoreMesh(core_axis_name="c", subcore_axis_name="s")


@functools.partial(
    pl.kernel,
    out_type=(
        jax.ShapeDtypeStruct((2, NP, EMB), jnp.float32),
        jax.ShapeDtypeStruct((2, NP), jnp.float32),
        jax.ShapeDtypeStruct((2, NP), jnp.float32),
    ),
    mesh=_SC_MESH,
    compiler_params=pltpu.CompilerParams(use_tc_tiling_on_sc=False),
    scratch_types=[
        pltpu.VMEM_SHARED((NP, EMB), jnp.float32),
        pltpu.VMEM_SHARED((NP,), jnp.float32),
        pltpu.VMEM_SHARED((NP,), jnp.float32),
        pltpu.VMEM((2, KCH, EB), jnp.int32),
        pltpu.VMEM((2, KCH, EB), jnp.int32),
        pltpu.VMEM((2, KCH, EB, EMB), jnp.float32),
        pltpu.VMEM((EB,), jnp.float32),
        pltpu.SemaphoreType.DMA,
        pltpu.SemaphoreType.DMA,
        pltpu.SemaphoreType.DMA,
        pltpu.SemaphoreType.DMA,
    ],
)
def _edge_agg(src_s, dst_s, ve_s, src_t, dst_t, ve_t, z2d_hbm, z1d_hbm,
              s_out, degc_out, degv_out,
              s_sh, degc_sh, degv_sh, srcb, dstb, rows, ones,
              gsem_a, gsem_b, ssem_a, ssem_b):
    cid = lax.axis_index("c")
    sid = lax.axis_index("s")
    gsems = (gsem_a, gsem_b)
    ssems = (ssem_a, ssem_b)
    for t in range(EB // 16):
        ones[pl.ds(t * 16, 16)] = jnp.ones((16,), jnp.float32)
    stripe = sid * STRIPE
    pltpu.sync_copy(z2d_hbm, s_sh.at[pl.ds(stripe, STRIPE)])
    pltpu.sync_copy(z1d_hbm, degc_sh.at[pl.ds(stripe, STRIPE)])
    pltpu.sync_copy(z1d_hbm, degv_sh.at[pl.ds(stripe, STRIPE)])
    plsc.subcore_barrier()

    def _pipeline(src_hbm, dst_hbm, ve_hbm):
        def _fire_gathers(o, p):
            pltpu.sync_copy(src_hbm.at[sid, pl.ds(o * KCH, KCH)], srcb.at[p])
            pltpu.sync_copy(dst_hbm.at[sid, pl.ds(o * KCH, KCH)], dstb.at[p])
            for q in range(KCH):
                pltpu.async_copy(ve_hbm.at[srcb.at[p, q]], rows.at[p, q],
                                 gsems[p])

        def _fire_scatters(p):
            for q in range(KCH):
                pltpu.async_copy(rows.at[p, q], s_sh.at[dstb.at[p, q]],
                                 ssems[p], add=True)
                pltpu.async_copy(ones, degc_sh.at[dstb.at[p, q]], ssems[p],
                                 add=True)
                pltpu.async_copy(ones, degv_sh.at[srcb.at[p, q]], ssems[p],
                                 add=True)

        def _drain_gathers(p):
            for q in range(KCH):
                pltpu.make_async_copy(ve_hbm.at[srcb.at[p, q]],
                                      rows.at[p, q], gsems[p]).wait()

        def _drain_scatters(p):
            for q in range(KCH):
                pltpu.make_async_copy(rows.at[p, q], s_sh.at[dstb.at[p, q]],
                                      ssems[p]).wait()
                pltpu.make_async_copy(ones, degc_sh.at[dstb.at[p, q]],
                                      ssems[p]).wait()
                pltpu.make_async_copy(ones, degv_sh.at[srcb.at[p, q]],
                                      ssems[p]).wait()

        def _step(o, p):
            @pl.when(o >= 2)
            def _():
                _drain_scatters(p)

            _fire_gathers(o, p)

            @pl.when(o >= 1)
            def _():
                _drain_gathers(1 - p)
                _fire_scatters(1 - p)

        def outer(oo, carry):
            _step(oo * 2, 0)
            _step(oo * 2 + 1, 1)
            return carry

        lax.fori_loop(0, NOUTT // 2, outer, 0)
        _drain_gathers(1)
        _fire_scatters(1)
        _drain_scatters(0)
        _drain_scatters(1)

    @pl.when(cid == 0)
    def _():
        _pipeline(src_s, dst_s, ve_s)

    @pl.when(cid == 1)
    def _():
        _pipeline(src_t, dst_t, ve_t)

    plsc.subcore_barrier()
    pltpu.sync_copy(s_sh.at[pl.ds(stripe, STRIPE)],
                    s_out.at[cid, pl.ds(stripe, STRIPE)])
    pltpu.sync_copy(degc_sh.at[pl.ds(stripe, STRIPE)],
                    degc_out.at[cid, pl.ds(stripe, STRIPE)])
    pltpu.sync_copy(degv_sh.at[pl.ds(stripe, STRIPE)],
                    degv_out.at[cid, pl.ds(stripe, STRIPE)])


def _pool_body(s_ref, dc_ref, dv_ref, ve_ref,
               wm_ref, ws_ref, kv_ref, sc_ref, mv_ref, bs_ref, out_ref):
    i = pl.program_id(0)
    rows = lax.broadcasted_iota(jnp.int32, (BLK, 1), 0) + i * BLK
    valid = rows < NC
    cons = jnp.maximum(
        jnp.dot(s_ref[0], wm_ref[...], preferred_element_type=jnp.float32)
        + dc_ref[0] * kv_ref[...] + sc_ref[...], 0.0)
    cons = jnp.where(valid, cons, 0.0)
    varc = jnp.maximum(
        dv_ref[0] * mv_ref[...]
        + jnp.dot(ve_ref[...], ws_ref[...], preferred_element_type=jnp.float32)
        + bs_ref[...], 0.0)
    varc = jnp.where(valid, varc, 0.0)
    part = jnp.concatenate(
        [jnp.sum(varc, axis=0, keepdims=True),
         jnp.sum(cons, axis=0, keepdims=True)], axis=1)

    @pl.when(i == 0)
    def _():
        out_ref[...] = part

    @pl.when(i > 0)
    def _():
        out_ref[...] = out_ref[...] + part


def _pool(g, s3, dc3, dv3, ve, wm, ws, kv, sc, mv, bs):
    full = lambda i: (0, 0)
    col = lambda i: (i, 0)
    gcol = lambda i: (g, i, 0)
    return pl.pallas_call(
        _pool_body,
        grid=(NBLK,),
        in_specs=[
            pl.BlockSpec((1, BLK, EMB), gcol),
            pl.BlockSpec((1, BLK, 1), gcol),
            pl.BlockSpec((1, BLK, 1), gcol),
            pl.BlockSpec((BLK, EMB), col),
            pl.BlockSpec((EMB, NH), full),
            pl.BlockSpec((EMB, NH), full),
            pl.BlockSpec((1, NH), full),
            pl.BlockSpec((1, NH), full),
            pl.BlockSpec((1, NH), full),
            pl.BlockSpec((1, NH), full),
        ],
        out_specs=pl.BlockSpec((1, 2 * NH), full),
        out_shape=jax.ShapeDtypeStruct((1, 2 * NH), jnp.float32),
    )(s3, dc3, dv3, ve, wm, ws, kv, sc, mv, bs)


def _head_body(s0_ref, s1_ref, g_ref, b_ref, w1_ref, b1_ref, w2_ref, out_ref):
    x = (s1_ref[...] - s0_ref[...]) * (1.0 / NC)
    m = jnp.mean(x, axis=1, keepdims=True)
    v = jnp.mean((x - m) ** 2, axis=1, keepdims=True)
    y = (x - m) / jnp.sqrt(v + 1e-5) * g_ref[...] + b_ref[...]
    h = jnp.maximum(
        jnp.dot(y, w1_ref[...], preferred_element_type=jnp.float32)
        + b1_ref[...], 0.0)
    o = jnp.dot(h, w2_ref[...], preferred_element_type=jnp.float32)
    out_ref[...] = jax.nn.sigmoid(o)


def _head(s0, s1, g, b, w1, b1, w2):
    D = 2 * NH
    full = lambda: (0, 0)
    return pl.pallas_call(
        _head_body,
        in_specs=[
            pl.BlockSpec((1, D), full),
            pl.BlockSpec((1, D), full),
            pl.BlockSpec((1, D), full),
            pl.BlockSpec((1, D), full),
            pl.BlockSpec((D, 128), full),
            pl.BlockSpec((1, 128), full),
            pl.BlockSpec((128, 1), full),
        ],
        out_specs=pl.BlockSpec((1, 1), full),
        out_shape=jax.ShapeDtypeStruct((1, 1), jnp.float32),
    )(s0, s1, g, b, w1, b1, w2)


def kernel(constraint_features_s, edge_index_s, edge_attr_s,
           variable_features_s, constraint_features_t, edge_index_t,
           edge_attr_t, variable_features_t, params):
    p = params
    wm = jnp.concatenate([p['conv%d_msg_w' % i] for i in range(3)], axis=1)
    bm = jnp.concatenate([p['conv%d_msg_b' % i] for i in range(3)])
    we = jnp.concatenate([p['conv%d_edge_w' % i] for i in range(3)], axis=1)
    be = jnp.concatenate([p['conv%d_edge_b' % i] for i in range(3)])
    ws = jnp.concatenate([p['conv%d_self_w' % i] for i in range(3)], axis=1)
    bs = jnp.concatenate([p['conv%d_self_b' % i] for i in range(3)])
    ce = jax.nn.relu(p['cons_ln_b'] @ p['cons_w1'] + p['cons_b1'])
    cons_row = jax.nn.relu(ce @ p['cons_w2'] + p['cons_b2'])
    kv = bm + p['edge_ln_b'] @ we + be
    sc = cons_row @ ws + bs
    mv = cons_row @ wm + kv
    kv, sc, mv, bs2 = (a.reshape(1, NH) for a in (kv, sc, mv, bs))
    gln = p['var_ln_g'].reshape(1, 6)
    bln = p['var_ln_b'].reshape(1, 6)
    b1 = p['var_b1'].reshape(1, EMB)
    b2 = p['var_b2'].reshape(1, EMB)

    fill = 50000 + jnp.arange(EPAD, dtype=jnp.int32) % (NP - 50000)
    z2d = jnp.zeros((STRIPE, EMB), jnp.float32)
    z1d = jnp.zeros((STRIPE,), jnp.float32)

    ves, srcs, dsts = [], [], []
    for ei, var in ((edge_index_s, variable_features_s),
                    (edge_index_t, variable_features_t)):
        vmax = _vmax(var)
        ves.append(_vembed(var, vmax, gln, bln, p['var_w1'], b1,
                           p['var_w2'], b2))
        srcs.append(jnp.concatenate([ei[0], fill]).reshape(16, JT, EB))
        dsts.append(jnp.concatenate([ei[1], fill]).reshape(16, JT, EB))
    s3, degc, degv = _edge_agg(srcs[0], dsts[0], ves[0],
                               srcs[1], dsts[1], ves[1], z2d, z1d)
    dc3 = degc.reshape(2, NP, 1)
    dv3 = degv.reshape(2, NP, 1)
    pooled = [_pool(g, s3, dc3, dv3, ves[g], wm, ws, kv, sc, mv, bs2)
              for g in (0, 1)]
    out = _head(pooled[0], pooled[1],
                p['fin_ln_g'].reshape(1, 2 * NH),
                p['fin_ln_b'].reshape(1, 2 * NH),
                p['fin_w1'], p['fin_b1'].reshape(1, 128), p['fin_w2'])
    return out.reshape(1)

# --- scband reference (transcript-rebuilt; emitter-appended) ---
"""Pipeline reference for scband-gnnpolicy-43654047597026 (READ-ONLY COPY).

The authoritative reference and input builder live on the scoring server;
editing this copy changes nothing except your own understanding.
"""

import jax, jax.numpy as jnp
import numpy as np

EMB = 32
HIDDEN = [8, 8, 1]
FINAL_H = 128
N_CONS = 50000
N_VARS = 50000
N_EDGES = 800000


def _layernorm(x, g, b, eps=1e-5):
    m = jnp.mean(x, axis=-1, keepdims=True)
    v = jnp.mean((x - m) ** 2, axis=-1, keepdims=True)
    return (x - m) / jnp.sqrt(v + eps) * g + b


def _make_params(key):
    p = {}
    ks = iter(jax.random.split(key, 40))
    def lin(fi, fo, bias=True):
        w = (jax.random.normal(next(ks), (fi, fo), jnp.float32) / np.sqrt(fi)).astype(jnp.float32)
        b = jnp.zeros((fo,), jnp.float32) if bias else None
        return w, b
    p['cons_ln_g'] = jnp.ones((1,), jnp.float32); p['cons_ln_b'] = jnp.zeros((1,), jnp.float32)
    p['cons_w1'], p['cons_b1'] = lin(1, EMB)
    p['cons_w2'], p['cons_b2'] = lin(EMB, EMB)
    p['edge_ln_g'] = jnp.ones((1,), jnp.float32); p['edge_ln_b'] = jnp.zeros((1,), jnp.float32)
    p['var_ln_g'] = jnp.ones((6,), jnp.float32); p['var_ln_b'] = jnp.zeros((6,), jnp.float32)
    p['var_w1'], p['var_b1'] = lin(6, EMB)
    p['var_w2'], p['var_b2'] = lin(EMB, EMB)
    for i, hd in enumerate(HIDDEN):
        p['conv%d_msg_w' % i], p['conv%d_msg_b' % i] = lin(EMB, hd)
        p['conv%d_edge_w' % i], p['conv%d_edge_b' % i] = lin(1, hd)
        p['conv%d_self_w' % i], p['conv%d_self_b' % i] = lin(EMB, hd)
    D = 2 * sum(HIDDEN)
    p['fin_ln_g'] = jnp.ones((D,), jnp.float32); p['fin_ln_b'] = jnp.zeros((D,), jnp.float32)
    p['fin_w1'], p['fin_b1'] = lin(D, FINAL_H)
    p['fin_w2'], _unused = lin(FINAL_H, 1, bias=False)
    return p


def setup_inputs(seed: int = 0):
    key = jax.random.key(seed)
    k = jax.random.split(key, 9)
    return {
        'constraint_features_s': jax.random.normal(k[0], (N_CONS, 1), jnp.float32),
        'edge_index_s': jax.random.randint(k[1], (2, N_EDGES), 0, N_CONS, jnp.int32),
        'edge_attr_s': jax.random.normal(k[2], (N_EDGES, 1), jnp.float32),
        'variable_features_s': jax.random.normal(k[3], (N_VARS, 6), jnp.float32),
        'constraint_features_t': jax.random.normal(k[4], (N_CONS, 1), jnp.float32),
        'edge_index_t': jax.random.randint(k[5], (2, N_EDGES), 0, N_CONS, jnp.int32),
        'edge_attr_t': jax.random.normal(k[6], (N_EDGES, 1), jnp.float32),
        'variable_features_t': jax.random.normal(k[7], (N_VARS, 6), jnp.float32),
        'params': _make_params(k[8]),
    }


def _normalize(cons, ei, ea, var):
    # vectorized form of the per-variable loop
    cf = jnp.max(jnp.abs(var[:, :2]), axis=1)
    cf = jnp.where(cf > 1.0, cf, 1.0)
    var = jnp.concatenate([var[:, :2] / cf[:, None], (var[:, 2] * cf)[:, None], var[:, 3:]], axis=1)
    ea = ea * cf[ei[0]][:, None]
    # vectorized form of the per-constraint loop
    seg_max = jax.ops.segment_max(jnp.abs(ea[:, 0]), ei[1], num_segments=cons.shape[0])
    norm = jnp.maximum(seg_max, jnp.abs(cons[:, 0]))
    ea = ea / norm[ei[1]][:, None]
    cons = cons / norm[:, None]
    v2 = jnp.max(jnp.abs(var[:, 2]))
    var = var.at[:, 2].set(var[:, 2] / v2)
    return cons, ei, ea, var


def _embed_mlp(x, g, b, w1, b1, w2, b2):
    x = _layernorm(x, g, b)
    x = jax.nn.relu(x @ w1 + b1)
    return jax.nn.relu(x @ w2 + b2)


def _conv(p, i, x_src, x_dst, src_idx, dst_idx, ef):
    # PyG GeneralConv, heads=1, aggr='add', in_edge_channels=1
    msg = x_src[src_idx] @ p['conv%d_msg_w' % i] + p['conv%d_msg_b' % i] + ef @ p['conv%d_edge_w' % i] + p['conv%d_edge_b' % i]
    agg = jax.ops.segment_sum(msg, dst_idx, num_segments=x_dst.shape[0])
    return agg + x_dst @ p['conv%d_self_w' % i] + p['conv%d_self_b' % i]


def _forward_graph(p, cons, ei, ea, var):
    cons, ei, ea, var = _normalize(cons, ei, ea, var)
    var_e = _embed_mlp(var, p['var_ln_g'], p['var_ln_b'], p['var_w1'], p['var_b1'], p['var_w2'], p['var_b2'])
    cons_e = _embed_mlp(cons, p['cons_ln_g'], p['cons_ln_b'], p['cons_w1'], p['cons_b1'], p['cons_w2'], p['cons_b2'])
    ef = _layernorm(ea, p['edge_ln_g'], p['edge_ln_b'])
    cons_conv = jnp.concatenate([jax.nn.relu(_conv(p, i, var_e, cons_e, ei[0], ei[1], ef)) for i in range(len(HIDDEN))], axis=1)
    var_conv = jnp.concatenate([jax.nn.relu(_conv(p, i, cons_e, var_e, ei[1], ei[0], ef)) for i in range(len(HIDDEN))], axis=1)
    cons_pool = jnp.mean(cons_conv, axis=0, keepdims=True)
    var_pool = jnp.mean(var_conv, axis=0, keepdims=True)
    return jnp.concatenate([var_pool, cons_pool], axis=1)


def reference(constraint_features_s, edge_index_s, edge_attr_s, variable_features_s, constraint_features_t, edge_index_t, edge_attr_t, variable_features_t, params):
    s0 = _forward_graph(params, constraint_features_s, edge_index_s, edge_attr_s, variable_features_s)
    s1 = _forward_graph(params, constraint_features_t, edge_index_t, edge_attr_t, variable_features_t)
    x = _layernorm(-s0 + s1, params['fin_ln_g'], params['fin_ln_b'])
    x = jax.nn.relu(x @ params['fin_w1'] + params['fin_b1'])
    x = jax.nn.sigmoid(x @ params['fin_w2'])
    return jnp.squeeze(x, 1)

if __name__ == "__main__":
    import jax
    _d = setup_inputs()
    print(jax.jit(kernel)(*tuple(_d.values())))

</pallas_src>

<mosaic_0001>
#map = affine_map<(d0, d1) -> (0, 0, 0)>
#map1 = affine_map<(d0, d1) -> (0, 0)>
#map2 = affine_map<(d0, d1) -> (0)>
module attributes {stable_mosaic.version = 14 : i64} {
  func.func @_edge_agg(%arg0: i32, %arg1: i32, %arg2: memref<16x392x128xi32, #tpu.memory_space<hbm>>, %arg3: memref<16x392x128xi32, #tpu.memory_space<hbm>>, %arg4: memref<53248x32xf32, #tpu.memory_space<hbm>>, %arg5: memref<16x392x128xi32, #tpu.memory_space<hbm>>, %arg6: memref<16x392x128xi32, #tpu.memory_space<hbm>>, %arg7: memref<53248x32xf32, #tpu.memory_space<hbm>>, %arg8: memref<3328x32xf32, #tpu.memory_space<hbm>>, %arg9: memref<3328xf32, #tpu.memory_space<hbm>>, %arg10: memref<2x53248x32xf32, #tpu.memory_space<hbm>>, %arg11: memref<2x53248xf32, #tpu.memory_space<hbm>>, %arg12: memref<2x53248xf32, #tpu.memory_space<hbm>>, %arg13: memref<53248x32xf32, #tpu.memory_space<vmem_shared>>, %arg14: memref<53248xf32, #tpu.memory_space<vmem_shared>>, %arg15: memref<53248xf32, #tpu.memory_space<vmem_shared>>, %arg16: memref<2x2x128xi32, #tpu.memory_space<vmem>>, %arg17: memref<2x2x128xi32, #tpu.memory_space<vmem>>, %arg18: memref<2x2x128x32xf32, #tpu.memory_space<vmem>>, %arg19: memref<128xf32, #tpu.memory_space<vmem>>, %arg20: memref<!tpu.dma_semaphore, #tpu.memory_space<semaphore_mem>>, %arg21: memref<!tpu.dma_semaphore, #tpu.memory_space<semaphore_mem>>, %arg22: memref<!tpu.dma_semaphore, #tpu.memory_space<semaphore_mem>>, %arg23: memref<!tpu.dma_semaphore, #tpu.memory_space<semaphore_mem>>) attributes {dimension_semantics = [#tpu.dimension_semantics<core_parallel>, #tpu.dimension_semantics<subcore_parallel>], iteration_bounds = array<i64: 2, 16>, scalar_prefetch = 0 : i64, scratch_operands = 11 : i64, tpu.core_type = #tpu.core_type<sc_vector_subcore>, window_params = [{transform_indices = #map}, {transform_indices = #map}, {transform_indices = #map1}, {transform_indices = #map}, {transform_indices = #map}, {transform_indices = #map1}, {transform_indices = #map1}, {transform_indices = #map2}, {transform_indices = #map}, {transform_indices = #map1}, {transform_indices = #map1}]} {
    %broadcast_in_dim3A = arith.constant 1.000000e+00 : f32
    %broadcast_in_dim3A_0 = vector.broadcast %broadcast_in_dim3A : f32 to vector<16xf32>
    %swap3A = arith.constant 0 : index
    %swap3A_1 = tpu.vector_load %arg19[%swap3A] {strides = array<i32>} : memref<128xf32, #tpu.memory_space<vmem>>, vector<16xf32>,
    %swap3A_2 = vector.shape_cast %swap3A_1 : vector<16xf32> to vector<16xf32>
    %swap3A_3 = vector.shape_cast %broadcast_in_dim3A_0 : vector<16xf32> to vector<16xf32>
    tpu.vector_store %arg19[%swap3A], %swap3A_3 {strides = array<i32>} : memref<128xf32, #tpu.memory_space<vmem>>, vector<16xf32>,
    %broadcast_in_dim3A_4 = arith.constant 1.000000e+00 : f32
    %broadcast_in_dim3A_5 = vector.broadcast %broadcast_in_dim3A_4 : f32 to vector<16xf32>
    %swap3A_6 = arith.constant 16 : index
    %swap3A_7 = tpu.vector_load %arg19[%swap3A_6] {strides = array<i32>} : memref<128xf32, #tpu.memory_space<vmem>>, vector<16xf32>,
    %swap3A_8 = vector.shape_cast %swap3A_7 : vector<16xf32> to vector<16xf32>
    %swap3A_9 = vector.shape_cast %broadcast_in_dim3A_5 : vector<16xf32> to vector<16xf32>
    tpu.vector_store %arg19[%swap3A_6], %swap3A_9 {strides = array<i32>} : memref<128xf32, #tpu.memory_space<vmem>>, vector<16xf32>,
    %broadcast_in_dim3A_10 = arith.constant 1.000000e+00 : f32
    %broadcast_in_dim3A_11 = vector.broadcast %broadcast_in_dim3A_10 : f32 to vector<16xf32>
    %swap3A_12 = arith.constant 32 : index
    %swap3A_13 = tpu.vector_load %arg19[%swap3A_12] {strides = array<i32>} : memref<128xf32, #tpu.memory_space<vmem>>, vector<16xf32>,
    %swap3A_14 = vector.shape_cast %swap3A_13 : vector<16xf32> to vector<16xf32>
    %swap3A_15 = vector.shape_cast %broadcast_in_dim3A_11 : vector<16xf32> to vector<16xf32>
    tpu.vector_store %arg19[%swap3A_12], %swap3A_15 {strides = array<i32>} : memref<128xf32, #tpu.memory_space<vmem>>, vector<16xf32>,
    %broadcast_in_dim3A_16 = arith.constant 1.000000e+00 : f32
    %broadcast_in_dim3A_17 = vector.broadcast %broadcast_in_dim3A_16 : f32 to vector<16xf32>
    %swap3A_18 = arith.constant 48 : index
    %swap3A_19 = tpu.vector_load %arg19[%swap3A_18] {strides = array<i32>} : memref<128xf32, #tpu.memory_space<vmem>>, vector<16xf32>,
    %swap3A_20 = vector.shape_cast %swap3A_19 : vector<16xf32> to vector<16xf32>
    %swap3A_21 = vector.shape_cast %broadcast_in_dim3A_17 : vector<16xf32> to vector<16xf32>
    tpu.vector_store %arg19[%swap3A_18], %swap3A_21 {strides = array<i32>} : memref<128xf32, #tpu.memory_space<vmem>>, vector<16xf32>,
    %broadcast_in_dim3A_22 = arith.constant 1.000000e+00 : f32
    %broadcast_in_dim3A_23 = vector.broadcast %broadcast_in_dim3A_22 : f32 to vector<16xf32>
    %swap3A_24 = arith.constant 64 : index
    %swap3A_25 = tpu.vector_load %arg19[%swap3A_24] {strides = array<i32>} : memref<128xf32, #tpu.memory_space<vmem>>, vector<16xf32>,
    %swap3A_26 = vector.shape_cast %swap3A_25 : vector<16xf32> to vector<16xf32>
    %swap3A_27 = vector.shape_cast %broadcast_in_dim3A_23 : vector<16xf32> to vector<16xf32>
    tpu.vector_store %arg19[%swap3A_24], %swap3A_27 {strides = array<i32>} : memref<128xf32, #tpu.memory_space<vmem>>, vector<16xf32>,
    %broadcast_in_dim3A_28 = arith.constant 1.000000e+00 : f32
    %broadcast_in_dim3A_29 = vector.broadcast %broadcast_in_dim3A_28 : f32 to vector<16xf32>
    %swap3A_30 = arith.constant 80 : index
    %swap3A_31 = tpu.vector_load %arg19[%swap3A_30] {strides = array<i32>} : memref<128xf32, #tpu.memory_space<vmem>>, vector<16xf32>,
    %swap3A_32 = vector.shape_cast %swap3A_31 : vector<16xf32> to vector<16xf32>
    %swap3A_33 = vector.shape_cast %broadcast_in_dim3A_29 : vector<16xf32> to vector<16xf32>
    tpu.vector_store %arg19[%swap3A_30], %swap3A_33 {strides = array<i32>} : memref<128xf32, #tpu.memory_space<vmem>>, vector<16xf32>,
    %broadcast_in_dim3A_34 = arith.constant 1.000000e+00 : f32
    %broadcast_in_dim3A_35 = vector.broadcast %broadcast_in_dim3A_34 : f32 to vector<16xf32>
    %swap3A_36 = arith.constant 96 : index
    %swap3A_37 = tpu.vector_load %arg19[%swap3A_36] {strides = array<i32>} : memref<128xf32, #tpu.memory_space<vmem>>, vector<16xf32>,
    %swap3A_38 = vector.shape_cast %swap3A_37 : vector<16xf32> to vector<16xf32>
    %swap3A_39 = vector.shape_cast %broadcast_in_dim3A_35 : vector<16xf32> to vector<16xf32>
    tpu.vector_store %arg19[%swap3A_36], %swap3A_39 {strides = array<i32>} : memref<128xf32, #tpu.memory_space<vmem>>, vector<16xf32>,
    %broadcast_in_dim3A_40 = arith.constant 1.000000e+00 : f32
    %broadcast_in_dim3A_41 = vector.broadcast %broadcast_in_dim3A_40 : f32 to vector<16xf32>
    %swap3A_42 = arith.constant 112 : index
    %swap3A_43 = tpu.vector_load %arg19[%swap3A_42] {strides = array<i32>} : memref<128xf32, #tpu.memory_space<vmem>>, vector<16xf32>,
    %swap3A_44 = vector.shape_cast %swap3A_43 : vector<16xf32> to vector<16xf32>
    %swap3A_45 = vector.shape_cast %broadcast_in_dim3A_41 : vector<16xf32> to vector<16xf32>
    tpu.vector_store %arg19[%swap3A_42], %swap3A_45 {strides = array<i32>} : memref<128xf32, #tpu.memory_space<vmem>>, vector<16xf32>,
    %mul3A = arith.constant 3328 : i32
    %mul3A_46 = arith.muli %arg1, %mul3A : i32
    "tpu.region"() ({
      %run_scoped3A = tpu.sem_alloc : memref<!tpu.dma_semaphore, #tpu.memory_space<semaphore_mem>>
      %dma_start3A = arith.constant 0 : i32
      %dma_start3A_55 = tpu.memref_slice %arg13[%mul3A_46, %dma_start3A] : memref<53248x32xf32, #tpu.memory_space<vmem_shared>> -> memref<3328x32xf32, #tpu.memory_space<vmem_shared>>
      tpu.enqueue_dma source(%arg8 : memref<3328x32xf32, #tpu.memory_space<hbm>>) target(%dma_start3A_55 : memref<3328x32xf32, #tpu.memory_space<vmem_shared>>) target_semaphore(%run_scoped3A : memref<!tpu.dma_semaphore, #tpu.memory_space<semaphore_mem>>)
      %dma_wait3A = arith.constant 0 : i32
      %dma_wait3A_56 = tpu.memref_slice %arg13[%mul3A_46, %dma_wait3A] : memref<53248x32xf32, #tpu.memory_space<vmem_shared>> -> memref<3328x32xf32, #tpu.memory_space<vmem_shared>>
      tpu.wait_dma2 semaphore(%run_scoped3A : memref<!tpu.dma_semaphore, #tpu.memory_space<semaphore_mem>>) src(%arg8 : memref<3328x32xf32, #tpu.memory_space<hbm>>) dst(%dma_wait3A_56 : memref<3328x32xf32, #tpu.memory_space<vmem_shared>>)
      tpu.yield
    }) : () -> ()
    "tpu.region"() ({
      %run_scoped3A = tpu.sem_alloc : memref<!tpu.dma_semaphore, #tpu.memory_space<semaphore_mem>>
      %dma_start3A = tpu.memref_slice %arg14[%mul3A_46] : memref<53248xf32, #tpu.memory_space<vmem_shared>> -> memref<3328xf32, #tpu.memory_space<vmem_shared>>
      tpu.enqueue_dma source(%arg9 : memref<3328xf32, #tpu.memory_space<hbm>>) target(%dma_start3A : memref<3328xf32, #tpu.memory_space<vmem_shared>>) target_semaphore(%run_scoped3A : memref<!tpu.dma_semaphore, #tpu.memory_space<semaphore_mem>>)
      %dma_wait3A = tpu.memref_slice %arg14[%mul3A_46] : memref<53248xf32, #tpu.memory_space<vmem_shared>> -> memref<3328xf32, #tpu.memory_space<vmem_shared>>
      tpu.wait_dma2 semaphore(%run_scoped3A : memref<!tpu.dma_semaphore, #tpu.memory_space<semaphore_mem>>) src(%arg9 : memref<3328xf32, #tpu.memory_space<hbm>>) dst(%dma_wait3A : memref<3328xf32, #tpu.memory_space<vmem_shared>>)
      tpu.yield
    }) : () -> ()
    "tpu.region"() ({
      %run_scoped3A = tpu.sem_alloc : memref<!tpu.dma_semaphore, #tpu.memory_space<semaphore_mem>>
      %dma_start3A = tpu.memref_slice %arg15[%mul3A_46] : memref<53248xf32, #tpu.memory_space<vmem_shared>> -> memref<3328xf32, #tpu.memory_space<vmem_shared>>
      tpu.enqueue_dma source(%arg9 : memref<3328xf32, #tpu.memory_space<hbm>>) target(%dma_start3A : memref<3328xf32, #tpu.memory_space<vmem_shared>>) target_semaphore(%run_scoped3A : memref<!tpu.dma_semaphore, #tpu.memory_space<semaphore_mem>>)
      %dma_wait3A = tpu.memref_slice %arg15[%mul3A_46] : memref<53248xf32, #tpu.memory_space<vmem_shared>> -> memref<3328xf32, #tpu.memory_space<vmem_shared>>
      tpu.wait_dma2 semaphore(%run_scoped3A : memref<!tpu.dma_semaphore, #tpu.memory_space<semaphore_mem>>) src(%arg9 : memref<3328xf32, #tpu.memory_space<hbm>>) dst(%dma_wait3A : memref<3328xf32, #tpu.memory_space<vmem_shared>>)
      tpu.yield
    }) : () -> ()
    %barrier3A = arith.constant 0 : index
    tpu.barrier barrier_id(%barrier3A)
    %eq3A = arith.constant 0 : i32
    %eq3A_47 = arith.cmpi eq, %arg0, %eq3A : i32
    %convert_element_type3A = arith.extui %eq3A_47 : i1 to i32
    %cond3A = arith.constant 0 : i32
    %cond3A_48 = arith.cmpi ne, %convert_element_type3A, %cond3A : i32
    scf.if %cond3A_48 {
      %scan3A = arith.constant 0 : i32
      %scan3A_55 = arith.constant 0 : i32
      %scan3A_56 = arith.constant 98 : i32
      %scan3A_57 = arith.addi %scan3A_55, %scan3A_56 : i32
      %scan3A_58 = arith.constant 1 : i32
      scf.for %scan3A_254 = %scan3A_55 to %scan3A_57 step %scan3A_58  : i32 {
        %mul3A_255 = arith.constant 2 : i32
        %mul3A_256 = arith.muli %scan3A_254, %mul3A_255 : i32
        %ge3A = arith.constant 2 : i32
        %ge3A_257 = arith.cmpi sge, %mul3A_256, %ge3A : i32
        %convert_element_type3A_258 = arith.extui %ge3A_257 : i1 to i32
        %cond3A_259 = arith.constant 0 : i32
        %cond3A_260 = arith.cmpi ne, %convert_element_type3A_258, %cond3A_259 : i32
        scf.if %cond3A_260 {
          %dma_wait3A_346 = arith.constant 0 : i32
          %dma_wait3A_347 = arith.constant 0 : i32
          %dma_wait3A_348 = arith.constant 0 : i32
          %dma_wait3A_349 = arith.constant 0 : i32
          %dma_wait3A_350 = arith.constant 0 : i32
          %dma_wait3A_351 = arith.constant 0 : i32
          %dma_wait3A_352 = tpu.memref_slice %arg18[%dma_wait3A_346, %dma_wait3A_347, %dma_wait3A_350, %dma_wait3A_351] : memref<2x2x128x32xf32, #tpu.memory_space<vmem>> -> memref<1x1x128x32xf32, #tpu.memory_space<vmem>>
          %dma_wait3A_353 = tpu.memref_squeeze %dma_wait3A_352 : memref<1x1x128x32xf32, #tpu.memory_space<vmem>> -> memref<128x32xf32, #tpu.memory_space<vmem>>
          %dma_wait3A_354 = arith.constant 0 : i32
          %dma_wait3A_355 = tpu.memref_slice %arg17[%dma_wait3A_348, %dma_wait3A_349, %dma_wait3A_354] : memref<2x2x128xi32, #tpu.memory_space<vmem>> -> memref<1x1x128xi32, #tpu.memory_space<vmem>>
          %dma_wait3A_356 = tpu.memref_squeeze %dma_wait3A_355 : memref<1x1x128xi32, #tpu.memory_space<vmem>> -> memref<128xi32, #tpu.memory_space<vmem>>
          %dma_wait3A_357 = arith.constant 0 : i32
          %dma_wait3A_358 = arith.constant 0 : i32
          %dma_wait3A_359 = tpu.memref_slice %arg13[%dma_wait3A_357, %dma_wait3A_358] : memref<53248x32xf32, #tpu.memory_space<vmem_shared>> -> memref<53248x32xf32, #tpu.memory_space<vmem_shared>>
          tpu.wait_indirect_dma semaphore(%arg22 : memref<!tpu.dma_semaphore, #tpu.memory_space<semaphore_mem>>) src(%dma_wait3A_353 : memref<128x32xf32, #tpu.memory_space<vmem>>) dst(%dma_wait3A_359 : memref<53248x32xf32, #tpu.memory_space<vmem_shared>>)
          %dma_wait3A_360 = arith.constant 0 : i32
          %dma_wait3A_361 = arith.constant 0 : i32
          %dma_wait3A_362 = arith.constant 0 : i32
          %dma_wait3A_363 = tpu.memref_slice %arg17[%dma_wait3A_360, %dma_wait3A_361, %dma_wait3A_362] : memref<2x2x128xi32, #tpu.memory_space<vmem>> -> memref<1x1x128xi32, #tpu.memory_space<vmem>>
          %dma_wait3A_364 = tpu.memref_squeeze %dma_wait3A_363 : memref<1x1x128xi32, #tpu.memory_space<vmem>> -> memref<128xi32, #tpu.memory_space<vmem>>
          %dma_wait3A_365 = arith.constant 0 : i32
          %dma_wait3A_366 = tpu.memref_slice %arg14[%dma_wait3A_365] : memref<53248xf32, #tpu.memory_space<vmem_shared>> -> memref<53248xf32, #tpu.memory_space<vmem_shared>>
          tpu.wait_indirect_dma semaphore(%arg22 : memref<!tpu.dma_semaphore, #tpu.memory_space<semaphore_mem>>) src(%arg19 : memref<128xf32, #tpu.memory_space<vmem>>) dst(%dma_wait3A_366 : memref<53248xf32, #tpu.memory_space<vmem_shared>>)
          %dma_wait3A_367 = arith.constant 0 : i32
          %dma_wait3A_368 = arith.constant 0 : i32
          %dma_wait3A_369 = arith.constant 0 : i32
          %dma_wait3A_370 = tpu.memref_slice %arg16[%dma_wait3A_367, %dma_wait3A_368, %dma_wait3A_369] : memref<2x2x128xi32, #tpu.memory_space<vmem>> -> memref<1x1x128xi32, #tpu.memory_space<vmem>>
          %dma_wait3A_371 = tpu.memref_squeeze %dma_wait3A_370 : memref<1x1x128xi32, #tpu.memory_space<vmem>> -> memref<128xi32, #tpu.memory_space<vmem>>
          %dma_wait3A_372 = arith.constant 0 : i32
          %dma_wait3A_373 = tpu.memref_slice %arg15[%dma_wait3A_372] : memref<53248xf32, #tpu.memory_space<vmem_shared>> -> memref<53248xf32, #tpu.memory_space<vmem_shared>>
          tpu.wait_indirect_dma semaphore(%arg22 : memref<!tpu.dma_semaphore, #tpu.memory_space<semaphore_mem>>) src(%arg19 : memref<128xf32, #tpu.memory_space<vmem>>) dst(%dma_wait3A_373 : memref<53248xf32, #tpu.memory_space<vmem_shared>>)
          %dma_wait3A_374 = arith.constant 0 : i32
          %dma_wait3A_375 = arith.constant 1 : i32
          %dma_wait3A_376 = arith.constant 0 : i32
          %dma_wait3A_377 = arith.constant 1 : i32
          %dma_wait3A_378 = arith.constant 0 : i32
          %dma_wait3A_379 = arith.constant 0 : i32
          %dma_wait3A_380 = tpu.memref_slice %arg18[%dma_wait3A_374, %dma_wait3A_375, %dma_wait3A_378, %dma_wait3A_379] : memref<2x2x128x32xf32, #tpu.memory_space<vmem>> -> memref<1x1x128x32xf32, #tpu.memory_space<vmem>>
          %dma_wait3A_381 = tpu.memref_squeeze %dma_wait3A_380 : memref<1x1x128x32xf32, #tpu.memory_space<vmem>> -> memref<128x32xf32, #tpu.memory_space<vmem>>
          %dma_wait3A_382 = arith.constant 0 : i32
          %dma_wait3A_383 = tpu.memref_slice %arg17[%dma_wait3A_376, %dma_wait3A_377, %dma_wait3A_382] : memref<2x2x128xi32, #tpu.memory_space<vmem>> -> memref<1x1x128xi32, #tpu.memory_space<vmem>>
          %dma_wait3A_384 = tpu.memref_squeeze %dma_wait3A_383 : memref<1x1x128xi32, #tpu.memory_space<vmem>> -> memref<128xi32, #tpu.memory_space<vmem>>
          %dma_wait3A_385 = arith.constant 0 : i32
          %dma_wait3A_386 = arith.constant 0 : i32
          %dma_wait3A_387 = tpu.memref_slice %arg13[%dma_wait3A_385, %dma_wait3A_386] : memref<53248x32xf32, #tpu.memory_space<vmem_shared>> -> memref<53248x32xf32, #tpu.memory_space<vmem_shared>>
          tpu.wait_indirect_dma semaphore(%arg22 : memref<!tpu.dma_semaphore, #tpu.memory_space<semaphore_mem>>) src(%dma_wait3A_381 : memref<128x32xf32, #tpu.memory_space<vmem>>) dst(%dma_wait3A_387 : memref<53248x32xf32, #tpu.memory_space<vmem_shared>>)
          %dma_wait3A_388 = arith.constant 0 : i32
          %dma_wait3A_389 = arith.constant 1 : i32
          %dma_wait3A_390 = arith.constant 0 : i32
          %dma_wait3A_391 = tpu.memref_slice %arg17[%dma_wait3A_388, %dma_wait3A_389, %dma_wait3A_390] : memref<2x2x128xi32, #tpu.memory_space<vmem>> -> memref<1x1x128xi32, #tpu.memory_space<vmem>>
          %dma_wait3A_392 = tpu.memref_squeeze %dma_wait3A_391 : memref<1x1x128xi32, #tpu.memory_space<vmem>> -> memref<128xi32, #tpu.memory_space<vmem>>
          %dma_wait3A_393 = arith.constant 0 : i32
          %dma_wait3A_394 = tpu.memref_slice %arg14[%dma_wait3A_393] : memref<53248xf32, #tpu.memory_space<vmem_shared>> -> memref<53248xf32, #tpu.memory_space<vmem_shared>>
          tpu.wait_indirect_dma semaphore(%arg22 : memref<!tpu.dma_semaphore, #tpu.memory_space<semaphore_mem>>) src(%arg19 : memref<128xf32, #tpu.memory_space<vmem>>) dst(%dma_wait3A_394 : memref<53248xf32, #tpu.memory_space<vmem_shared>>)
          %dma_wait3A_395 = arith.constant 0 : i32
          %dma_wait3A_396 = arith.constant 1 : i32
          %dma_wait3A_397 = arith.constant 0 : i32
          %dma_wait3A_398 = tpu.memref_slice %arg16[%dma_wait3A_395, %dma_wait3A_396, %dma_wait3A_397] : memref<2x2x128xi32, #tpu.memory_space<vmem>> -> memref<1x1x128xi32, #tpu.memory_space<vmem>>
          %dma_wait3A_399 = tpu.memref_squeeze %dma_wait3A_398 : memref<1x1x128xi32, #tpu.memory_space<vmem>> -> memref<128xi32, #tpu.memory_space<vmem>>
          %dma_wait3A_400 = arith.constant 0 : i32
          %dma_wait3A_401 = tpu.memref_slice %arg15[%dma_wait3A_400] : memref<53248xf32, #tpu.memory_space<vmem_shared>> -> memref<53248xf32, #tpu.memory_space<vmem_shared>>
          tpu.wait_indirect_dma semaphore(%arg22 : memref<!tpu.dma_semaphore, #tpu.memory_space<semaphore_mem>>) src(%arg19 : memref<128xf32, #tpu.memory_space<vmem>>) dst(%dma_wait3A_401 : memref<53248xf32, #tpu.memory_space<vmem_shared>>)
        } else {
        }
        %mul3A_261 = arith.constant 2 : i32
        %mul3A_262 = arith.muli %mul3A_256, %mul3A_261 : i32
        %run_scoped3A = arith.constant 0 : i32
        "tpu.region"() ({
          %run_scoped3A_346 = tpu.sem_alloc : memref<!tpu.dma_semaphore, #tpu.memory_space<semaphore_mem>>
          %dma_start3A_347 = arith.constant 0 : i32
          %dma_start3A_348 = arith.constant 0 : i32
          %dma_start3A_349 = tpu.memref_slice %arg16[%run_scoped3A, %dma_start3A_347, %dma_start3A_348] : memref<2x2x128xi32, #tpu.memory_space<vmem>> -> memref<1x2x128xi32, #tpu.memory_space<vmem>>
          %dma_start3A_350 = tpu.memref_squeeze %dma_start3A_349 : memref<1x2x128xi32, #tpu.memory_space<vmem>> -> memref<2x128xi32, #tpu.memory_space<vmem>>
          %dma_start3A_351 = arith.constant 0 : i32
          %dma_start3A_352 = tpu.memref_slice %arg2[%arg1, %mul3A_262, %dma_start3A_351] : memref<16x392x128xi32, #tpu.memory_space<hbm>> -> memref<1x2x128xi32, #tpu.memory_space<hbm>>
          %dma_start3A_353 = tpu.memref_squeeze %dma_start3A_352 : memref<1x2x128xi32, #tpu.memory_space<hbm>> -> memref<2x128xi32, #tpu.memory_space<hbm>>
          %dma_start3A_354 = arith.constant 0 : i32
          %dma_start3A_355 = arith.constant 0 : i32
          %dma_start3A_356 = tpu.memref_slice %arg16[%run_scoped3A, %dma_start3A_354, %dma_start3A_355] : memref<2x2x128xi32, #tpu.memory_space<vmem>> -> memref<1x2x128xi32, #tpu.memory_space<vmem>>
          %dma_start3A_357 = tpu.memref_squeeze %dma_start3A_356 : memref<1x2x128xi32, #tpu.memory_space<vmem>> -> memref<2x128xi32, #tpu.memory_space<vmem>>
          %dma_start3A_358 = arith.constant 0 : i32
          %dma_start3A_359 = tpu.memref_slice %arg2[%arg1, %mul3A_262, %dma_start3A_358] : memref<16x392x128xi32, #tpu.memory_space<hbm>> -> memref<1x2x128xi32, #tpu.memory_space<hbm>>
          %dma_start3A_360 = tpu.memref_squeeze %dma_start3A_359 : memref<1x2x128xi32, #tpu.memory_space<hbm>> -> memref<2x128xi32, #tpu.memory_space<hbm>>
          tpu.enqueue_dma source(%dma_start3A_360 : memref<2x128xi32, #tpu.memory_space<hbm>>) target(%dma_start3A_357 : memref<2x128xi32, #tpu.memory_space<vmem>>) target_semaphore(%run_scoped3A_346 : memref<!tpu.dma_semaphore, #tpu.memory_space<semaphore_mem>>)
          %dma_wait3A_361 = arith.constant 0 : i32
          %dma_wait3A_362 = arith.constant 0 : i32
          %dma_wait3A_363 = tpu.memref_slice %arg16[%run_scoped3A, %dma_wait3A_361, %dma_wait3A_362] : memref<2x2x128xi32, #tpu.memory_space<vmem>> -> memref<1x2x128xi32, #tpu.memory_space<vmem>>
          %dma_wait3A_364 = tpu.memref_squeeze %dma_wait3A_363 : memref<1x2x128xi32, #tpu.memory_space<vmem>> -> memref<2x128xi32, #tpu.memory_space<vmem>>
          %dma_wait3A_365 = arith.constant 0 : i32
          %dma_wait3A_366 = tpu.memref_slice %arg2[%arg1, %mul3A_262, %dma_wait3A_365] : memref<16x392x128xi32, #tpu.memory_space<hbm>> -> memref<1x2x128xi32, #tpu.memory_space<hbm>>
          %dma_wait3A_367 = tpu.memref_squeeze %dma_wait3A_366 : memref<1x2x128xi32, #tpu.memory_space<hbm>> -> memref<2x128xi32, #tpu.memory_space<hbm>>
          %dma_wait3A_368 = arith.constant 0 : i32
          %dma_wait3A_369 = arith.constant 0 : i32
          %dma_wait3A_370 = tpu.memref_slice %arg16[%run_scoped3A, %dma_wait3A_368, %dma_wait3A_369] : memref<2x2x128xi32, #tpu.memory_space<vmem>> -> memref<1x2x128xi32, #tpu.memory_space<vmem>>
          %dma_wait3A_371 = tpu.memref_squeeze %dma_wait3A_370 : memref<1x2x128xi32, #tpu.memory_space<vmem>> -> memref<2x128xi32, #tpu.memory_space<vmem>>
          %dma_wait3A_372 = arith.constant 0 : i32
          %dma_wait3A_373 = tpu.memref_slice %arg2[%arg1, %mul3A_262, %dma_wait3A_372] : memref<16x392x128xi32, #tpu.memory_space<hbm>> -> memref<1x2x128xi32, #tpu.memory_space<hbm>>
          %dma_wait3A_374 = tpu.memref_squeeze %dma_wait3A_373 : memref<1x2x128xi32, #tpu.memory_space<hbm>> -> memref<2x128xi32, #tpu.memory_space<hbm>>
          tpu.wait_dma2 semaphore(%run_scoped3A_346 : memref<!tpu.dma_semaphore, #tpu.memory_space<semaphore_mem>>) src(%dma_wait3A_374 : memref<2x128xi32, #tpu.memory_space<hbm>>) dst(%dma_wait3A_371 : memref<2x128xi32, #tpu.memory_space<vmem>>)
          tpu.yield
        }) : () -> ()
        %mul3A_263 = arith.constant 2 : i32
        %mul3A_264 = arith.muli %mul3A_256, %mul3A_263 : i32
        %run_scoped3A_265 = arith.constant 0 : i32
        "tpu.region"() ({
          %run_scoped3A_346 = tpu.sem_alloc : memref<!tpu.dma_semaphore, #tpu.memory_space<semaphore_mem>>
          %dma_start3A_347 = arith.constant 0 : i32
          %dma_start3A_348 = arith.constant 0 : i32
          %dma_start3A_349 = tpu.memref_slice %arg17[%run_scoped3A_265, %dma_start3A_347, %dma_start3A_348] : memref<2x2x128xi32, #tpu.memory_space<vmem>> -> memref<1x2x128xi32, #tpu.memory_space<vmem>>
          %dma_start3A_350 = tpu.memref_squeeze %dma_start3A_349 : memref<1x2x128xi32, #tpu.memory_space<vmem>> -> memref<2x128xi32, #tpu.memory_space<vmem>>
          %dma_start3A_351 = arith.constant 0 : i32
          %dma_start3A_352 = tpu.memref_slice %arg3[%arg1, %mul3A_264, %dma_start3A_351] : memref<16x392x128xi32, #tpu.memory_space<hbm>> -> memref<1x2x128xi32, #tpu.memory_space<hbm>>
          %dma_start3A_353 = tpu.memref_squeeze %dma_start3A_352 : memref<1x2x128xi32, #tpu.memory_space<hbm>> -> memref<2x128xi32, #tpu.memory_space<hbm>>
          %dma_start3A_354 = arith.constant 0 : i32
          %dma_start3A_355 = arith.constant 0 : i32
          %dma_start3A_356 = tpu.memref_slice %arg17[%run_scoped3A_265, %dma_start3A_354, %dma_start3A_355] : memref<2x2x128xi32, #tpu.memory_space<vmem>> -> memref<1x2x128xi32, #tpu.memory_space<vmem>>
          %dma_start3A_357 = tpu.memref_squeeze %dma_start3A_356 : memref<1x2x128xi32, #tpu.memory_space<vmem>> -> memref<2x128xi32, #tpu.memory_space<vmem>>
          %dma_start3A_358 = arith.constant 0 : i32
          %dma_start3A_359 = tpu.memref_slice %arg3[%arg1, %mul3A_264, %dma_start3A_358] : memref<16x392x128xi32, #tpu.memory_space<hbm>> -> memref<1x2x128xi32, #tpu.memory_space<hbm>>
          %dma_start3A_360 = tpu.memref_squeeze %dma_start3A_359 : memref<1x2x128xi32, #tpu.memory_space<hbm>> -> memref<2x128xi32, #tpu.memory_space<hbm>>
          tpu.enqueue_dma source(%dma_start3A_360 : memref<2x128xi32, #tpu.memory_space<hbm>>) target(%dma_start3A_357 : memref<2x128xi32, #tpu.memory_space<vmem>>) target_semaphore(%run_scoped3A_346 : memref<!tpu.dma_semaphore, #tpu.memory_space<semaphore_mem>>)
          %dma_wait3A_361 = arith.constant 0 : i32
          %dma_wait3A_362 = arith.constant 0 : i32
          %dma_wait3A_363 = tpu.memref_slice %arg17[%run_scoped3A_265, %dma_wait3A_361, %dma_wait3A_362] : memref<2x2x128xi32, #tpu.memory_space<vmem>> -> memref<1x2x128xi32, #tpu.memory_space<vmem>>
          %dma_wait3A_364 = tpu.memref_squeeze %dma_wait3A_363 : memref<1x2x128xi32, #tpu.memory_space<vmem>> -> memref<2x128xi32, #tpu.memory_space<vmem>>
          %dma_wait3A_365 = arith.constant 0 : i32
          %dma_wait3A_366 = tpu.memref_slice %arg3[%arg1, %mul3A_264, %dma_wait3A_365] : memref<16x392x128xi32, #tpu.memory_space<hbm>> -> memref<1x2x128xi32, #tpu.memory_space<hbm>>
          %dma_wait3A_367 = tpu.memref_squeeze %dma_wait3A_366 : memref<1x2x128xi32, #tpu.memory_space<hbm>> -> memref<2x128xi32, #tpu.memory_space<hbm>>
          %dma_wait3A_368 = arith.constant 0 : i32
          %dma_wait3A_369 = arith.constant 0 : i32
          %dma_wait3A_370 = tpu.memref_slice %arg17[%run_scoped3A_265, %dma_wait3A_368, %dma_wait3A_369] : memref<2x2x128xi32, #tpu.memory_space<vmem>> -> memref<1x2x128xi32, #tpu.memory_space<vmem>>
          %dma_wait3A_371 = tpu.memref_squeeze %dma_wait3A_370 : memref<1x2x128xi32, #tpu.memory_space<vmem>> -> memref<2x128xi32, #tpu.memory_space<vmem>>
          %dma_wait3A_372 = arith.constant 0 : i32
          %dma_wait3A_373 = tpu.memref_slice %arg3[%arg1, %mul3A_264, %dma_wait3A_372] : memref<16x392x128xi32, #tpu.memory_space<hbm>> -> memref<1x2x128xi32, #tpu.memory_space<hbm>>
          %dma_wait3A_374 = tpu.memref_squeeze %dma_wait3A_373 : memref<1x2x128xi32, #tpu.memory_space<hbm>> -> memref<2x128xi32, #tpu.memory_space<hbm>>
          tpu.wait_dma2 semaphore(%run_scoped3A_346 : memref<!tpu.dma_semaphore, #tpu.memory_space<semaphore_mem>>) src(%dma_wait3A_374 : memref<2x128xi32, #tpu.memory_space<hbm>>) dst(%dma_wait3A_371 : memref<2x128xi32, #tpu.memory_space<vmem>>)
          tpu.yield
        }) : () -> ()
        %dma_start3A_266 = arith.constant 0 : i32
        %dma_start3A_267 = arith.constant 0 : i32
        %dma_start3A_268 = arith.constant 0 : i32
        %dma_start3A_269 = arith.constant 0 : i32
        %dma_start3A_270 = arith.constant 0 : i32
        %dma_start3A_271 = arith.constant 0 : i32
        %dma_start3A_272 = tpu.memref_slice %arg18[%dma_start3A_268, %dma_start3A_269, %dma_start3A_270, %dma_start3A_271] : memref<2x2x128x32xf32, #tpu.memory_space<vmem>> -> memref<1x1x128x32xf32, #tpu.memory_space<vmem>>
        %dma_start3A_273 = tpu.memref_squeeze %dma_start3A_272 : memref<1x1x128x32xf32, #tpu.memory_space<vmem>> -> memref<128x32xf32, #tpu.memory_space<vmem>>
        %dma_start3A_274 = arith.constant 0 : i32
        %dma_start3A_275 = tpu.memref_slice %arg16[%dma_start3A_266, %dma_start3A_267, %dma_start3A_274] : memref<2x2x128xi32, #tpu.memory_space<vmem>> -> memref<1x1x128xi32, #tpu.memory_space<vmem>>
        %dma_start3A_276 = tpu.memref_squeeze %dma_start3A_275 : memref<1x1x128xi32, #tpu.memory_space<vmem>> -> memref<128xi32, #tpu.memory_space<vmem>>
        %dma_start3A_277 = arith.constant 0 : i32
        %dma_start3A_278 = arith.constant 0 : i32
        %dma_start3A_279 = tpu.memref_slice %arg4[%dma_start3A_277, %dma_start3A_278] : memref<53248x32xf32, #tpu.memory_space<hbm>> -> memref<53248x32xf32, #tpu.memory_space<hbm>>
        tpu.enqueue_indirect_dma source(%dma_start3A_279 : memref<53248x32xf32, #tpu.memory_space<hbm>>) target(%dma_start3A_273 : memref<128x32xf32, #tpu.memory_space<vmem>>) offsets(%dma_start3A_276 : memref<128xi32, #tpu.memory_space<vmem>>) semaphore(%arg20 : memref<!tpu.dma_semaphore, #tpu.memory_space<semaphore_mem>>)
        %dma_start3A_280 = arith.constant 0 : i32
        %dma_start3A_281 = arith.constant 1 : i32
        %dma_start3A_282 = arith.constant 0 : i32
        %dma_start3A_283 = arith.constant 1 : i32
        %dma_start3A_284 = arith.constant 0 : i32
        %dma_start3A_285 = arith.constant 0 : i32
        %dma_start3A_286 = tpu.memref_slice %arg18[%dma_start3A_282, %dma_start3A_283, %dma_start3A_284, %dma_start3A_285] : memref<2x2x128x32xf32, #tpu.memory_space<vmem>> -> memref<1x1x128x32xf32, #tpu.memory_space<vmem>>
        %dma_start3A_287 = tpu.memref_squeeze %dma_start3A_286 : memref<1x1x128x32xf32, #tpu.memory_space<vmem>> -> memref<128x32xf32, #tpu.memory_space<vmem>>
        %dma_start3A_288 = arith.constant 0 : i32
        %dma_start3A_289 = tpu.memref_slice %arg16[%dma_start3A_280, %dma_start3A_281, %dma_start3A_288] : memref<2x2x128xi32, #tpu.memory_space<vmem>> -> memref<1x1x128xi32, #tpu.memory_space<vmem>>
        %dma_start3A_290 = tpu.memref_squeeze %dma_start3A_289 : memref<1x1x128xi32, #tpu.memory_space<vmem>> -> memref<128xi32, #tpu.memory_space<vmem>>
        %dma_start3A_291 = arith.constant 0 : i32
        %dma_start3A_292 = arith.constant 0 : i32
        %dma_start3A_293 = tpu.memref_slice %arg4[%dma_start3A_291, %dma_start3A_292] : memref<53248x32xf32, #tpu.memory_space<hbm>> -> memref<53248x32xf32, #tpu.memory_space<hbm>>
        tpu.enqueue_indirect_dma source(%dma_start3A_293 : memref<53248x32xf32, #tpu.memory_space<hbm>>) target(%dma_start3A_287 : memref<128x32xf32, #tpu.memory_space<vmem>>) offsets(%dma_start3A_290 : memref<128xi32, #tpu.memory_space<vmem>>) semaphore(%arg20 : memref<!tpu.dma_semaphore, #tpu.memory_space<semaphore_mem>>)
        %ge3A_294 = arith.constant 1 : i32
        %ge3A_295 = arith.cmpi sge, %mul3A_256, %ge3A_294 : i32
        %convert_element_type3A_296 = arith.extui %ge3A_295 : i1 to i32
        %cond3A_297 = arith.constant 0 : i32
        %cond3A_298 = arith.cmpi ne, %convert_element_type3A_296, %cond3A_297 : i32
        scf.if %cond3A_298 {
          %dma_wait3A_346 = arith.constant 1 : i32
          %dma_wait3A_347 = arith.constant 0 : i32
          %dma_wait3A_348 = arith.constant 1 : i32
          %dma_wait3A_349 = arith.constant 0 : i32
          %dma_wait3A_350 = arith.constant 0 : i32
          %dma_wait3A_351 = arith.constant 0 : i32
          %dma_wait3A_352 = tpu.memref_slice %arg18[%dma_wait3A_348, %dma_wait3A_349, %dma_wait3A_350, %dma_wait3A_351] : memref<2x2x128x32xf32, #tpu.memory_space<vmem>> -> memref<1x1x128x32xf32, #tpu.memory_space<vmem>>
          %dma_wait3A_353 = tpu.memref_squeeze %dma_wait3A_352 : memref<1x1x128x32xf32, #tpu.memory_space<vmem>> -> memref<128x32xf32, #tpu.memory_space<vmem>>
          %dma_wait3A_354 = arith.constant 0 : i32
          %dma_wait3A_355 = tpu.memref_slice %arg16[%dma_wait3A_346, %dma_wait3A_347, %dma_wait3A_354] : memref<2x2x128xi32, #tpu.memory_space<vmem>> -> memref<1x1x128xi32, #tpu.memory_space<vmem>>
          %dma_wait3A_356 = tpu.memref_squeeze %dma_wait3A_355 : memref<1x1x128xi32, #tpu.memory_space<vmem>> -> memref<128xi32, #tpu.memory_space<vmem>>
          %dma_wait3A_357 = arith.constant 0 : i32
          %dma_wait3A_358 = arith.constant 0 : i32
          %dma_wait3A_359 = tpu.memref_slice %arg4[%dma_wait3A_357, %dma_wait3A_358] : memref<53248x32xf32, #tpu.memory_space<hbm>> -> memref<53248x32xf32, #tpu.memory_space<hbm>>
          tpu.wait_indirect_dma semaphore(%arg21 : memref<!tpu.dma_semaphore, #tpu.memory_space<semaphore_mem>>) src(%dma_wait3A_359 : memref<53248x32xf32, #tpu.memory_space<hbm>>) dst(%dma_wait3A_353 : memref<128x32xf32, #tpu.memory_space<vmem>>)
          %dma_wait3A_360 = arith.constant 1 : i32
          %dma_wait3A_361 = arith.constant 1 : i32
          %dma_wait3A_362 = arith.constant 1 : i32
          %dma_wait3A_363 = arith.constant 1 : i32
          %dma_wait3A_364 = arith.constant 0 : i32
          %dma_wait3A_365 = arith.constant 0 : i32
          %dma_wait3A_366 = tpu.memref_slice %arg18[%dma_wait3A_362, %dma_wait3A_363, %dma_wait3A_364, %dma_wait3A_365] : memref<2x2x128x32xf32, #tpu.memory_space<vmem>> -> memref<1x1x128x32xf32, #tpu.memory_space<vmem>>
          %dma_wait3A_367 = tpu.memref_squeeze %dma_wait3A_366 : memref<1x1x128x32xf32, #tpu.memory_space<vmem>> -> memref<128x32xf32, #tpu.memory_space<vmem>>
          %dma_wait3A_368 = arith.constant 0 : i32
          %dma_wait3A_369 = tpu.memref_slice %arg16[%dma_wait3A_360, %dma_wait3A_361, %dma_wait3A_368] : memref<2x2x128xi32, #tpu.memory_space<vmem>> -> memref<1x1x128xi32, #tpu.memory_space<vmem>>
          %dma_wait3A_370 = tpu.memref_squeeze %dma_wait3A_369 : memref<1x1x128xi32, #tpu.memory_space<vmem>> -> memref<128xi32, #tpu.memory_space<vmem>>
          %dma_wait3A_371 = arith.constant 0 : i32
          %dma_wait3A_372 = arith.constant 0 : i32
          %dma_wait3A_373 = tpu.memref_slice %arg4[%dma_wait3A_371, %dma_wait3A_372] : memref<53248x32xf32, #tpu.memory_space<hbm>> -> memref<53248x32xf32, #tpu.memory_space<hbm>>
          tpu.wait_indirect_dma semaphore(%arg21 : memref<!tpu.dma_semaphore, #tpu.memory_space<semaphore_mem>>) src(%dma_wait3A_373 : memref<53248x32xf32, #tpu.memory_space<hbm>>) dst(%dma_wait3A_367 : memref<128x32xf32, #tpu.memory_space<vmem>>)
          %dma_start3A_374 = arith.constant 1 : i32
          %dma_start3A_375 = arith.constant 0 : i32
          %dma_start3A_376 = arith.constant 1 : i32
          %dma_start3A_377 = arith.constant 0 : i32
          %dma_start3A_378 = arith.constant 0 : i32
          %dma_start3A_379 = arith.constant 0 : i32
          %dma_start3A_380 = tpu.memref_slice %arg18[%dma_start3A_374, %dma_start3A_375, %dma_start3A_378, %dma_start3A_379] : memref<2x2x128x32xf32, #tpu.memory_space<vmem>> -> memref<1x1x128x32xf32, #tpu.memory_space<vmem>>
          %dma_start3A_381 = tpu.memref_squeeze %dma_start3A_380 : memref<1x1x128x32xf32, #tpu.memory_space<vmem>> -> memref<128x32xf32, #tpu.memory_space<vmem>>
          %dma_start3A_382 = arith.constant 0 : i32
          %dma_start3A_383 = tpu.memref_slice %arg17[%dma_start3A_376, %dma_start3A_377, %dma_start3A_382] : memref<2x2x128xi32, #tpu.memory_space<vmem>> -> memref<1x1x128xi32, #tpu.memory_space<vmem>>
          %dma_start3A_384 = tpu.memref_squeeze %dma_start3A_383 : memref<1x1x128xi32, #tpu.memory_space<vmem>> -> memref<128xi32, #tpu.memory_space<vmem>>
          %dma_start3A_385 = arith.constant 0 : i32
          %dma_start3A_386 = arith.constant 0 : i32
          %dma_start3A_387 = tpu.memref_slice %arg13[%dma_start3A_385, %dma_start3A_386] : memref<53248x32xf32, #tpu.memory_space<vmem_shared>> -> memref<53248x32xf32, #tpu.memory_space<vmem_shared>>
          tpu.enqueue_indirect_dma source(%dma_start3A_381 : memref<128x32xf32, #tpu.memory_space<vmem>>) target(%dma_start3A_387 : memref<53248x32xf32, #tpu.memory_space<vmem_shared>>) offsets(%dma_start3A_384 : memref<128xi32, #tpu.memory_space<vmem>>) semaphore(%arg23 : memref<!tpu.dma_semaphore, #tpu.memory_space<semaphore_mem>>) {add = true}
          %dma_start3A_388 = arith.constant 1 : i32
          %dma_start3A_389 = arith.constant 0 : i32
          %dma_start3A_390 = arith.constant 0 : i32
          %dma_start3A_391 = tpu.memref_slice %arg17[%dma_start3A_388, %dma_start3A_389, %dma_start3A_390] : memref<2x2x128xi32, #tpu.memory_space<vmem>> -> memref<1x1x128xi32, #tpu.memory_space<vmem>>
          %dma_start3A_392 = tpu.memref_squeeze %dma_start3A_391 : memref<1x1x128xi32, #tpu.memory_space<vmem>> -> memref<128xi32, #tpu.memory_space<vmem>>
          %dma_start3A_393 = arith.constant 0 : i32
          %dma_start3A_394 = tpu.memref_slice %arg14[%dma_start3A_393] : memref<53248xf32, #tpu.memory_space<vmem_shared>> -> memref<53248xf32, #tpu.memory_space<vmem_shared>>
          tpu.enqueue_indirect_dma source(%arg19 : memref<128xf32, #tpu.memory_space<vmem>>) target(%dma_start3A_394 : memref<53248xf32, #tpu.memory_space<vmem_shared>>) offsets(%dma_start3A_392 : memref<128xi32, #tpu.memory_space<vmem>>) semaphore(%arg23 : memref<!tpu.dma_semaphore, #tpu.memory_space<semaphore_mem>>) {add = true}
          %dma_start3A_395 = arith.constant 1 : i32
          %dma_start3A_396 = arith.constant 0 : i32
          %dma_start3A_397 = arith.constant 0 : i32
          %dma_start3A_398 = tpu.memref_slice %arg16[%dma_start3A_395, %dma_start3A_396, %dma_start3A_397] : memref<2x2x128xi32, #tpu.memory_space<vmem>> -> memref<1x1x128xi32, #tpu.memory_space<vmem>>
          %dma_start3A_399 = tpu.memref_squeeze %dma_start3A_398 : memref<1x1x128xi32, #tpu.memory_space<vmem>> -> memref<128xi32, #tpu.memory_space<vmem>>
          %dma_start3A_400 = arith.constant 0 : i32
          %dma_start3A_401 = tpu.memref_slice %arg15[%dma_start3A_400] : memref<53248xf32, #tpu.memory_space<vmem_shared>> -> memref<53248xf32, #tpu.memory_space<vmem_shared>>
          tpu.enqueue_indirect_dma source(%arg19 : memref<128xf32, #tpu.memory_space<vmem>>) target(%dma_start3A_401 : memref<53248xf32, #tpu.memory_space<vmem_shared>>) offsets(%dma_start3A_399 : memref<128xi32, #tpu.memory_space<vmem>>) semaphore(%arg23 : memref<!tpu.dma_semaphore, #tpu.memory_space<semaphore_mem>>) {add = true}
          %dma_start3A_402 = arith.constant 1 : i32
          %dma_start3A_403 = arith.constant 1 : i32
          %dma_start3A_404 = arith.constant 1 : i32
          %dma_start3A_405 = arith.constant 1 : i32
          %dma_start3A_406 = arith.constant 0 : i32
          %dma_start3A_407 = arith.constant 0 : i32
          %dma_start3A_408 = tpu.memref_slice %arg18[%dma_start3A_402, %dma_start3A_403, %dma_start3A_406, %dma_start3A_407] : memref<2x2x128x32xf32, #tpu.memory_space<vmem>> -> memref<1x1x128x32xf32, #tpu.memory_space<vmem>>
          %dma_start3A_409 = tpu.memref_squeeze %dma_start3A_408 : memref<1x1x128x32xf32, #tpu.memory_space<vmem>> -> memref<128x32xf32, #tpu.memory_space<vmem>>
          %dma_start3A_410 = arith.constant 0 : i32
          %dma_start3A_411 = tpu.memref_slice %arg17[%dma_start3A_404, %dma_start3A_405, %dma_start3A_410] : memref<2x2x128xi32, #tpu.memory_space<vmem>> -> memref<1x1x128xi32, #tpu.memory_space<vmem>>
          %dma_start3A_412 = tpu.memref_squeeze %dma_start3A_411 : memref<1x1x128xi32, #tpu.memory_space<vmem>> -> memref<128xi32, #tpu.memory_space<vmem>>
          %dma_start3A_413 = arith.constant 0 : i32
          %dma_start3A_414 = arith.constant 0 : i32
          %dma_start3A_415 = tpu.memref_slice %arg13[%dma_start3A_413, %dma_start3A_414] : memref<53248x32xf32, #tpu.memory_space<vmem_shared>> -> memref<53248x32xf32, #tpu.memory_space<vmem_shared>>
          tpu.enqueue_indirect_dma source(%dma_start3A_409 : memref<128x32xf32, #tpu.memory_space<vmem>>) target(%dma_start3A_415 : memref<53248x32xf32, #tpu.memory_space<vmem_shared>>) offsets(%dma_start3A_412 : memref<128xi32, #tpu.memory_space<vmem>>) semaphore(%arg23 : memref<!tpu.dma_semaphore, #tpu.memory_space<semaphore_mem>>) {add = true}
          %dma_start3A_416 = arith.constant 1 : i32
          %dma_start3A_417 = arith.constant 1 : i32
          %dma_start3A_418 = arith.constant 0 : i32
          %dma_start3A_419 = tpu.memref_slice %arg17[%dma_start3A_416, %dma_start3A_417, %dma_start3A_418] : memref<2x2x128xi32, #tpu.memory_space<vmem>> -> memref<1x1x128xi32, #tpu.memory_space<vmem>>
          %dma_start3A_420 = tpu.memref_squeeze %dma_start3A_419 : memref<1x1x128xi32, #tpu.memory_space<vmem>> -> memref<128xi32, #tpu.memory_space<vmem>>
          %dma_start3A_421 = arith.constant 0 : i32
          %dma_start3A_422 = tpu.memref_slice %arg14[%dma_start3A_421] : memref<53248xf32, #tpu.memory_space<vmem_shared>> -> memref<53248xf32, #tpu.memory_space<vmem_shared>>
          tpu.enqueue_indirect_dma source(%arg19 : memref<128xf32, #tpu.memory_space<vmem>>) target(%dma_start3A_422 : memref<53248xf32, #tpu.memory_space<vmem_shared>>) offsets(%dma_start3A_420 : memref<128xi32, #tpu.memory_space<vmem>>) semaphore(%arg23 : memref<!tpu.dma_semaphore, #tpu.memory_space<semaphore_mem>>) {add = true}
          %dma_start3A_423 = arith.constant 1 : i32
          %dma_start3A_424 = arith.constant 1 : i32
          %dma_start3A_425 = arith.constant 0 : i32
          %dma_start3A_426 = tpu.memref_slice %arg16[%dma_start3A_423, %dma_start3A_424, %dma_start3A_425] : memref<2x2x128xi32, #tpu.memory_space<vmem>> -> memref<1x1x128xi32, #tpu.memory_space<vmem>>
          %dma_start3A_427 = tpu.memref_squeeze %dma_start3A_426 : memref<1x1x128xi32, #tpu.memory_space<vmem>> -> memref<128xi32, #tpu.memory_space<vmem>>
          %dma_start3A_428 = arith.constant 0 : i32
          %dma_start3A_429 = tpu.memref_slice %arg15[%dma_start3A_428] : memref<53248xf32, #tpu.memory_space<vmem_shared>> -> memref<53248xf32, #tpu.memory_space<vmem_shared>>
          tpu.enqueue_indirect_dma source(%arg19 : memref<128xf32, #tpu.memory_space<vmem>>) target(%dma_start3A_429 : memref<53248xf32, #tpu.memory_space<vmem_shared>>) offsets(%dma_start3A_427 : memref<128xi32, #tpu.memory_space<vmem>>) semaphore(%arg23 : memref<!tpu.dma_semaphore, #tpu.memory_space<semaphore_mem>>) {add = true}
        } else {
        }
        %mul3A_299 = arith.constant 2 : i32
        %mul3A_300 = arith.muli %scan3A_254, %mul3A_299 : i32
        %add3A = arith.constant 1 : i32
        %add3A_301 = arith.addi %mul3A_300, %add3A : i32
        %ge3A_302 = arith.constant 2 : i32
        %ge3A_303 = arith.cmpi sge, %add3A_301, %ge3A_302 : i32
        %convert_element_type3A_304 = arith.extui %ge3A_303 : i1 to i32
        %cond3A_305 = arith.constant 0 : i32
        %cond3A_306 = arith.cmpi ne, %convert_element_type3A_304, %cond3A_305 : i32
        scf.if %cond3A_306 {
          %dma_wait3A_346 = arith.constant 1 : i32
          %dma_wait3A_347 = arith.constant 0 : i32
          %dma_wait3A_348 = arith.constant 1 : i32
          %dma_wait3A_349 = arith.constant 0 : i32
          %dma_wait3A_350 = arith.constant 0 : i32
          %dma_wait3A_351 = arith.constant 0 : i32
          %dma_wait3A_352 = tpu.memref_slice %arg18[%dma_wait3A_346, %dma_wait3A_347, %dma_wait3A_350, %dma_wait3A_351] : memref<2x2x128x32xf32, #tpu.memory_space<vmem>> -> memref<1x1x128x32xf32, #tpu.memory_space<vmem>>
          %dma_wait3A_353 = tpu.memref_squeeze %dma_wait3A_352 : memref<1x1x128x32xf32, #tpu.memory_space<vmem>> -> memref<128x32xf32, #tpu.memory_space<vmem>>
          %dma_wait3A_354 = arith.constant 0 : i32
          %dma_wait3A_355 = tpu.memref_slice %arg17[%dma_wait3A_348, %dma_wait3A_349, %dma_wait3A_354] : memref<2x2x128xi32, #tpu.memory_space<vmem>> -> memref<1x1x128xi32, #tpu.memory_space<vmem>>
          %dma_wait3A_356 = tpu.memref_squeeze %dma_wait3A_355 : memref<1x1x128xi32, #tpu.memory_space<vmem>> -> memref<128xi32, #tpu.memory_space<vmem>>
          %dma_wait3A_357 = arith.constant 0 : i32
          %dma_wait3A_358 = arith.constant 0 : i32
          %dma_wait3A_359 = tpu.memref_slice %arg13[%dma_wait3A_357, %dma_wait3A_358] : memref<53248x32xf32, #tpu.memory_space<vmem_shared>> -> memref<53248x32xf32, #tpu.memory_space<vmem_shared>>
          tpu.wait_indirect_dma semaphore(%arg23 : memref<!tpu.dma_semaphore, #tpu.memory_space<semaphore_mem>>) src(%dma_wait3A_353 : memref<128x32xf32, #tpu.memory_space<vmem>>) dst(%dma_wait3A_359 : memref<53248x32xf32, #tpu.memory_space<vmem_shared>>)
          %dma_wait3A_360 = arith.constant 1 : i32
          %dma_wait3A_361 = arith.constant 0 : i32
          %dma_wait3A_362 = arith.constant 0 : i32
          %dma_wait3A_363 = tpu.memref_slice %arg17[%dma_wait3A_360, %dma_wait3A_361, %dma_wait3A_362] : memref<2x2x128xi32, #tpu.memory_space<vmem>> -> memref<1x1x128xi32, #tpu.memory_space<vmem>>
          %dma_wait3A_364 = tpu.memref_squeeze %dma_wait3A_363 : memref<1x1x128xi32, #tpu.memory_space<vmem>> -> memref<128xi32, #tpu.memory_space<vmem>>
          %dma_wait3A_365 = arith.constant 0 : i32
          %dma_wait3A_366 = tpu.memref_slice %arg14[%dma_wait3A_365] : memref<53248xf32, #tpu.memory_space<vmem_shared>> -> memref<53248xf32, #tpu.memory_space<vmem_shared>>
          tpu.wait_indirect_dma semaphore(%arg23 : memref<!tpu.dma_semaphore, #tpu.memory_space<semaphore_mem>>) src(%arg19 : memref<128xf32, #tpu.memory_space<vmem>>) dst(%dma_wait3A_366 : memref<53248xf32, #tpu.memory_space<vmem_shared>>)
          %dma_wait3A_367 = arith.constant 1 : i32
          %dma_wait3A_368 = arith.constant 0 : i32
          %dma_wait3A_369 = arith.constant 0 : i32
          %dma_wait3A_370 = tpu.memref_slice %arg16[%dma_wait3A_367, %dma_wait3A_368, %dma_wait3A_369] : memref<2x2x128xi32, #tpu.memory_space<vmem>> -> memref<1x1x128xi32, #tpu.memory_space<vmem>>
          %dma_wait3A_371 = tpu.memref_squeeze %dma_wait3A_370 : memref<1x1x128xi32, #tpu.memory_space<vmem>> -> memref<128xi32, #tpu.memory_space<vmem>>
          %dma_wait3A_372 = arith.constant 0 : i32
          %dma_wait3A_373 = tpu.memref_slice %arg15[%dma_wait3A_372] : memref<53248xf32, #tpu.memory_space<vmem_shared>> -> memref<53248xf32, #tpu.memory_space<vmem_shared>>
          tpu.wait_indirect_dma semaphore(%arg23 : memref<!tpu.dma_semaphore, #tpu.memory_space<semaphore_mem>>) src(%arg19 : memref<128xf32, #tpu.memory_space<vmem>>) dst(%dma_wait3A_373 : memref<53248xf32, #tpu.memory_space<vmem_shared>>)
          %dma_wait3A_374 = arith.constant 1 : i32
          %dma_wait3A_375 = arith.constant 1 : i32
          %dma_wait3A_376 = arith.constant 1 : i32
          %dma_wait3A_377 = arith.constant 1 : i32
          %dma_wait3A_378 = arith.constant 0 : i32
          %dma_wait3A_379 = arith.constant 0 : i32
          %dma_wait3A_380 = tpu.memref_slice %arg18[%dma_wait3A_374, %dma_wait3A_375, %dma_wait3A_378, %dma_wait3A_379] : memref<2x2x128x32xf32, #tpu.memory_space<vmem>> -> memref<1x1x128x32xf32, #tpu.memory_space<vmem>>
          %dma_wait3A_381 = tpu.memref_squeeze %dma_wait3A_380 : memref<1x1x128x32xf32, #tpu.memory_space<vmem>> -> memref<128x32xf32, #tpu.memory_space<vmem>>
          %dma_wait3A_382 = arith.constant 0 : i32
          %dma_wait3A_383 = tpu.memref_slice %arg17[%dma_wait3A_376, %dma_wait3A_377, %dma_wait3A_382] : memref<2x2x128xi32, #tpu.memory_space<vmem>> -> memref<1x1x128xi32, #tpu.memory_space<vmem>>
          %dma_wait3A_384 = tpu.memref_squeeze %dma_wait3A_383 : memref<1x1x128xi32, #tpu.memory_space<vmem>> -> memref<128xi32, #tpu.memory_space<vmem>>
          %dma_wait3A_385 = arith.constant 0 : i32
          %dma_wait3A_386 = arith.constant 0 : i32
          %dma_wait3A_387 = tpu.memref_slice %arg13[%dma_wait3A_385, %dma_wait3A_386] : memref<53248x32xf32, #tpu.memory_space<vmem_shared>> -> memref<53248x32xf32, #tpu.memory_space<vmem_shared>>
          tpu.wait_indirect_dma semaphore(%arg23 : memref<!tpu.dma_semaphore, #tpu.memory_space<semaphore_mem>>) src(%dma_wait3A_381 : memref<128x32xf32, #tpu.memory_space<vmem>>) dst(%dma_wait3A_387 : memref<53248x32xf32, #tpu.memory_space<vmem_shared>>)
          %dma_wait3A_388 = arith.constant 1 : i32
          %dma_wait3A_389 = arith.constant 1 : i32
          %dma_wait3A_390 = arith.constant 0 : i32
          %dma_wait3A_391 = tpu.memref_slice %arg17[%dma_wait3A_388, %dma_wait3A_389, %dma_wait3A_390] : memref<2x2x128xi32, #tpu.memory_space<vmem>> -> memref<1x1x128xi32, #tpu.memory_space<vmem>>
          %dma_wait3A_392 = tpu.memref_squeeze %dma_wait3A_391 : memref<1x1x128xi32, #tpu.memory_space<vmem>> -> memref<128xi32, #tpu.memory_space<vmem>>
          %dma_wait3A_393 = arith.constant 0 : i32
          %dma_wait3A_394 = tpu.memref_slice %arg14[%dma_wait3A_393] : memref<53248xf32, #tpu.memory_space<vmem_shared>> -> memref<53248xf32, #tpu.memory_space<vmem_shared>>
          tpu.wait_indirect_dma semaphore(%arg23 : memref<!tpu.dma_semaphore, #tpu.memory_space<semaphore_mem>>) src(%arg19 : memref<128xf32, #tpu.memory_space<vmem>>) dst(%dma_wait3A_394 : memref<53248xf32, #tpu.memory_space<vmem_shared>>)
          %dma_wait3A_395 = arith.constant 1 : i32
          %dma_wait3A_396 = arith.constant 1 : i32
          %dma_wait3A_397 = arith.constant 0 : i32
          %dma_wait3A_398 = tpu.memref_slice %arg16[%dma_wait3A_395, %dma_wait3A_396, %dma_wait3A_397] : memref<2x2x128xi32, #tpu.memory_space<vmem>> -> memref<1x1x128xi32, #tpu.memory_space<vmem>>
          %dma_wait3A_399 = tpu.memref_squeeze %dma_wait3A_398 : memref<1x1x128xi32, #tpu.memory_space<vmem>> -> memref<128xi32, #tpu.memory_space<vmem>>
          %dma_wait3A_400 = arith.constant 0 : i32
          %dma_wait3A_401 = tpu.memref_slice %arg15[%dma_wait3A_400] : memref<53248xf32, #tpu.memory_space<vmem_shared>> -> memref<53248xf32, #tpu.memory_space<vmem_shared>>
          tpu.wait_indirect_dma semaphore(%arg23 : memref<!tpu.dma_semaphore, #tpu.memory_space<semaphore_mem>>) src(%arg19 : memref<128xf32, #tpu.memory_space<vmem>>) dst(%dma_wait3A_401 : memref<53248xf32, #tpu.memory_space<vmem_shared>>)
        } else {
        }
        %mul3A_307 = arith.constant 2 : i32
        %mul3A_308 = arith.muli %add3A_301, %mul3A_307 : i32
        %run_scoped3A_309 = arith.constant 1 : i32
        "tpu.region"() ({
          %run_scoped3A_346 = tpu.sem_alloc : memref<!tpu.dma_semaphore, #tpu.memory_space<semaphore_mem>>
          %dma_start3A_347 = arith.constant 0 : i32
          %dma_start3A_348 = arith.constant 0 : i32
          %dma_start3A_349 = tpu.memref_slice %arg16[%run_scoped3A_309, %dma_start3A_347, %dma_start3A_348] : memref<2x2x128xi32, #tpu.memory_space<vmem>> -> memref<1x2x128xi32, #tpu.memory_space<vmem>>
          %dma_start3A_350 = tpu.memref_squeeze %dma_start3A_349 : memref<1x2x128xi32, #tpu.memory_space<vmem>> -> memref<2x128xi32, #tpu.memory_space<vmem>>
          %dma_start3A_351 = arith.constant 0 : i32
          %dma_start3A_352 = tpu.memref_slice %arg2[%arg1, %mul3A_308, %dma_start3A_351] : memref<16x392x128xi32, #tpu.memory_space<hbm>> -> memref<1x2x128xi32, #tpu.memory_space<hbm>>
          %dma_start3A_353 = tpu.memref_squeeze %dma_start3A_352 : memref<1x2x128xi32, #tpu.memory_space<hbm>> -> memref<2x128xi32, #tpu.memory_space<hbm>>
          %dma_start3A_354 = arith.constant 0 : i32
          %dma_start3A_355 = arith.constant 0 : i32
          %dma_start3A_356 = tpu.memref_slice %arg16[%run_scoped3A_309, %dma_start3A_354, %dma_start3A_355] : memref<2x2x128xi32, #tpu.memory_space<vmem>> -> memref<1x2x128xi32, #tpu.memory_space<vmem>>
          %dma_start3A_357 = tpu.memref_squeeze %dma_start3A_356 : memref<1x2x128xi32, #tpu.memory_space<vmem>> -> memref<2x128xi32, #tpu.memory_space<vmem>>
          %dma_start3A_358 = arith.constant 0 : i32
          %dma_start3A_359 = tpu.memref_slice %arg2[%arg1, %mul3A_308, %dma_start3A_358] : memref<16x392x128xi32, #tpu.memory_space<hbm>> -> memref<1x2x128xi32, #tpu.memory_space<hbm>>
          %dma_start3A_360 = tpu.memref_squeeze %dma_start3A_359 : memref<1x2x128xi32, #tpu.memory_space<hbm>> -> memref<2x128xi32, #tpu.memory_space<hbm>>
          tpu.enqueue_dma source(%dma_start3A_360 : memref<2x128xi32, #tpu.memory_space<hbm>>) target(%dma_start3A_357 : memref<2x128xi32, #tpu.memory_space<vmem>>) target_semaphore(%run_scoped3A_346 : memref<!tpu.dma_semaphore, #tpu.memory_space<semaphore_mem>>)
          %dma_wait3A_361 = arith.constant 0 : i32
          %dma_wait3A_362 = arith.constant 0 : i32
          %dma_wait3A_363 = tpu.memref_slice %arg16[%run_scoped3A_309, %dma_wait3A_361, %dma_wait3A_362] : memref<2x2x128xi32, #tpu.memory_space<vmem>> -> memref<1x2x128xi32, #tpu.memory_space<vmem>>
          %dma_wait3A_364 = tpu.memref_squeeze %dma_wait3A_363 : memref<1x2x128xi32, #tpu.memory_space<vmem>> -> memref<2x128xi32, #tpu.memory_space<vmem>>
          %dma_wait3A_365 = arith.constant 0 : i32
          %dma_wait3A_366 = tpu.memref_slice %arg2[%arg1, %mul3A_308, %dma_wait3A_365] : memref<16x392x128xi32, #tpu.memory_space<hbm>> -> memref<1x2x128xi32, #tpu.memory_space<hbm>>
          %dma_wait3A_367 = tpu.memref_squeeze %dma_wait3A_366 : memref<1x2x128xi32, #tpu.memory_space<hbm>> -> memref<2x128xi32, #tpu.memory_space<hbm>>
          %dma_wait3A_368 = arith.constant 0 : i32
          %dma_wait3A_369 = arith.constant 0 : i32
          %dma_wait3A_370 = tpu.memref_slice %arg16[%run_scoped3A_309, %dma_wait3A_368, %dma_wait3A_369] : memref<2x2x128xi32, #tpu.memory_space<vmem>> -> memref<1x2x128xi32, #tpu.memory_space<vmem>>
          %dma_wait3A_371 = tpu.memref_squeeze %dma_wait3A_370 : memref<1x2x128xi32, #tpu.memory_space<vmem>> -> memref<2x128xi32, #tpu.memory_space<vmem>>
          %dma_wait3A_372 = arith.constant 0 : i32
          %dma_wait3A_373 = tpu.memref_slice %arg2[%arg1, %mul3A_308, %dma_wait3A_372] : memref<16x392x128xi32, #tpu.memory_space<hbm>> -> memref<1x2x128xi32, #tpu.memory_space<hbm>>
          %dma_wait3A_374 = tpu.memref_squeeze %dma_wait3A_373 : memref<1x2x128xi32, #tpu.memory_space<hbm>> -> memref<2x128xi32, #tpu.memory_space<hbm>>
          tpu.wait_dma2 semaphore(%run_scoped3A_346 : memref<!tpu.dma_semaphore, #tpu.memory_space<semaphore_mem>>) src(%dma_wait3A_374 : memref<2x128xi32, #tpu.memory_space<hbm>>) dst(%dma_wait3A_371 : memref<2x128xi32, #tpu.memory_space<vmem>>)
          tpu.yield
        }) : () -> ()
        %mul3A_310 = arith.constant 2 : i32
        %mul3A_311 = arith.muli %add3A_301, %mul3A_310 : i32
        %run_scoped3A_312 = arith.constant 1 : i32
        "tpu.region"() ({
          %run_scoped3A_346 = tpu.sem_alloc : memref<!tpu.dma_semaphore, #tpu.memory_space<semaphore_mem>>
          %dma_start3A_347 = arith.constant 0 : i32
          %dma_start3A_348 = arith.constant 0 : i32
          %dma_start3A_349 = tpu.memref_slice %arg17[%run_scoped3A_312, %dma_start3A_347, %dma_start3A_348] : memref<2x2x128xi32, #tpu.memory_space<vmem>> -> memref<1x2x128xi32, #tpu.memory_space<vmem>>
          %dma_start3A_350 = tpu.memref_squeeze %dma_start3A_349 : memref<1x2x128xi32, #tpu.memory_space<vmem>> -> memref<2x128xi32, #tpu.memory_space<vmem>>
          %dma_start3A_351 = arith.constant 0 : i32
          %dma_start3A_352 = tpu.memref_slice %arg3[%arg1, %mul3A_311, %dma_start3A_351] : memref<16x392x128xi32, #tpu.memory_space<hbm>> -> memref<1x2x128xi32, #tpu.memory_space<hbm>>
          %dma_start3A_353 = tpu.memref_squeeze %dma_start3A_352 : memref<1x2x128xi32, #tpu.memory_space<hbm>> -> memref<2x128xi32, #tpu.memory_space<hbm>>
          %dma_start3A_354 = arith.constant 0 : i32
          %dma_start3A_355 = arith.constant 0 : i32
          %dma_start3A_356 = tpu.memref_slice %arg17[%run_scoped3A_312, %dma_start3A_354, %dma_start3A_355] : memref<2x2x128xi32, #tpu.memory_space<vmem>> -> memref<1x2x128xi32, #tpu.memory_space<vmem>>
          %dma_start3A_357 = tpu.memref_squeeze %dma_start3A_356 : memref<1x2x128xi32, #tpu.memory_space<vmem>> -> memref<2x128xi32, #tpu.memory_space<vmem>>
          %dma_start3A_358 = arith.constant 0 : i32
          %dma_start3A_359 = tpu.memref_slice %arg3[%arg1, %mul3A_311, %dma_start3A_358] : memref<16x392x128xi32, #tpu.memory_space<hbm>> -> memref<1x2x128xi32, #tpu.memory_space<hbm>>
          %dma_start3A_360 = tpu.memref_squeeze %dma_start3A_359 : memref<1x2x128xi32, #tpu.memory_space<hbm>> -> memref<2x128xi32, #tpu.memory_space<hbm>>
          tpu.enqueue_dma source(%dma_start3A_360 : memref<2x128xi32, #tpu.memory_space<hbm>>) target(%dma_start3A_357 : memref<2x128xi32, #tpu.memory_space<vmem>>) target_semaphore(%run_scoped3A_346 : memref<!tpu.dma_semaphore, #tpu.memory_space<semaphore_mem>>)
          %dma_wait3A_361 = arith.constant 0 : i32
          %dma_wait3A_362 = arith.constant 0 : i32
          %dma_wait3A_363 = tpu.memref_slice %arg17[%run_scoped3A_312, %dma_wait3A_361, %dma_wait3A_362] : memref<2x2x128xi32, #tpu.memory_space<vmem>> -> memref<1x2x128xi32, #tpu.memory_space<vmem>>
          %dma_wait3A_364 = tpu.memref_squeeze %dma_wait3A_363 : memref<1x2x128xi32, #tpu.memory_space<vmem>> -> memref<2x128xi32, #tpu.memory_space<vmem>>
          %dma_wait3A_365 = arith.constant 0 : i32
          %dma_wait3A_366 = tpu.memref_slice %arg3[%arg1, %mul3A_311, %dma_wait3A_365] : memref<16x392x128xi32, #tpu.memory_space<hbm>> -> memref<1x2x128xi32, #tpu.memory_space<hbm>>
          %dma_wait3A_367 = tpu.memref_squeeze %dma_wait3A_366 : memref<1x2x128xi32, #tpu.memory_space<hbm>> -> memref<2x128xi32, #tpu.memory_space<hbm>>
          %dma_wait3A_368 = arith.constant 0 : i32
          %dma_wait3A_369 = arith.constant 0 : i32
          %dma_wait3A_370 = tpu.memref_slice %arg17[%run_scoped3A_312, %dma_wait3A_368, %dma_wait3A_369] : memref<2x2x128xi32, #tpu.memory_space<vmem>> -> memref<1x2x128xi32, #tpu.memory_space<vmem>>
          %dma_wait3A_371 = tpu.memref_squeeze %dma_wait3A_370 : memref<1x2x128xi32, #tpu.memory_space<vmem>> -> memref<2x128xi32, #tpu.memory_space<vmem>>
          %dma_wait3A_372 = arith.constant 0 : i32
          %dma_wait3A_373 = tpu.memref_slice %arg3[%arg1, %mul3A_311, %dma_wait3A_372] : memref<16x392x128xi32, #tpu.memory_space<hbm>> -> memref<1x2x128xi32, #tpu.memory_space<hbm>>
          %dma_wait3A_374 = tpu.memref_squeeze %dma_wait3A_373 : memref<1x2x128xi32, #tpu.memory_space<hbm>> -> memref<2x128xi32, #tpu.memory_space<hbm>>
          tpu.wait_dma2 semaphore(%run_scoped3A_346 : memref<!tpu.dma_semaphore, #tpu.memory_space<semaphore_mem>>) src(%dma_wait3A_374 : memref<2x128xi32, #tpu.memory_space<hbm>>) dst(%dma_wait3A_371 : memref<2x128xi32, #tpu.memory_space<vmem>>)
          tpu.yield
        }) : () -> ()
        %dma_start3A_313 = arith.constant 1 : i32
        %dma_start3A_314 = arith.constant 0 : i32
        %dma_start3A_315 = arith.constant 1 : i32
        %dma_start3A_316 = arith.constant 0 : i32
        %dma_start3A_317 = arith.constant 0 : i32
        %dma_start3A_318 = arith.constant 0 : i32
        %dma_start3A_319 = tpu.memref_slice %arg18[%dma_start3A_315, %dma_start3A_316, %dma_start3A_317, %dma_start3A_318] : memref<2x2x128x32xf32, #tpu.memory_space<vmem>> -> memref<1x1x128x32xf32, #tpu.memory_space<vmem>>
        %dma_start3A_320 = tpu.memref_squeeze %dma_start3A_319 : memref<1x1x128x32xf32, #tpu.memory_space<vmem>> -> memref<128x32xf32, #tpu.memory_space<vmem>>
        %dma_start3A_321 = arith.constant 0 : i32
        %dma_start3A_322 = tpu.memref_slice %arg16[%dma_start3A_313, %dma_start3A_314, %dma_start3A_321] : memref<2x2x128xi32, #tpu.memory_space<vmem>> -> memref<1x1x128xi32, #tpu.memory_space<vmem>>
        %dma_start3A_323 = tpu.memref_squeeze %dma_start3A_322 : memref<1x1x128xi32, #tpu.memory_space<vmem>> -> memref<128xi32, #tpu.memory_space<vmem>>
        %dma_start3A_324 = arith.constant 0 : i32
        %dma_start3A_325 = arith.constant 0 : i32
        %dma_start3A_326 = tpu.memref_slice %arg4[%dma_start3A_324, %dma_start3A_325] : memref<53248x32xf32, #tpu.memory_space<hbm>> -> memref<53248x32xf32, #tpu.memory_space<hbm>>
        tpu.enqueue_indirect_dma source(%dma_start3A_326 : memref<53248x32xf32, #tpu.memory_space<hbm>>) target(%dma_start3A_320 : memref<128x32xf32, #tpu.memory_space<vmem>>) offsets(%dma_start3A_323 : memref<128xi32, #tpu.memory_space<vmem>>) semaphore(%arg21 : memref<!tpu.dma_semaphore, #tpu.memory_space<semaphore_mem>>)
        %dma_start3A_327 = arith.constant 1 : i32
        %dma_start3A_328 = arith.constant 1 : i32
        %dma_start3A_329 = arith.constant 1 : i32
        %dma_start3A_330 = arith.constant 1 : i32
        %dma_start3A_331 = arith.constant 0 : i32
        %dma_start3A_332 = arith.constant 0 : i32
        %dma_start3A_333 = tpu.memref_slice %arg18[%dma_start3A_329, %dma_start3A_330, %dma_start3A_331, %dma_start3A_332] : memref<2x2x128x32xf32, #tpu.memory_space<vmem>> -> memref<1x1x128x32xf32, #tpu.memory_space<vmem>>
        %dma_start3A_334 = tpu.memref_squeeze %dma_start3A_333 : memref<1x1x128x32xf32, #tpu.memory_space<vmem>> -> memref<128x32xf32, #tpu.memory_space<vmem>>
        %dma_start3A_335 = arith.constant 0 : i32
        %dma_start3A_336 = tpu.memref_slice %arg16[%dma_start3A_327, %dma_start3A_328, %dma_start3A_335] : memref<2x2x128xi32, #tpu.memory_space<vmem>> -> memref<1x1x128xi32, #tpu.memory_space<vmem>>
        %dma_start3A_337 = tpu.memref_squeeze %dma_start3A_336 : memref<1x1x128xi32, #tpu.memory_space<vmem>> -> memref<128xi32, #tpu.memory_space<vmem>>
        %dma_start3A_338 = arith.constant 0 : i32
        %dma_start3A_339 = arith.constant 0 : i32
        %dma_start3A_340 = tpu.memref_slice %arg4[%dma_start3A_338, %dma_start3A_339] : memref<53248x32xf32, #tpu.memory_space<hbm>> -> memref<53248x32xf32, #tpu.memory_space<hbm>>
        tpu.enqueue_indirect_dma source(%dma_start3A_340 : memref<53248x32xf32, #tpu.memory_space<hbm>>) target(%dma_start3A_334 : memref<128x32xf32, #tpu.memory_space<vmem>>) offsets(%dma_start3A_337 : memref<128xi32, #tpu.memory_space<vmem>>) semaphore(%arg21 : memref<!tpu.dma_semaphore, #tpu.memory_space<semaphore_mem>>)
        %ge3A_341 = arith.constant 1 : i32
        %ge3A_342 = arith.cmpi sge, %add3A_301, %ge3A_341 : i32
        %convert_element_type3A_343 = arith.extui %ge3A_342 : i1 to i32
        %cond3A_344 = arith.constant 0 : i32
        %cond3A_345 = arith.cmpi ne, %convert_element_type3A_343, %cond3A_344 : i32
        scf.if %cond3A_345 {
          %dma_wait3A_346 = arith.constant 0 : i32
          %dma_wait3A_347 = arith.constant 0 : i32
          %dma_wait3A_348 = arith.constant 0 : i32
          %dma_wait3A_349 = arith.constant 0 : i32
          %dma_wait3A_350 = arith.constant 0 : i32
          %dma_wait3A_351 = arith.constant 0 : i32
          %dma_wait3A_352 = tpu.memref_slice %arg18[%dma_wait3A_348, %dma_wait3A_349, %dma_wait3A_350, %dma_wait3A_351] : memref<2x2x128x32xf32, #tpu.memory_space<vmem>> -> memref<1x1x128x32xf32, #tpu.memory_space<vmem>>
          %dma_wait3A_353 = tpu.memref_squeeze %dma_wait3A_352 : memref<1x1x128x32xf32, #tpu.memory_space<vmem>> -> memref<128x32xf32, #tpu.memory_space<vmem>>
          %dma_wait3A_354 = arith.constant 0 : i32
          %dma_wait3A_355 = tpu.memref_slice %arg16[%dma_wait3A_346, %dma_wait3A_347, %dma_wait3A_354] : memref<2x2x128xi32, #tpu.memory_space<vmem>> -> memref<1x1x128xi32, #tpu.memory_space<vmem>>
          %dma_wait3A_356 = tpu.memref_squeeze %dma_wait3A_355 : memref<1x1x128xi32, #tpu.memory_space<vmem>> -> memref<128xi32, #tpu.memory_space<vmem>>
          %dma_wait3A_357 = arith.constant 0 : i32
          %dma_wait3A_358 = arith.constant 0 : i32
          %dma_wait3A_359 = tpu.memref_slice %arg4[%dma_wait3A_357, %dma_wait3A_358] : memref<53248x32xf32, #tpu.memory_space<hbm>> -> memref<53248x32xf32, #tpu.memory_space<hbm>>
          tpu.wait_indirect_dma semaphore(%arg20 : memref<!tpu.dma_semaphore, #tpu.memory_space<semaphore_mem>>) src(%dma_wait3A_359 : memref<53248x32xf32, #tpu.memory_space<hbm>>) dst(%dma_wait3A_353 : memref<128x32xf32, #tpu.memory_space<vmem>>)
          %dma_wait3A_360 = arith.constant 0 : i32
          %dma_wait3A_361 = arith.constant 1 : i32
          %dma_wait3A_362 = arith.constant 0 : i32
          %dma_wait3A_363 = arith.constant 1 : i32
          %dma_wait3A_364 = arith.constant 0 : i32
          %dma_wait3A_365 = arith.constant 0 : i32
          %dma_wait3A_366 = tpu.memref_slice %arg18[%dma_wait3A_362, %dma_wait3A_363, %dma_wait3A_364, %dma_wait3A_365] : memref<2x2x128x32xf32, #tpu.memory_space<vmem>> -> memref<1x1x128x32xf32, #tpu.memory_space<vmem>>
          %dma_wait3A_367 = tpu.memref_squeeze %dma_wait3A_366 : memref<1x1x128x32xf32, #tpu.memory_space<vmem>> -> memref<128x32xf32, #tpu.memory_space<vmem>>
          %dma_wait3A_368 = arith.constant 0 : i32
          %dma_wait3A_369 = tpu.memref_slice %arg16[%dma_wait3A_360, %dma_wait3A_361, %dma_wait3A_368] : memref<2x2x128xi32, #tpu.memory_space<vmem>> -> memref<1x1x128xi32, #tpu.memory_space<vmem>>
          %dma_wait3A_370 = tpu.memref_squeeze %dma_wait3A_369 : memref<1x1x128xi32, #tpu.memory_space<vmem>> -> memref<128xi32, #tpu.memory_space<vmem>>
          %dma_wait3A_371 = arith.constant 0 : i32
          %dma_wait3A_372 = arith.constant 0 : i32
          %dma_wait3A_373 = tpu.memref_slice %arg4[%dma_wait3A_371, %dma_wait3A_372] : memref<53248x32xf32, #tpu.memory_space<hbm>> -> memref<53248x32xf32, #tpu.memory_space<hbm>>
          tpu.wait_indirect_dma semaphore(%arg20 : memref<!tpu.dma_semaphore, #tpu.memory_space<semaphore_mem>>) src(%dma_wait3A_373 : memref<53248x32xf32, #tpu.memory_space<hbm>>) dst(%dma_wait3A_367 : memref<128x32xf32, #tpu.memory_space<vmem>>)
          %dma_start3A_374 = arith.constant 0 : i32
          %dma_start3A_375 = arith.constant 0 : i32
          %dma_start3A_376 = arith.constant 0 : i32
          %dma_start3A_377 = arith.constant 0 : i32
          %dma_start3A_378 = arith.constant 0 : i32
          %dma_start3A_379 = arith.constant 0 : i32
          %dma_start3A_380 = tpu.memref_slice %arg18[%dma_start3A_374, %dma_start3A_375, %dma_start3A_378, %dma_start3A_379] : memref<2x2x128x32xf32, #tpu.memory_space<vmem>> -> memref<1x1x128x32xf32, #tpu.memory_space<vmem>>
          %dma_start3A_381 = tpu.memref_squeeze %dma_start3A_380 : memref<1x1x128x32xf32, #tpu.memory_space<vmem>> -> memref<128x32xf32, #tpu.memory_space<vmem>>
          %dma_start3A_382 = arith.constant 0 : i32
          %dma_start3A_383 = tpu.memref_slice %arg17[%dma_start3A_376, %dma_start3A_377, %dma_start3A_382] : memref<2x2x128xi32, #tpu.memory_space<vmem>> -> memref<1x1x128xi32, #tpu.memory_space<vmem>>
          %dma_start3A_384 = tpu.memref_squeeze %dma_start3A_383 : memref<1x1x128xi32, #tpu.memory_space<vmem>> -> memref<128xi32, #tpu.memory_space<vmem>>
          %dma_start3A_385 = arith.constant 0 : i32
          %dma_start3A_386 = arith.constant 0 : i32
          %dma_start3A_387 = tpu.memref_slice %arg13[%dma_start3A_385, %dma_start3A_386] : memref<53248x32xf32, #tpu.memory_space<vmem_shared>> -> memref<53248x32xf32, #tpu.memory_space<vmem_shared>>
          tpu.enqueue_indirect_dma source(%dma_start3A_381 : memref<128x32xf32, #tpu.memory_space<vmem>>) target(%dma_start3A_387 : memref<53248x32xf32, #tpu.memory_space<vmem_shared>>) offsets(%dma_start3A_384 : memref<128xi32, #tpu.memory_space<vmem>>) semaphore(%arg22 : memref<!tpu.dma_semaphore, #tpu.memory_space<semaphore_mem>>) {add = true}
          %dma_start3A_388 = arith.constant 0 : i32
          %dma_start3A_389 = arith.constant 0 : i32
          %dma_start3A_390 = arith.constant 0 : i32
          %dma_start3A_391 = tpu.memref_slice %arg17[%dma_start3A_388, %dma_start3A_389, %dma_start3A_390] : memref<2x2x128xi32, #tpu.memory_space<vmem>> -> memref<1x1x128xi32, #tpu.memory_space<vmem>>
          %dma_start3A_392 = tpu.memref_squeeze %dma_start3A_391 : memref<1x1x128xi32, #tpu.memory_space<vmem>> -> memref<128xi32, #tpu.memory_space<vmem>>
          %dma_start3A_393 = arith.constant 0 : i32
          %dma_start3A_394 = tpu.memref_slice %arg14[%dma_start3A_393] : memref<53248xf32, #tpu.memory_space<vmem_shared>> -> memref<53248xf32, #tpu.memory_space<vmem_shared>>
          tpu.enqueue_indirect_dma source(%arg19 : memref<128xf32, #tpu.memory_space<vmem>>) target(%dma_start3A_394 : memref<53248xf32, #tpu.memory_space<vmem_shared>>) offsets(%dma_start3A_392 : memref<128xi32, #tpu.memory_space<vmem>>) semaphore(%arg22 : memref<!tpu.dma_semaphore, #tpu.memory_space<semaphore_mem>>) {add = true}
          %dma_start3A_395 = arith.constant 0 : i32
          %dma_start3A_396 = arith.constant 0 : i32
          %dma_start3A_397 = arith.constant 0 : i32
          %dma_start3A_398 = tpu.memref_slice %arg16[%dma_start3A_395, %dma_start3A_396, %dma_start3A_397] : memref<2x2x128xi32, #tpu.memory_space<vmem>> -> memref<1x1x128xi32, #tpu.memory_space<vmem>>
          %dma_start3A_399 = tpu.memref_squeeze %dma_start3A_398 : memref<1x1x128xi32, #tpu.memory_space<vmem>> -> memref<128xi32, #tpu.memory_space<vmem>>
          %dma_start3A_400 = arith.constant 0 : i32
          %dma_start3A_401 = tpu.memref_slice %arg15[%dma_start3A_400] : memref<53248xf32, #tpu.memory_space<vmem_shared>> -> memref<53248xf32, #tpu.memory_space<vmem_shared>>
          tpu.enqueue_indirect_dma source(%arg19 : memref<128xf32, #tpu.memory_space<vmem>>) target(%dma_start3A_401 : memref<53248xf32, #tpu.memory_space<vmem_shared>>) offsets(%dma_start3A_399 : memref<128xi32, #tpu.memory_space<vmem>>) semaphore(%arg22 : memref<!tpu.dma_semaphore, #tpu.memory_space<semaphore_mem>>) {add = true}
          %dma_start3A_402 = arith.constant 0 : i32
          %dma_start3A_403 = arith.constant 1 : i32
          %dma_start3A_404 = arith.constant 0 : i32
          %dma_start3A_405 = arith.constant 1 : i32
          %dma_start3A_406 = arith.constant 0 : i32
          %dma_start3A_407 = arith.constant 0 : i32
          %dma_start3A_408 = tpu.memref_slice %arg18[%dma_start3A_402, %dma_start3A_403, %dma_start3A_406, %dma_start3A_407] : memref<2x2x128x32xf32, #tpu.memory_space<vmem>> -> memref<1x1x128x32xf32, #tpu.memory_space<vmem>>
          %dma_start3A_409 = tpu.memref_squeeze %dma_start3A_408 : memref<1x1x128x32xf32, #tpu.memory_space<vmem>> -> memref<128x32xf32, #tpu.memory_space<vmem>>
          %dma_start3A_410 = arith.constant 0 : i32
          %dma_start3A_411 = tpu.memref_slice %arg17[%dma_start3A_404, %dma_start3A_405, %dma_start3A_410] : memref<2x2x128xi32, #tpu.memory_space<vmem>> -> memref<1x1x128xi32, #tpu.memory_space<vmem>>
          %dma_start3A_412 = tpu.memref_squeeze %dma_start3A_411 : memref<1x1x128xi32, #tpu.memory_space<vmem>> -> memref<128xi32, #tpu.memory_space<vmem>>
          %dma_start3A_413 = arith.constant 0 : i32
          %dma_start3A_414 = arith.constant 0 : i32
          %dma_start3A_415 = tpu.memref_slice %arg13[%dma_start3A_413, %dma_start3A_414] : memref<53248x32xf32, #tpu.memory_space<vmem_shared>> -> memref<53248x32xf32, #tpu.memory_space<vmem_shared>>
          tpu.enqueue_indirect_dma source(%dma_start3A_409 : memref<128x32xf32, #tpu.memory_space<vmem>>) target(%dma_start3A_415 : memref<53248x32xf32, #tpu.memory_space<vmem_shared>>) offsets(%dma_start3A_412 : memref<128xi32, #tpu.memory_space<vmem>>) semaphore(%arg22 : memref<!tpu.dma_semaphore, #tpu.memory_space<semaphore_mem>>) {add = true}
          %dma_start3A_416 = arith.constant 0 : i32
          %dma_start3A_417 = arith.constant 1 : i32
          %dma_start3A_418 = arith.constant 0 : i32
          %dma_start3A_419 = tpu.memref_slice %arg17[%dma_start3A_416, %dma_start3A_417, %dma_start3A_418] : memref<2x2x128xi32, #tpu.memory_space<vmem>> -> memref<1x1x128xi32, #tpu.memory_space<vmem>>
          %dma_start3A_420 = tpu.memref_squeeze %dma_start3A_419 : memref<1x1x128xi32, #tpu.memory_space<vmem>> -> memref<128xi32, #tpu.memory_space<vmem>>
          %dma_start3A_421 = arith.constant 0 : i32
          %dma_start3A_422 = tpu.memref_slice %arg14[%dma_start3A_421] : memref<53248xf32, #tpu.memory_space<vmem_shared>> -> memref<53248xf32, #tpu.memory_space<vmem_shared>>
          tpu.enqueue_indirect_dma source(%arg19 : memref<128xf32, #tpu.memory_space<vmem>>) target(%dma_start3A_422 : memref<53248xf32, #tpu.memory_space<vmem_shared>>) offsets(%dma_start3A_420 : memref<128xi32, #tpu.memory_space<vmem>>) semaphore(%arg22 : memref<!tpu.dma_semaphore, #tpu.memory_space<semaphore_mem>>) {add = true}
          %dma_start3A_423 = arith.constant 0 : i32
          %dma_start3A_424 = arith.constant 1 : i32
          %dma_start3A_425 = arith.constant 0 : i32
          %dma_start3A_426 = tpu.memref_slice %arg16[%dma_start3A_423, %dma_start3A_424, %dma_start3A_425] : memref<2x2x128xi32, #tpu.memory_space<vmem>> -> memref<1x1x128xi32, #tpu.memory_space<vmem>>
          %dma_start3A_427 = tpu.memref_squeeze %dma_start3A_426 : memref<1x1x128xi32, #tpu.memory_space<vmem>> -> memref<128xi32, #tpu.memory_space<vmem>>
          %dma_start3A_428 = arith.constant 0 : i32
          %dma_start3A_429 = tpu.memref_slice %arg15[%dma_start3A_428] : memref<53248xf32, #tpu.memory_space<vmem_shared>> -> memref<53248xf32, #tpu.memory_space<vmem_shared>>
          tpu.enqueue_indirect_dma source(%arg19 : memref<128xf32, #tpu.memory_space<vmem>>) target(%dma_start3A_429 : memref<53248xf32, #tpu.memory_space<vmem_shared>>) offsets(%dma_start3A_427 : memref<128xi32, #tpu.memory_space<vmem>>) semaphore(%arg22 : memref<!tpu.dma_semaphore, #tpu.memory_space<semaphore_mem>>) {add = true}
        } else {
        }
      }
      %scan3A_59 = arith.constant 98 : i32
      %dma_wait3A = arith.constant 1 : i32
      %dma_wait3A_60 = arith.constant 0 : i32
      %dma_wait3A_61 = arith.constant 1 : i32
      %dma_wait3A_62 = arith.constant 0 : i32
      %dma_wait3A_63 = arith.constant 0 : i32
      %dma_wait3A_64 = arith.constant 0 : i32
      %dma_wait3A_65 = tpu.memref_slice %arg18[%dma_wait3A_61, %dma_wait3A_62, %dma_wait3A_63, %dma_wait3A_64] : memref<2x2x128x32xf32, #tpu.memory_space<vmem>> -> memref<1x1x128x32xf32, #tpu.memory_space<vmem>>
      %dma_wait3A_66 = tpu.memref_squeeze %dma_wait3A_65 : memref<1x1x128x32xf32, #tpu.memory_space<vmem>> -> memref<128x32xf32, #tpu.memory_space<vmem>>
      %dma_wait3A_67 = arith.constant 0 : i32
      %dma_wait3A_68 = tpu.memref_slice %arg16[%dma_wait3A, %dma_wait3A_60, %dma_wait3A_67] : memref<2x2x128xi32, #tpu.memory_space<vmem>> -> memref<1x1x128xi32, #tpu.memory_space<vmem>>
      %dma_wait3A_69 = tpu.memref_squeeze %dma_wait3A_68 : memref<1x1x128xi32, #tpu.memory_space<vmem>> -> memref<128xi32, #tpu.memory_space<vmem>>
      %dma_wait3A_70 = arith.constant 0 : i32
      %dma_wait3A_71 = arith.constant 0 : i32
      %dma_wait3A_72 = tpu.memref_slice %arg4[%dma_wait3A_70, %dma_wait3A_71] : memref<53248x32xf32, #tpu.memory_space<hbm>> -> memref<53248x32xf32, #tpu.memory_space<hbm>>
      tpu.wait_indirect_dma semaphore(%arg21 : memref<!tpu.dma_semaphore, #tpu.memory_space<semaphore_mem>>) src(%dma_wait3A_72 : memref<53248x32xf32, #tpu.memory_space<hbm>>) dst(%dma_wait3A_66 : memref<128x32xf32, #tpu.memory_space<vmem>>)
      %dma_wait3A_73 = arith.constant 1 : i32
      %dma_wait3A_74 = arith.constant 1 : i32
      %dma_wait3A_75 = arith.constant 1 : i32
      %dma_wait3A_76 = arith.constant 1 : i32
      %dma_wait3A_77 = arith.constant 0 : i32
      %dma_wait3A_78 = arith.constant 0 : i32
      %dma_wait3A_79 = tpu.memref_slice %arg18[%dma_wait3A_75, %dma_wait3A_76, %dma_wait3A_77, %dma_wait3A_78] : memref<2x2x128x32xf32, #tpu.memory_space<vmem>> -> memref<1x1x128x32xf32, #tpu.memory_space<vmem>>
      %dma_wait3A_80 = tpu.memref_squeeze %dma_wait3A_79 : memref<1x1x128x32xf32, #tpu.memory_space<vmem>> -> memref<128x32xf32, #tpu.memory_space<vmem>>
      %dma_wait3A_81 = arith.constant 0 : i32
      %dma_wait3A_82 = tpu.memref_slice %arg16[%dma_wait3A_73, %dma_wait3A_74, %dma_wait3A_81] : memref<2x2x128xi32, #tpu.memory_space<vmem>> -> memref<1x1x128xi32, #tpu.memory_space<vmem>>
      %dma_wait3A_83 = tpu.memref_squeeze %dma_wait3A_82 : memref<1x1x128xi32, #tpu.memory_space<vmem>> -> memref<128xi32, #tpu.memory_space<vmem>>
      %dma_wait3A_84 = arith.constant 0 : i32
      %dma_wait3A_85 = arith.constant 0 : i32
      %dma_wait3A_86 = tpu.memref_slice %arg4[%dma_wait3A_84, %dma_wait3A_85] : memref<53248x32xf32, #tpu.memory_space<hbm>> -> memref<53248x32xf32, #tpu.memory_space<hbm>>
      tpu.wait_indirect_dma semaphore(%arg21 : memref<!tpu.dma_semaphore, #tpu.memory_space<semaphore_mem>>) src(%dma_wait3A_86 : memref<53248x32xf32, #tpu.memory_space<hbm>>) dst(%dma_wait3A_80 : memref<128x32xf32, #tpu.memory_space<vmem>>)
      %dma_start3A = arith.constant 1 : i32
      %dma_start3A_87 = arith.constant 0 : i32
      %dma_start3A_88 = arith.constant 1 : i32
      %dma_start3A_89 = arith.constant 0 : i32
      %dma_start3A_90 = arith.constant 0 : i32
      %dma_start3A_91 = arith.constant 0 : i32
      %dma_start3A_92 = tpu.memref_slice %arg18[%dma_start3A, %dma_start3A_87, %dma_start3A_90, %dma_start3A_91] : memref<2x2x128x32xf32, #tpu.memory_space<vmem>> -> memref<1x1x128x32xf32, #tpu.memory_space<vmem>>
      %dma_start3A_93 = tpu.memref_squeeze %dma_start3A_92 : memref<1x1x128x32xf32, #tpu.memory_space<vmem>> -> memref<128x32xf32, #tpu.memory_space<vmem>>
      %dma_start3A_94 = arith.constant 0 : i32
      %dma_start3A_95 = tpu.memref_slice %arg17[%dma_start3A_88, %dma_start3A_89, %dma_start3A_94] : memref<2x2x128xi32, #tpu.memory_space<vmem>> -> memref<1x1x128xi32, #tpu.memory_space<vmem>>
      %dma_start3A_96 = tpu.memref_squeeze %dma_start3A_95 : memref<1x1x128xi32, #tpu.memory_space<vmem>> -> memref<128xi32, #tpu.memory_space<vmem>>
      %dma_start3A_97 = arith.constant 0 : i32
      %dma_start3A_98 = arith.constant 0 : i32
      %dma_start3A_99 = tpu.memref_slice %arg13[%dma_start3A_97, %dma_start3A_98] : memref<53248x32xf32, #tpu.memory_space<vmem_shared>> -> memref<53248x32xf32, #tpu.memory_space<vmem_shared>>
      tpu.enqueue_indirect_dma source(%dma_start3A_93 : memref<128x32xf32, #tpu.memory_space<vmem>>) target(%dma_start3A_99 : memref<53248x32xf32, #tpu.memory_space<vmem_shared>>) offsets(%dma_start3A_96 : memref<128xi32, #tpu.memory_space<vmem>>) semaphore(%arg23 : memref<!tpu.dma_semaphore, #tpu.memory_space<semaphore_mem>>) {add = true}
      %dma_start3A_100 = arith.constant 1 : i32
      %dma_start3A_101 = arith.constant 0 : i32
      %dma_start3A_102 = arith.constant 0 : i32
      %dma_start3A_103 = tpu.memref_slice %arg17[%dma_start3A_100, %dma_start3A_101, %dma_start3A_102] : memref<2x2x128xi32, #tpu.memory_space<vmem>> -> memref<1x1x128xi32, #tpu.memory_space<vmem>>
      %dma_start3A_104 = tpu.memref_squeeze %dma_start3A_103 : memref<1x1x128xi32, #tpu.memory_space<vmem>> -> memref<128xi32, #tpu.memory_space<vmem>>
      %dma_start3A_105 = arith.constant 0 : i32
      %dma_start3A_106 = tpu.memref_slice %arg14[%dma_start3A_105] : memref<53248xf32, #tpu.memory_space<vmem_shared>> -> memref<53248xf32, #tpu.memory_space<vmem_shared>>
      tpu.enqueue_indirect_dma source(%arg19 : memref<128xf32, #tpu.memory_space<vmem>>) target(%dma_start3A_106 : memref<53248xf32, #tpu.memory_space<vmem_shared>>) offsets(%dma_start3A_104 : memref<128xi32, #tpu.memory_space<vmem>>) semaphore(%arg23 : memref<!tpu.dma_semaphore, #tpu.memory_space<semaphore_mem>>) {add = true}
      %dma_start3A_107 = arith.constant 1 : i32
      %dma_start3A_108 = arith.constant 0 : i32
      %dma_start3A_109 = arith.constant 0 : i32
      %dma_start3A_110 = tpu.memref_slice %arg16[%dma_start3A_107, %dma_start3A_108, %dma_start3A_109] : memref<2x2x128xi32, #tpu.memory_space<vmem>> -> memref<1x1x128xi32, #tpu.memory_space<vmem>>
      %dma_start3A_111 = tpu.memref_squeeze %dma_start3A_110 : memref<1x1x128xi32, #tpu.memory_space<vmem>> -> memref<128xi32, #tpu.memory_space<vmem>>
      %dma_start3A_112 = arith.constant 0 : i32
      %dma_start3A_113 = tpu.memref_slice %arg15[%dma_start3A_112] : memref<53248xf32, #tpu.memory_space<vmem_shared>> -> memref<53248xf32, #tpu.memory_space<vmem_shared>>
      tpu.enqueue_indirect_dma source(%arg19 : memref<128xf32, #tpu.memory_space<vmem>>) target(%dma_start3A_113 : memref<53248xf32, #tpu.memory_space<vmem_shared>>) offsets(%dma_start3A_111 : memref<128xi32, #tpu.memory_space<vmem>>) semaphore(%arg23 : memref<!tpu.dma_semaphore, #tpu.memory_space<semaphore_mem>>) {add = true}
      %dma_start3A_114 = arith.constant 1 : i32
      %dma_start3A_115 = arith.constant 1 : i32
      %dma_start3A_116 = arith.constant 1 : i32
      %dma_start3A_117 = arith.constant 1 : i32
      %dma_start3A_118 = arith.constant 0 : i32
      %dma_start3A_119 = arith.constant 0 : i32
      %dma_start3A_120 = tpu.memref_slice %arg18[%dma_start3A_114, %dma_start3A_115, %dma_start3A_118, %dma_start3A_119] : memref<2x2x128x32xf32, #tpu.memory_space<vmem>> -> memref<1x1x128x32xf32, #tpu.memory_space<vmem>>
      %dma_start3A_121 = tpu.memref_squeeze %dma_start3A_120 : memref<1x1x128x32xf32, #tpu.memory_space<vmem>> -> memref<128x32xf32, #tpu.memory_space<vmem>>
      %dma_start3A_122 = arith.constant 0 : i32
      %dma_start3A_123 = tpu.memref_slice %arg17[%dma_start3A_116, %dma_start3A_117, %dma_start3A_122] : memref<2x2x128xi32, #tpu.memory_space<vmem>> -> memref<1x1x128xi32, #tpu.memory_space<vmem>>
      %dma_start3A_124 = tpu.memref_squeeze %dma_start3A_123 : memref<1x1x128xi32, #tpu.memory_space<vmem>> -> memref<128xi32, #tpu.memory_space<vmem>>
      %dma_start3A_125 = arith.constant 0 : i32
      %dma_start3A_126 = arith.constant 0 : i32
      %dma_start3A_127 = tpu.memref_slice %arg13[%dma_start3A_125, %dma_start3A_126] : memref<53248x32xf32, #tpu.memory_space<vmem_shared>> -> memref<53248x32xf32, #tpu.memory_space<vmem_shared>>
      tpu.enqueue_indirect_dma source(%dma_start3A_121 : memref<128x32xf32, #tpu.memory_space<vmem>>) target(%dma_start3A_127 : memref<53248x32xf32, #tpu.memory_space<vmem_shared>>) offsets(%dma_start3A_124 : memref<128xi32, #tpu.memory_space<vmem>>) semaphore(%arg23 : memref<!tpu.dma_semaphore, #tpu.memory_space<semaphore_mem>>) {add = true}
      %dma_start3A_128 = arith.constant 1 : i32
      %dma_start3A_129 = arith.constant 1 : i32
      %dma_start3A_130 = arith.constant 0 : i32
      %dma_start3A_131 = tpu.memref_slice %arg17[%dma_start3A_128, %dma_start3A_129, %dma_start3A_130] : memref<2x2x128xi32, #tpu.memory_space<vmem>> -> memref<1x1x128xi32, #tpu.memory_space<vmem>>
      %dma_start3A_132 = tpu.memref_squeeze %dma_start3A_131 : memref<1x1x128xi32, #tpu.memory_space<vmem>> -> memref<128xi32, #tpu.memory_space<vmem>>
      %dma_start3A_133 = arith.constant 0 : i32
      %dma_start3A_134 = tpu.memref_slice %arg14[%dma_start3A_133] : memref<53248xf32, #tpu.memory_space<vmem_shared>> -> memref<53248xf32, #tpu.memory_space<vmem_shared>>
      tpu.enqueue_indirect_dma source(%arg19 : memref<128xf32, #tpu.memory_space<vmem>>) target(%dma_start3A_134 : memref<53248xf32, #tpu.memory_space<vmem_shared>>) offsets(%dma_start3A_132 : memref<128xi32, #tpu.memory_space<vmem>>) semaphore(%arg23 : memref<!tpu.dma_semaphore, #tpu.memory_space<semaphore_mem>>) {add = true}
      %dma_start3A_135 = arith.constant 1 : i32
      %dma_start3A_136 = arith.constant 1 : i32
      %dma_start3A_137 = arith.constant 0 : i32
      %dma_start3A_138 = tpu.memref_slice %arg16[%dma_start3A_135, %dma_start3A_136, %dma_start3A_137] : memref<2x2x128xi32, #tpu.memory_space<vmem>> -> memref<1x1x128xi32, #tpu.memory_space<vmem>>
      %dma_start3A_139 = tpu.memref_squeeze %dma_start3A_138 : memref<1x1x128xi32, #tpu.memory_space<vmem>> -> memref<128xi32, #tpu.memory_space<vmem>>
      %dma_start3A_140 = arith.constant 0 : i32
      %dma_start3A_141 = tpu.memref_slice %arg15[%dma_start3A_140] : memref<53248xf32, #tpu.memory_space<vmem_shared>> -> memref<53248xf32, #tpu.memory_space<vmem_shared>>
      tpu.enqueue_indirect_dma source(%arg19 : memref<128xf32, #tpu.memory_space<vmem>>) target(%dma_start3A_141 : memref<53248xf32, #tpu.memory_space<vmem_shared>>) offsets(%dma_start3A_139 : memref<128xi32, #tpu.memory_space<vmem>>) semaphore(%arg23 : memref<!tpu.dma_semaphore, #tpu.memory_space<semaphore_mem>>) {add = true}
      %dma_wait3A_142 = arith.constant 0 : i32
      %dma_wait3A_143 = arith.constant 0 : i32
      %dma_wait3A_144 = arith.constant 0 : i32
      %dma_wait3A_145 = arith.constant 0 : i32
      %dma_wait3A_146 = arith.constant 0 : i32
      %dma_wait3A_147 = arith.constant 0 : i32
      %dma_wait3A_148 = tpu.memref_slice %arg18[%dma_wait3A_142, %dma_wait3A_143, %dma_wait3A_146, %dma_wait3A_147] : memref<2x2x128x32xf32, #tpu.memory_space<vmem>> -> memref<1x1x128x32xf32, #tpu.memory_space<vmem>>
      %dma_wait3A_149 = tpu.memref_squeeze %dma_wait3A_148 : memref<1x1x128x32xf32, #tpu.memory_space<vmem>> -> memref<128x32xf32, #tpu.memory_space<vmem>>
      %dma_wait3A_150 = arith.constant 0 : i32
      %dma_wait3A_151 = tpu.memref_slice %arg17[%dma_wait3A_144, %dma_wait3A_145, %dma_wait3A_150] : memref<2x2x128xi32, #tpu.memory_space<vmem>> -> memref<1x1x128xi32, #tpu.memory_space<vmem>>
      %dma_wait3A_152 = tpu.memref_squeeze %dma_wait3A_151 : memref<1x1x128xi32, #tpu.memory_space<vmem>> -> memref<128xi32, #tpu.memory_space<vmem>>
      %dma_wait3A_153 = arith.constant 0 : i32
      %dma_wait3A_154 = arith.constant 0 : i32
      %dma_wait3A_155 = tpu.memref_slice %arg13[%dma_wait3A_153, %dma_wait3A_154] : memref<53248x32xf32, #tpu.memory_space<vmem_shared>> -> memref<53248x32xf32, #tpu.memory_space<vmem_shared>>
      tpu.wait_indirect_dma semaphore(%arg22 : memref<!tpu.dma_semaphore, #tpu.memory_space<semaphore_mem>>) src(%dma_wait3A_149 : memref<128x32xf32, #tpu.memory_space<vmem>>) dst(%dma_wait3A_155 : memref<53248x32xf32, #tpu.memory_space<vmem_shared>>)
      %dma_wait3A_156 = arith.constant 0 : i32
      %dma_wait3A_157 = arith.constant 0 : i32
      %dma_wait3A_158 = arith.constant 0 : i32
      %dma_wait3A_159 = tpu.memref_slice %arg17[%dma_wait3A_156, %dma_wait3A_157, %dma_wait3A_158] : memref<2x2x128xi32, #tpu.memory_space<vmem>> -> memref<1x1x128xi32, #tpu.memory_space<vmem>>
      %dma_wait3A_160 = tpu.memref_squeeze %dma_wait3A_159 : memref<1x1x128xi32, #tpu.memory_space<vmem>> -> memref<128xi32, #tpu.memory_space<vmem>>
      %dma_wait3A_161 = arith.constant 0 : i32
      %dma_wait3A_162 = tpu.memref_slice %arg14[%dma_wait3A_161] : memref<53248xf32, #tpu.memory_space<vmem_shared>> -> memref<53248xf32, #tpu.memory_space<vmem_shared>>
      tpu.wait_indirect_dma semaphore(%arg22 : memref<!tpu.dma_semaphore, #tpu.memory_space<semaphore_mem>>) src(%arg19 : memref<128xf32, #tpu.memory_space<vmem>>) dst(%dma_wait3A_162 : memref<53248xf32, #tpu.memory_space<vmem_shared>>)
      %dma_wait3A_163 = arith.constant 0 : i32
      %dma_wait3A_164 = arith.constant 0 : i32
      %dma_wait3A_165 = arith.constant 0 : i32
      %dma_wait3A_166 = tpu.memref_slice %arg16[%dma_wait3A_163, %dma_wait3A_164, %dma_wait3A_165] : memref<2x2x128xi32, #tpu.memory_space<vmem>> -> memref<1x1x128xi32, #tpu.memory_space<vmem>>
      %dma_wait3A_167 = tpu.memref_squeeze %dma_wait3A_166 : memref<1x1x128xi32, #tpu.memory_space<vmem>> -> memref<128xi32, #tpu.memory_space<vmem>>
      %dma_wait3A_168 = arith.constant 0 : i32
      %dma_wait3A_169 = tpu.memref_slice %arg15[%dma_wait3A_168] : memref<53248xf32, #tpu.memory_space<vmem_shared>> -> memref<53248xf32, #tpu.memory_space<vmem_shared>>
      tpu.wait_indirect_dma semaphore(%arg22 : memref<!tpu.dma_semaphore, #tpu.memory_space<semaphore_mem>>) src(%arg19 : memref<128xf32, #tpu.memory_space<vmem>>) dst(%dma_wait3A_169 : memref<53248xf32, #tpu.memory_space<vmem_shared>>)
      %dma_wait3A_170 = arith.constant 0 : i32
      %dma_wait3A_171 = arith.constant 1 : i32
      %dma_wait3A_172 = arith.constant 0 : i32
      %dma_wait3A_173 = arith.constant 1 : i32
      %dma_wait3A_174 = arith.constant 0 : i32
      %dma_wait3A_175 = arith.constant 0 : i32
      %dma_wait3A_176 = tpu.memref_slice %arg18[%dma_wait3A_170, %dma_wait3A_171, %dma_wait3A_174, %dma_wait3A_175] : memref<2x2x128x32xf32, #tpu.memory_space<vmem>> -> memref<1x1x128x32xf32, #tpu.memory_space<vmem>>
      %dma_wait3A_177 = tpu.memref_squeeze %dma_wait3A_176 : memref<1x1x128x32xf32, #tpu.memory_space<vmem>> -> memref<128x32xf32, #tpu.memory_space<vmem>>
      %dma_wait3A_178 = arith.constant 0 : i32
      %dma_wait3A_179 = tpu.memref_slice %arg17[%dma_wait3A_172, %dma_wait3A_173, %dma_wait3A_178] : memref<2x2x128xi32, #tpu.memory_space<vmem>> -> memref<1x1x128xi32, #tpu.memory_space<vmem>>
      %dma_wait3A_180 = tpu.memref_squeeze %dma_wait3A_179 : memref<1x1x128xi32, #tpu.memory_space<vmem>> -> memref<128xi32, #tpu.memory_space<vmem>>
      %dma_wait3A_181 = arith.constant 0 : i32
      %dma_wait3A_182 = arith.constant 0 : i32
      %dma_wait3A_183 = tpu.memref_slice %arg13[%dma_wait3A_181, %dma_wait3A_182] : memref<53248x32xf32, #tpu.memory_space<vmem_shared>> -> memref<53248x32xf32, #tpu.memory_space<vmem_shared>>
      tpu.wait_indirect_dma semaphore(%arg22 : memref<!tpu.dma_semaphore, #tpu.memory_space<semaphore_mem>>) src(%dma_wait3A_177 : memref<128x32xf32, #tpu.memory_space<vmem>>) dst(%dma_wait3A_183 : memref<53248x32xf32, #tpu.memory_space<vmem_shared>>)
      %dma_wait3A_184 = arith.constant 0 : i32
      %dma_wait3A_185 = arith.constant 1 : i32
      %dma_wait3A_186 = arith.constant 0 : i32
      %dma_wait3A_187 = tpu.memref_slice %arg17[%dma_wait3A_184, %dma_wait3A_185, %dma_wait3A_186] : memref<2x2x128xi32, #tpu.memory_space<vmem>> -> memref<1x1x128xi32, #tpu.memory_space<vmem>>
      %dma_wait3A_188 = tpu.memref_squeeze %dma_wait3A_187 : memref<1x1x128xi32, #tpu.memory_space<vmem>> -> memref<128xi32, #tpu.memory_space<vmem>>
      %dma_wait3A_189 = arith.constant 0 : i32
      %dma_wait3A_190 = tpu.memref_slice %arg14[%dma_wait3A_189] : memref<53248xf32, #tpu.memory_space<vmem_shared>> -> memref<53248xf32, #tpu.memory_space<vmem_shared>>
      tpu.wait_indirect_dma semaphore(%arg22 : memref<!tpu.dma_semaphore, #tpu.memory_space<semaphore_mem>>) src(%arg19 : memref<128xf32, #tpu.memory_space<vmem>>) dst(%dma_wait3A_190 : memref<53248xf32, #tpu.memory_space<vmem_shared>>)
      %dma_wait3A_191 = arith.constant 0 : i32
      %dma_wait3A_192 = arith.constant 1 : i32
      %dma_wait3A_193 = arith.constant 0 : i32
      %dma_wait3A_194 = tpu.memref_slice %arg16[%dma_wait3A_191, %dma_wait3A_192, %dma_wait3A_193] : memref<2x2x128xi32, #tpu.memory_space<vmem>> -> memref<1x1x128xi32, #tpu.memory_space<vmem>>
      %dma_wait3A_195 = tpu.memref_squeeze %dma_wait3A_194 : memref<1x1x128xi32, #tpu.memory_space<vmem>> -> memref<128xi32, #tpu.memory_space<vmem>>
      %dma_wait3A_196 = arith.constant 0 : i32
      %dma_wait3A_197 = tpu.memref_slice %arg15[%dma_wait3A_196] : memref<53248xf32, #tpu.memory_space<vmem_shared>> -> memref<53248xf32, #tpu.memory_space<vmem_shared>>
      tpu.wait_indirect_dma semaphore(%arg22 : memref<!tpu.dma_semaphore, #tpu.memory_space<semaphore_mem>>) src(%arg19 : memref<128xf32, #tpu.memory_space<vmem>>) dst(%dma_wait3A_197 : memref<53248xf32, #tpu.memory_space<vmem_shared>>)
      %dma_wait3A_198 = arith.constant 1 : i32
      %dma_wait3A_199 = arith.constant 0 : i32
      %dma_wait3A_200 = arith.constant 1 : i32
      %dma_wait3A_201 = arith.constant 0 : i32
      %dma_wait3A_202 = arith.constant 0 : i32
      %dma_wait3A_203 = arith.constant 0 : i32
      %dma_wait3A_204 = tpu.memref_slice %arg18[%dma_wait3A_198, %dma_wait3A_199, %dma_wait3A_202, %dma_wait3A_203] : memref<2x2x128x32xf32, #tpu.memory_space<vmem>> -> memref<1x1x128x32xf32, #tpu.memory_space<vmem>>
      %dma_wait3A_205 = tpu.memref_squeeze %dma_wait3A_204 : memref<1x1x128x32xf32, #tpu.memory_space<vmem>> -> memref<128x32xf32, #tpu.memory_space<vmem>>
      %dma_wait3A_206 = arith.constant 0 : i32
      %dma_wait3A_207 = tpu.memref_slice %arg17[%dma_wait3A_200, %dma_wait3A_201, %dma_wait3A_206] : memref<2x2x128xi32, #tpu.memory_space<vmem>> -> memref<1x1x128xi32, #tpu.memory_space<vmem>>
      %dma_wait3A_208 = tpu.memref_squeeze %dma_wait3A_207 : memref<1x1x128xi32, #tpu.memory_space<vmem>> -> memref<128xi32, #tpu.memory_space<vmem>>
      %dma_wait3A_209 = arith.constant 0 : i32
      %dma_wait3A_210 = arith.constant 0 : i32
      %dma_wait3A_211 = tpu.memref_slice %arg13[%dma_wait3A_209, %dma_wait3A_210] : memref<53248x32xf32, #tpu.memory_space<vmem_shared>> -> memref<53248x32xf32, #tpu.memory_space<vmem_shared>>
      tpu.wait_indirect_dma semaphore(%arg23 : memref<!tpu.dma_semaphore, #tpu.memory_space<semaphore_mem>>) src(%dma_wait3A_205 : memref<128x32xf32, #tpu.memory_space<vmem>>) dst(%dma_wait3A_211 : memref<53248x32xf32, #tpu.memory_space<vmem_shared>>)
      %dma_wait3A_212 = arith.constant 1 : i32
      %dma_wait3A_213 = arith.constant 0 : i32
      %dma_wait3A_214 = arith.constant 0 : i32
      %dma_wait3A_215 = tpu.memref_slice %arg17[%dma_wait3A_212, %dma_wait3A_213, %dma_wait3A_214] : memref<2x2x128xi32, #tpu.memory_space<vmem>> -> memref<1x1x128xi32, #tpu.memory_space<vmem>>
      %dma_wait3A_216 = tpu.memref_squeeze %dma_wait3A_215 : memref<1x1x128xi32, #tpu.memory_space<vmem>> -> memref<128xi32, #tpu.memory_space<vmem>>
      %dma_wait3A_217 = arith.constant 0 : i32
      %dma_wait3A_218 = tpu.memref_slice %arg14[%dma_wait3A_217] : memref<53248xf32, #tpu.memory_space<vmem_shared>> -> memref<53248xf32, #tpu.memory_space<vmem_shared>>
      tpu.wait_indirect_dma semaphore(%arg23 : memref<!tpu.dma_semaphore, #tpu.memory_space<semaphore_mem>>) src(%arg19 : memref<128xf32, #tpu.memory_space<vmem>>) dst(%dma_wait3A_218 : memref<53248xf32, #tpu.memory_space<vmem_shared>>)
      %dma_wait3A_219 = arith.constant 1 : i32
      %dma_wait3A_220 = arith.constant 0 : i32
      %dma_wait3A_221 = arith.constant 0 : i32
      %dma_wait3A_222 = tpu.memref_slice %arg16[%dma_wait3A_219, %dma_wait3A_220, %dma_wait3A_221] : memref<2x2x128xi32, #tpu.memory_space<vmem>> -> memref<1x1x128xi32, #tpu.memory_space<vmem>>
      %dma_wait3A_223 = tpu.memref_squeeze %dma_wait3A_222 : memref<1x1x128xi32, #tpu.memory_space<vmem>> -> memref<128xi32, #tpu.memory_space<vmem>>
      %dma_wait3A_224 = arith.constant 0 : i32
      %dma_wait3A_225 = tpu.memref_slice %arg15[%dma_wait3A_224] : memref<53248xf32, #tpu.memory_space<vmem_shared>> -> memref<53248xf32, #tpu.memory_space<vmem_shared>>
      tpu.wait_indirect_dma semaphore(%arg23 : memref<!tpu.dma_semaphore, #tpu.memory_space<semaphore_mem>>) src(%arg19 : memref<128xf32, #tpu.memory_space<vmem>>) dst(%dma_wait3A_225 : memref<53248xf32, #tpu.memory_space<vmem_shared>>)
      %dma_wait3A_226 = arith.constant 1 : i32
      %dma_wait3A_227 = arith.constant 1 : i32
      %dma_wait3A_228 = arith.constant 1 : i32
      %dma_wait3A_229 = arith.constant 1 : i32
      %dma_wait3A_230 = arith.constant 0 : i32
      %dma_wait3A_231 = arith.constant 0 : i32
      %dma_wait3A_232 = tpu.memref_slice %arg18[%dma_wait3A_226, %dma_wait3A_227, %dma_wait3A_230, %dma_wait3A_231] : memref<2x2x128x32xf32, #tpu.memory_space<vmem>> -> memref<1x1x128x32xf32, #tpu.memory_space<vmem>>
      %dma_wait3A_233 = tpu.memref_squeeze %dma_wait3A_232 : memref<1x1x128x32xf32, #tpu.memory_space<vmem>> -> memref<128x32xf32, #tpu.memory_space<vmem>>
      %dma_wait3A_234 = arith.constant 0 : i32
      %dma_wait3A_235 = tpu.memref_slice %arg17[%dma_wait3A_228, %dma_wait3A_229, %dma_wait3A_234] : memref<2x2x128xi32, #tpu.memory_space<vmem>> -> memref<1x1x128xi32, #tpu.memory_space<vmem>>
      %dma_wait3A_236 = tpu.memref_squeeze %dma_wait3A_235 : memref<1x1x128xi32, #tpu.memory_space<vmem>> -> memref<128xi32, #tpu.memory_space<vmem>>
      %dma_wait3A_237 = arith.constant 0 : i32
      %dma_wait3A_238 = arith.constant 0 : i32
      %dma_wait3A_239 = tpu.memref_slice %arg13[%dma_wait3A_237, %dma_wait3A_238] : memref<53248x32xf32, #tpu.memory_space<vmem_shared>> -> memref<53248x32xf32, #tpu.memory_space<vmem_shared>>
      tpu.wait_indirect_dma semaphore(%arg23 : memref<!tpu.dma_semaphore, #tpu.memory_space<semaphore_mem>>) src(%dma_wait3A_233 : memref<128x32xf32, #tpu.memory_space<vmem>>) dst(%dma_wait3A_239 : memref<53248x32xf32, #tpu.memory_space<vmem_shared>>)
      %dma_wait3A_240 = arith.constant 1 : i32
      %dma_wait3A_241 = arith.constant 1 : i32
      %dma_wait3A_242 = arith.constant 0 : i32
      %dma_wait3A_243 = tpu.memref_slice %arg17[%dma_wait3A_240, %dma_wait3A_241, %dma_wait3A_242] : memref<2x2x128xi32, #tpu.memory_space<vmem>> -> memref<1x1x128xi32, #tpu.memory_space<vmem>>
      %dma_wait3A_244 = tpu.memref_squeeze %dma_wait3A_243 : memref<1x1x128xi32, #tpu.memory_space<vmem>> -> memref<128xi32, #tpu.memory_space<vmem>>
      %dma_wait3A_245 = arith.constant 0 : i32
      %dma_wait3A_246 = tpu.memref_slice %arg14[%dma_wait3A_245] : memref<53248xf32, #tpu.memory_space<vmem_shared>> -> memref<53248xf32, #tpu.memory_space<vmem_shared>>
      tpu.wait_indirect_dma semaphore(%arg23 : memref<!tpu.dma_semaphore, #tpu.memory_space<semaphore_mem>>) src(%arg19 : memref<128xf32, #tpu.memory_space<vmem>>) dst(%dma_wait3A_246 : memref<53248xf32, #tpu.memory_space<vmem_shared>>)
      %dma_wait3A_247 = arith.constant 1 : i32
      %dma_wait3A_248 = arith.constant 1 : i32
      %dma_wait3A_249 = arith.constant 0 : i32
      %dma_wait3A_250 = tpu.memref_slice %arg16[%dma_wait3A_247, %dma_wait3A_248, %dma_wait3A_249] : memref<2x2x128xi32, #tpu.memory_space<vmem>> -> memref<1x1x128xi32, #tpu.memory_space<vmem>>
      %dma_wait3A_251 = tpu.memref_squeeze %dma_wait3A_250 : memref<1x1x128xi32, #tpu.memory_space<vmem>> -> memref<128xi32, #tpu.memory_space<vmem>>
      %dma_wait3A_252 = arith.constant 0 : i32
      %dma_wait3A_253 = tpu.memref_slice %arg15[%dma_wait3A_252] : memref<53248xf32, #tpu.memory_space<vmem_shared>> -> memref<53248xf32, #tpu.memory_space<vmem_shared>>
      tpu.wait_indirect_dma semaphore(%arg23 : memref<!tpu.dma_semaphore, #tpu.memory_space<semaphore_mem>>) src(%arg19 : memref<128xf32, #tpu.memory_space<vmem>>) dst(%dma_wait3A_253 : memref<53248xf32, #tpu.memory_space<vmem_shared>>)
    } else {
    }
    %eq3A_49 = arith.constant 1 : i32
    %eq3A_50 = arith.cmpi eq, %arg0, %eq3A_49 : i32
    %convert_element_type3A_51 = arith.extui %eq3A_50 : i1 to i32
    %cond3A_52 = arith.constant 0 : i32
    %cond3A_53 = arith.cmpi ne, %convert_element_type3A_51, %cond3A_52 : i32
    scf.if %cond3A_53 {
      %scan3A = arith.constant 0 : i32
      %scan3A_55 = arith.constant 0 : i32
      %scan3A_56 = arith.constant 98 : i32
      %scan3A_57 = arith.addi %scan3A_55, %scan3A_56 : i32
      %scan3A_58 = arith.constant 1 : i32
      scf.for %scan3A_254 = %scan3A_55 to %scan3A_57 step %scan3A_58  : i32 {
        %mul3A_255 = arith.constant 2 : i32
        %mul3A_256 = arith.muli %scan3A_254, %mul3A_255 : i32
        %ge3A = arith.constant 2 : i32
        %ge3A_257 = arith.cmpi sge, %mul3A_256, %ge3A : i32
        %convert_element_type3A_258 = arith.extui %ge3A_257 : i1 to i32
        %cond3A_259 = arith.constant 0 : i32
        %cond3A_260 = arith.cmpi ne, %convert_element_type3A_258, %cond3A_259 : i32
        scf.if %cond3A_260 {
          %dma_wait3A_346 = arith.constant 0 : i32
          %dma_wait3A_347 = arith.constant 0 : i32
          %dma_wait3A_348 = arith.constant 0 : i32
          %dma_wait3A_349 = arith.constant 0 : i32
          %dma_wait3A_350 = arith.constant 0 : i32
          %dma_wait3A_351 = arith.constant 0 : i32
          %dma_wait3A_352 = tpu.memref_slice %arg18[%dma_wait3A_346, %dma_wait3A_347, %dma_wait3A_350, %dma_wait3A_351] : memref<2x2x128x32xf32, #tpu.memory_space<vmem>> -> memref<1x1x128x32xf32, #tpu.memory_space<vmem>>
          %dma_wait3A_353 = tpu.memref_squeeze %dma_wait3A_352 : memref<1x1x128x32xf32, #tpu.memory_space<vmem>> -> memref<128x32xf32, #tpu.memory_space<vmem>>
          %dma_wait3A_354 = arith.constant 0 : i32
          %dma_wait3A_355 = tpu.memref_slice %arg17[%dma_wait3A_348, %dma_wait3A_349, %dma_wait3A_354] : memref<2x2x128xi32, #tpu.memory_space<vmem>> -> memref<1x1x128xi32, #tpu.memory_space<vmem>>
          %dma_wait3A_356 = tpu.memref_squeeze %dma_wait3A_355 : memref<1x1x128xi32, #tpu.memory_space<vmem>> -> memref<128xi32, #tpu.memory_space<vmem>>
          %dma_wait3A_357 = arith.constant 0 : i32
          %dma_wait3A_358 = arith.constant 0 : i32
          %dma_wait3A_359 = tpu.memref_slice %arg13[%dma_wait3A_357, %dma_wait3A_358] : memref<53248x32xf32, #tpu.memory_space<vmem_shared>> -> memref<53248x32xf32, #tpu.memory_space<vmem_shared>>
          tpu.wait_indirect_dma semaphore(%arg22 : memref<!tpu.dma_semaphore, #tpu.memory_space<semaphore_mem>>) src(%dma_wait3A_353 : memref<128x32xf32, #tpu.memory_space<vmem>>) dst(%dma_wait3A_359 : memref<53248x32xf32, #tpu.memory_space<vmem_shared>>)
          %dma_wait3A_360 = arith.constant 0 : i32
          %dma_wait3A_361 = arith.constant 0 : i32
          %dma_wait3A_362 = arith.constant 0 : i32
          %dma_wait3A_363 = tpu.memref_slice %arg17[%dma_wait3A_360, %dma_wait3A_361, %dma_wait3A_362] : memref<2x2x128xi32, #tpu.memory_space<vmem>> -> memref<1x1x128xi32, #tpu.memory_space<vmem>>
          %dma_wait3A_364 = tpu.memref_squeeze %dma_wait3A_363 : memref<1x1x128xi32, #tpu.memory_space<vmem>> -> memref<128xi32, #tpu.memory_space<vmem>>
          %dma_wait3A_365 = arith.constant 0 : i32
          %dma_wait3A_366 = tpu.memref_slice %arg14[%dma_wait3A_365] : memref<53248xf32, #tpu.memory_space<vmem_shared>> -> memref<53248xf32, #tpu.memory_space<vmem_shared>>
          tpu.wait_indirect_dma semaphore(%arg22 : memref<!tpu.dma_semaphore, #tpu.memory_space<semaphore_mem>>) src(%arg19 : memref<128xf32, #tpu.memory_space<vmem>>) dst(%dma_wait3A_366 : memref<53248xf32, #tpu.memory_space<vmem_shared>>)
          %dma_wait3A_367 = arith.constant 0 : i32
          %dma_wait3A_368 = arith.constant 0 : i32
          %dma_wait3A_369 = arith.constant 0 : i32
          %dma_wait3A_370 = tpu.memref_slice %arg16[%dma_wait3A_367, %dma_wait3A_368, %dma_wait3A_369] : memref<2x2x128xi32, #tpu.memory_space<vmem>> -> memref<1x1x128xi32, #tpu.memory_space<vmem>>
          %dma_wait3A_371 = tpu.memref_squeeze %dma_wait3A_370 : memref<1x1x128xi32, #tpu.memory_space<vmem>> -> memref<128xi32, #tpu.memory_space<vmem>>
          %dma_wait3A_372 = arith.constant 0 : i32
          %dma_wait3A_373 = tpu.memref_slice %arg15[%dma_wait3A_372] : memref<53248xf32, #tpu.memory_space<vmem_shared>> -> memref<53248xf32, #tpu.memory_space<vmem_shared>>
          tpu.wait_indirect_dma semaphore(%arg22 : memref<!tpu.dma_semaphore, #tpu.memory_space<semaphore_mem>>) src(%arg19 : memref<128xf32, #tpu.memory_space<vmem>>) dst(%dma_wait3A_373 : memref<53248xf32, #tpu.memory_space<vmem_shared>>)
          %dma_wait3A_374 = arith.constant 0 : i32
          %dma_wait3A_375 = arith.constant 1 : i32
          %dma_wait3A_376 = arith.constant 0 : i32
          %dma_wait3A_377 = arith.constant 1 : i32
          %dma_wait3A_378 = arith.constant 0 : i32
          %dma_wait3A_379 = arith.constant 0 : i32
          %dma_wait3A_380 = tpu.memref_slice %arg18[%dma_wait3A_374, %dma_wait3A_375, %dma_wait3A_378, %dma_wait3A_379] : memref<2x2x128x32xf32, #tpu.memory_space<vmem>> -> memref<1x1x128x32xf32, #tpu.memory_space<vmem>>
          %dma_wait3A_381 = tpu.memref_squeeze %dma_wait3A_380 : memref<1x1x128x32xf32, #tpu.memory_space<vmem>> -> memref<128x32xf32, #tpu.memory_space<vmem>>
          %dma_wait3A_382 = arith.constant 0 : i32
          %dma_wait3A_383 = tpu.memref_slice %arg17[%dma_wait3A_376, %dma_wait3A_377, %dma_wait3A_382] : memref<2x2x128xi32, #tpu.memory_space<vmem>> -> memref<1x1x128xi32, #tpu.memory_space<vmem>>
          %dma_wait3A_384 = tpu.memref_squeeze %dma_wait3A_383 : memref<1x1x128xi32, #tpu.memory_space<vmem>> -> memref<128xi32, #tpu.memory_space<vmem>>
          %dma_wait3A_385 = arith.constant 0 : i32
          %dma_wait3A_386 = arith.constant 0 : i32
          %dma_wait3A_387 = tpu.memref_slice %arg13[%dma_wait3A_385, %dma_wait3A_386] : memref<53248x32xf32, #tpu.memory_space<vmem_shared>> -> memref<53248x32xf32, #tpu.memory_space<vmem_shared>>
          tpu.wait_indirect_dma semaphore(%arg22 : memref<!tpu.dma_semaphore, #tpu.memory_space<semaphore_mem>>) src(%dma_wait3A_381 : memref<128x32xf32, #tpu.memory_space<vmem>>) dst(%dma_wait3A_387 : memref<53248x32xf32, #tpu.memory_space<vmem_shared>>)
          %dma_wait3A_388 = arith.constant 0 : i32
          %dma_wait3A_389 = arith.constant 1 : i32
          %dma_wait3A_390 = arith.constant 0 : i32
          %dma_wait3A_391 = tpu.memref_slice %arg17[%dma_wait3A_388, %dma_wait3A_389, %dma_wait3A_390] : memref<2x2x128xi32, #tpu.memory_space<vmem>> -> memref<1x1x128xi32, #tpu.memory_space<vmem>>
          %dma_wait3A_392 = tpu.memref_squeeze %dma_wait3A_391 : memref<1x1x128xi32, #tpu.memory_space<vmem>> -> memref<128xi32, #tpu.memory_space<vmem>>
          %dma_wait3A_393 = arith.constant 0 : i32
          %dma_wait3A_394 = tpu.memref_slice %arg14[%dma_wait3A_393] : memref<53248xf32, #tpu.memory_space<vmem_shared>> -> memref<53248xf32, #tpu.memory_space<vmem_shared>>
          tpu.wait_indirect_dma semaphore(%arg22 : memref<!tpu.dma_semaphore, #tpu.memory_space<semaphore_mem>>) src(%arg19 : memref<128xf32, #tpu.memory_space<vmem>>) dst(%dma_wait3A_394 : memref<53248xf32, #tpu.memory_space<vmem_shared>>)
          %dma_wait3A_395 = arith.constant 0 : i32
          %dma_wait3A_396 = arith.constant 1 : i32
          %dma_wait3A_397 = arith.constant 0 : i32
          %dma_wait3A_398 = tpu.memref_slice %arg16[%dma_wait3A_395, %dma_wait3A_396, %dma_wait3A_397] : memref<2x2x128xi32, #tpu.memory_space<vmem>> -> memref<1x1x128xi32, #tpu.memory_space<vmem>>
          %dma_wait3A_399 = tpu.memref_squeeze %dma_wait3A_398 : memref<1x1x128xi32, #tpu.memory_space<vmem>> -> memref<128xi32, #tpu.memory_space<vmem>>
          %dma_wait3A_400 = arith.constant 0 : i32
          %dma_wait3A_401 = tpu.memref_slice %arg15[%dma_wait3A_400] : memref<53248xf32, #tpu.memory_space<vmem_shared>> -> memref<53248xf32, #tpu.memory_space<vmem_shared>>
          tpu.wait_indirect_dma semaphore(%arg22 : memref<!tpu.dma_semaphore, #tpu.memory_space<semaphore_mem>>) src(%arg19 : memref<128xf32, #tpu.memory_space<vmem>>) dst(%dma_wait3A_401 : memref<53248xf32, #tpu.memory_space<vmem_shared>>)
        } else {
        }
        %mul3A_261 = arith.constant 2 : i32
        %mul3A_262 = arith.muli %mul3A_256, %mul3A_261 : i32
        %run_scoped3A = arith.constant 0 : i32
        "tpu.region"() ({
          %run_scoped3A_346 = tpu.sem_alloc : memref<!tpu.dma_semaphore, #tpu.memory_space<semaphore_mem>>
          %dma_start3A_347 = arith.constant 0 : i32
          %dma_start3A_348 = arith.constant 0 : i32
          %dma_start3A_349 = tpu.memref_slice %arg16[%run_scoped3A, %dma_start3A_347, %dma_start3A_348] : memref<2x2x128xi32, #tpu.memory_space<vmem>> -> memref<1x2x128xi32, #tpu.memory_space<vmem>>
          %dma_start3A_350 = tpu.memref_squeeze %dma_start3A_349 : memref<1x2x128xi32, #tpu.memory_space<vmem>> -> memref<2x128xi32, #tpu.memory_space<vmem>>
          %dma_start3A_351 = arith.constant 0 : i32
          %dma_start3A_352 = tpu.memref_slice %arg5[%arg1, %mul3A_262, %dma_start3A_351] : memref<16x392x128xi32, #tpu.memory_space<hbm>> -> memref<1x2x128xi32, #tpu.memory_space<hbm>>
          %dma_start3A_353 = tpu.memref_squeeze %dma_start3A_352 : memref<1x2x128xi32, #tpu.memory_space<hbm>> -> memref<2x128xi32, #tpu.memory_space<hbm>>
          %dma_start3A_354 = arith.constant 0 : i32
          %dma_start3A_355 = arith.constant 0 : i32
          %dma_start3A_356 = tpu.memref_slice %arg16[%run_scoped3A, %dma_start3A_354, %dma_start3A_355] : memref<2x2x128xi32, #tpu.memory_space<vmem>> -> memref<1x2x128xi32, #tpu.memory_space<vmem>>
          %dma_start3A_357 = tpu.memref_squeeze %dma_start3A_356 : memref<1x2x128xi32, #tpu.memory_space<vmem>> -> memref<2x128xi32, #tpu.memory_space<vmem>>
          %dma_start3A_358 = arith.constant 0 : i32
          %dma_start3A_359 = tpu.memref_slice %arg5[%arg1, %mul3A_262, %dma_start3A_358] : memref<16x392x128xi32, #tpu.memory_space<hbm>> -> memref<1x2x128xi32, #tpu.memory_space<hbm>>
          %dma_start3A_360 = tpu.memref_squeeze %dma_start3A_359 : memref<1x2x128xi32, #tpu.memory_space<hbm>> -> memref<2x128xi32, #tpu.memory_space<hbm>>
          tpu.enqueue_dma source(%dma_start3A_360 : memref<2x128xi32, #tpu.memory_space<hbm>>) target(%dma_start3A_357 : memref<2x128xi32, #tpu.memory_space<vmem>>) target_semaphore(%run_scoped3A_346 : memref<!tpu.dma_semaphore, #tpu.memory_space<semaphore_mem>>)
          %dma_wait3A_361 = arith.constant 0 : i32
          %dma_wait3A_362 = arith.constant 0 : i32
          %dma_wait3A_363 = tpu.memref_slice %arg16[%run_scoped3A, %dma_wait3A_361, %dma_wait3A_362] : memref<2x2x128xi32, #tpu.memory_space<vmem>> -> memref<1x2x128xi32, #tpu.memory_space<vmem>>
          %dma_wait3A_364 = tpu.memref_squeeze %dma_wait3A_363 : memref<1x2x128xi32, #tpu.memory_space<vmem>> -> memref<2x128xi32, #tpu.memory_space<vmem>>
          %dma_wait3A_365 = arith.constant 0 : i32
          %dma_wait3A_366 = tpu.memref_slice %arg5[%arg1, %mul3A_262, %dma_wait3A_365] : memref<16x392x128xi32, #tpu.memory_space<hbm>> -> memref<1x2x128xi32, #tpu.memory_space<hbm>>
          %dma_wait3A_367 = tpu.memref_squeeze %dma_wait3A_366 : memref<1x2x128xi32, #tpu.memory_space<hbm>> -> memref<2x128xi32, #tpu.memory_space<hbm>>
          %dma_wait3A_368 = arith.constant 0 : i32
          %dma_wait3A_369 = arith.constant 0 : i32
          %dma_wait3A_370 = tpu.memref_slice %arg16[%run_scoped3A, %dma_wait3A_368, %dma_wait3A_369] : memref<2x2x128xi32, #tpu.memory_space<vmem>> -> memref<1x2x128xi32, #tpu.memory_space<vmem>>
          %dma_wait3A_371 = tpu.memref_squeeze %dma_wait3A_370 : memref<1x2x128xi32, #tpu.memory_space<vmem>> -> memref<2x128xi32, #tpu.memory_space<vmem>>
          %dma_wait3A_372 = arith.constant 0 : i32
          %dma_wait3A_373 = tpu.memref_slice %arg5[%arg1, %mul3A_262, %dma_wait3A_372] : memref<16x392x128xi32, #tpu.memory_space<hbm>> -> memref<1x2x128xi32, #tpu.memory_space<hbm>>
          %dma_wait3A_374 = tpu.memref_squeeze %dma_wait3A_373 : memref<1x2x128xi32, #tpu.memory_space<hbm>> -> memref<2x128xi32, #tpu.memory_space<hbm>>
          tpu.wait_dma2 semaphore(%run_scoped3A_346 : memref<!tpu.dma_semaphore, #tpu.memory_space<semaphore_mem>>) src(%dma_wait3A_374 : memref<2x128xi32, #tpu.memory_space<hbm>>) dst(%dma_wait3A_371 : memref<2x128xi32, #tpu.memory_space<vmem>>)
          tpu.yield
        }) : () -> ()
        %mul3A_263 = arith.constant 2 : i32
        %mul3A_264 = arith.muli %mul3A_256, %mul3A_263 : i32
        %run_scoped3A_265 = arith.constant 0 : i32
        "tpu.region"() ({
          %run_scoped3A_346 = tpu.sem_alloc : memref<!tpu.dma_semaphore, #tpu.memory_space<semaphore_mem>>
          %dma_start3A_347 = arith.constant 0 : i32
          %dma_start3A_348 = arith.constant 0 : i32
          %dma_start3A_349 = tpu.memref_slice %arg17[%run_scoped3A_265, %dma_start3A_347, %dma_start3A_348] : memref<2x2x128xi32, #tpu.memory_space<vmem>> -> memref<1x2x128xi32, #tpu.memory_space<vmem>>
          %dma_start3A_350 = tpu.memref_squeeze %dma_start3A_349 : memref<1x2x128xi32, #tpu.memory_space<vmem>> -> memref<2x128xi32, #tpu.memory_space<vmem>>
          %dma_start3A_351 = arith.constant 0 : i32
          %dma_start3A_352 = tpu.memref_slice %arg6[%arg1, %mul3A_264, %dma_start3A_351] : memref<16x392x128xi32, #tpu.memory_space<hbm>> -> memref<1x2x128xi32, #tpu.memory_space<hbm>>
          %dma_start3A_353 = tpu.memref_squeeze %dma_start3A_352 : memref<1x2x128xi32, #tpu.memory_space<hbm>> -> memref<2x128xi32, #tpu.memory_space<hbm>>
          %dma_start3A_354 = arith.constant 0 : i32
          %dma_start3A_355 = arith.constant 0 : i32
          %dma_start3A_356 = tpu.memref_slice %arg17[%run_scoped3A_265, %dma_start3A_354, %dma_start3A_355] : memref<2x2x128xi32, #tpu.memory_space<vmem>> -> memref<1x2x128xi32, #tpu.memory_space<vmem>>
          %dma_start3A_357 = tpu.memref_squeeze %dma_start3A_356 : memref<1x2x128xi32, #tpu.memory_space<vmem>> -> memref<2x128xi32, #tpu.memory_space<vmem>>
          %dma_start3A_358 = arith.constant 0 : i32
          %dma_start3A_359 = tpu.memref_slice %arg6[%arg1, %mul3A_264, %dma_start3A_358] : memref<16x392x128xi32, #tpu.memory_space<hbm>> -> memref<1x2x128xi32, #tpu.memory_space<hbm>>
          %dma_start3A_360 = tpu.memref_squeeze %dma_start3A_359 : memref<1x2x128xi32, #tpu.memory_space<hbm>> -> memref<2x128xi32, #tpu.memory_space<hbm>>
          tpu.enqueue_dma source(%dma_start3A_360 : memref<2x128xi32, #tpu.memory_space<hbm>>) target(%dma_start3A_357 : memref<2x128xi32, #tpu.memory_space<vmem>>) target_semaphore(%run_scoped3A_346 : memref<!tpu.dma_semaphore, #tpu.memory_space<semaphore_mem>>)
          %dma_wait3A_361 = arith.constant 0 : i32
          %dma_wait3A_362 = arith.constant 0 : i32
          %dma_wait3A_363 = tpu.memref_slice %arg17[%run_scoped3A_265, %dma_wait3A_361, %dma_wait3A_362] : memref<2x2x128xi32, #tpu.memory_space<vmem>> -> memref<1x2x128xi32, #tpu.memory_space<vmem>>
          %dma_wait3A_364 = tpu.memref_squeeze %dma_wait3A_363 : memref<1x2x128xi32, #tpu.memory_space<vmem>> -> memref<2x128xi32, #tpu.memory_space<vmem>>
          %dma_wait3A_365 = arith.constant 0 : i32
          %dma_wait3A_366 = tpu.memref_slice %arg6[%arg1, %mul3A_264, %dma_wait3A_365] : memref<16x392x128xi32, #tpu.memory_space<hbm>> -> memref<1x2x128xi32, #tpu.memory_space<hbm>>
          %dma_wait3A_367 = tpu.memref_squeeze %dma_wait3A_366 : memref<1x2x128xi32, #tpu.memory_space<hbm>> -> memref<2x128xi32, #tpu.memory_space<hbm>>
          %dma_wait3A_368 = arith.constant 0 : i32
          %dma_wait3A_369 = arith.constant 0 : i32
          %dma_wait3A_370 = tpu.memref_slice %arg17[%run_scoped3A_265, %dma_wait3A_368, %dma_wait3A_369] : memref<2x2x128xi32, #tpu.memory_space<vmem>> -> memref<1x2x128xi32, #tpu.memory_space<vmem>>
          %dma_wait3A_371 = tpu.memref_squeeze %dma_wait3A_370 : memref<1x2x128xi32, #tpu.memory_space<vmem>> -> memref<2x128xi32, #tpu.memory_space<vmem>>
          %dma_wait3A_372 = arith.constant 0 : i32
          %dma_wait3A_373 = tpu.memref_slice %arg6[%arg1, %mul3A_264, %dma_wait3A_372] : memref<16x392x128xi32, #tpu.memory_space<hbm>> -> memref<1x2x128xi32, #tpu.memory_space<hbm>>
          %dma_wait3A_374 = tpu.memref_squeeze %dma_wait3A_373 : memref<1x2x128xi32, #tpu.memory_space<hbm>> -> memref<2x128xi32, #tpu.memory_space<hbm>>
          tpu.wait_dma2 semaphore(%run_scoped3A_346 : memref<!tpu.dma_semaphore, #tpu.memory_space<semaphore_mem>>) src(%dma_wait3A_374 : memref<2x128xi32, #tpu.memory_space<hbm>>) dst(%dma_wait3A_371 : memref<2x128xi32, #tpu.memory_space<vmem>>)
          tpu.yield
        }) : () -> ()
        %dma_start3A_266 = arith.constant 0 : i32
        %dma_start3A_267 = arith.constant 0 : i32
        %dma_start3A_268 = arith.constant 0 : i32
        %dma_start3A_269 = arith.constant 0 : i32
        %dma_start3A_270 = arith.constant 0 : i32
        %dma_start3A_271 = arith.constant 0 : i32
        %dma_start3A_272 = tpu.memref_slice %arg18[%dma_start3A_268, %dma_start3A_269, %dma_start3A_270, %dma_start3A_271] : memref<2x2x128x32xf32, #tpu.memory_space<vmem>> -> memref<1x1x128x32xf32, #tpu.memory_space<vmem>>
        %dma_start3A_273 = tpu.memref_squeeze %dma_start3A_272 : memref<1x1x128x32xf32, #tpu.memory_space<vmem>> -> memref<128x32xf32, #tpu.memory_space<vmem>>
        %dma_start3A_274 = arith.constant 0 : i32
        %dma_start3A_275 = tpu.memref_slice %arg16[%dma_start3A_266, %dma_start3A_267, %dma_start3A_274] : memref<2x2x128xi32, #tpu.memory_space<vmem>> -> memref<1x1x128xi32, #tpu.memory_space<vmem>>
        %dma_start3A_276 = tpu.memref_squeeze %dma_start3A_275 : memref<1x1x128xi32, #tpu.memory_space<vmem>> -> memref<128xi32, #tpu.memory_space<vmem>>
        %dma_start3A_277 = arith.constant 0 : i32
        %dma_start3A_278 = arith.constant 0 : i32
        %dma_start3A_279 = tpu.memref_slice %arg7[%dma_start3A_277, %dma_start3A_278] : memref<53248x32xf32, #tpu.memory_space<hbm>> -> memref<53248x32xf32, #tpu.memory_space<hbm>>
        tpu.enqueue_indirect_dma source(%dma_start3A_279 : memref<53248x32xf32, #tpu.memory_space<hbm>>) target(%dma_start3A_273 : memref<128x32xf32, #tpu.memory_space<vmem>>) offsets(%dma_start3A_276 : memref<128xi32, #tpu.memory_space<vmem>>) semaphore(%arg20 : memref<!tpu.dma_semaphore, #tpu.memory_space<semaphore_mem>>)
        %dma_start3A_280 = arith.constant 0 : i32
        %dma_start3A_281 = arith.constant 1 : i32
        %dma_start3A_282 = arith.constant 0 : i32
        %dma_start3A_283 = arith.constant 1 : i32
        %dma_start3A_284 = arith.constant 0 : i32
        %dma_start3A_285 = arith.constant 0 : i32
        %dma_start3A_286 = tpu.memref_slice %arg18[%dma_start3A_282, %dma_start3A_283, %dma_start3A_284, %dma_start3A_285] : memref<2x2x128x32xf32, #tpu.memory_space<vmem>> -> memref<1x1x128x32xf32, #tpu.memory_space<vmem>>
        %dma_start3A_287 = tpu.memref_squeeze %dma_start3A_286 : memref<1x1x128x32xf32, #tpu.memory_space<vmem>> -> memref<128x32xf32, #tpu.memory_space<vmem>>
        %dma_start3A_288 = arith.constant 0 : i32
        %dma_start3A_289 = tpu.memref_slice %arg16[%dma_start3A_280, %dma_start3A_281, %dma_start3A_288] : memref<2x2x128xi32, #tpu.memory_space<vmem>> -> memref<1x1x128xi32, #tpu.memory_space<vmem>>
        %dma_start3A_290 = tpu.memref_squeeze %dma_start3A_289 : memref<1x1x128xi32, #tpu.memory_space<vmem>> -> memref<128xi32, #tpu.memory_space<vmem>>
        %dma_start3A_291 = arith.constant 0 : i32
        %dma_start3A_292 = arith.constant 0 : i32
        %dma_start3A_293 = tpu.memref_slice %arg7[%dma_start3A_291, %dma_start3A_292] : memref<53248x32xf32, #tpu.memory_space<hbm>> -> memref<53248x32xf32, #tpu.memory_space<hbm>>
        tpu.enqueue_indirect_dma source(%dma_start3A_293 : memref<53248x32xf32, #tpu.memory_space<hbm>>) target(%dma_start3A_287 : memref<128x32xf32, #tpu.memory_space<vmem>>) offsets(%dma_start3A_290 : memref<128xi32, #tpu.memory_space<vmem>>) semaphore(%arg20 : memref<!tpu.dma_semaphore, #tpu.memory_space<semaphore_mem>>)
        %ge3A_294 = arith.constant 1 : i32
        %ge3A_295 = arith.cmpi sge, %mul3A_256, %ge3A_294 : i32
        %convert_element_type3A_296 = arith.extui %ge3A_295 : i1 to i32
        %cond3A_297 = arith.constant 0 : i32
        %cond3A_298 = arith.cmpi ne, %convert_element_type3A_296, %cond3A_297 : i32
        scf.if %cond3A_298 {
          %dma_wait3A_346 = arith.constant 1 : i32
          %dma_wait3A_347 = arith.constant 0 : i32
          %dma_wait3A_348 = arith.constant 1 : i32
          %dma_wait3A_349 = arith.constant 0 : i32
          %dma_wait3A_350 = arith.constant 0 : i32
          %dma_wait3A_351 = arith.constant 0 : i32
          %dma_wait3A_352 = tpu.memref_slice %arg18[%dma_wait3A_348, %dma_wait3A_349, %dma_wait3A_350, %dma_wait3A_351] : memref<2x2x128x32xf32, #tpu.memory_space<vmem>> -> memref<1x1x128x32xf32, #tpu.memory_space<vmem>>
          %dma_wait3A_353 = tpu.memref_squeeze %dma_wait3A_352 : memref<1x1x128x32xf32, #tpu.memory_space<vmem>> -> memref<128x32xf32, #tpu.memory_space<vmem>>
          %dma_wait3A_354 = arith.constant 0 : i32
          %dma_wait3A_355 = tpu.memref_slice %arg16[%dma_wait3A_346, %dma_wait3A_347, %dma_wait3A_354] : memref<2x2x128xi32, #tpu.memory_space<vmem>> -> memref<1x1x128xi32, #tpu.memory_space<vmem>>
          %dma_wait3A_356 = tpu.memref_squeeze %dma_wait3A_355 : memref<1x1x128xi32, #tpu.memory_space<vmem>> -> memref<128xi32, #tpu.memory_space<vmem>>
          %dma_wait3A_357 = arith.constant 0 : i32
          %dma_wait3A_358 = arith.constant 0 : i32
          %dma_wait3A_359 = tpu.memref_slice %arg7[%dma_wait3A_357, %dma_wait3A_358] : memref<53248x32xf32, #tpu.memory_space<hbm>> -> memref<53248x32xf32, #tpu.memory_space<hbm>>
          tpu.wait_indirect_dma semaphore(%arg21 : memref<!tpu.dma_semaphore, #tpu.memory_space<semaphore_mem>>) src(%dma_wait3A_359 : memref<53248x32xf32, #tpu.memory_space<hbm>>) dst(%dma_wait3A_353 : memref<128x32xf32, #tpu.memory_space<vmem>>)
          %dma_wait3A_360 = arith.constant 1 : i32
          %dma_wait3A_361 = arith.constant 1 : i32
          %dma_wait3A_362 = arith.constant 1 : i32
          %dma_wait3A_363 = arith.constant 1 : i32
          %dma_wait3A_364 = arith.constant 0 : i32
          %dma_wait3A_365 = arith.constant 0 : i32
          %dma_wait3A_366 = tpu.memref_slice %arg18[%dma_wait3A_362, %dma_wait3A_363, %dma_wait3A_364, %dma_wait3A_365] : memref<2x2x128x32xf32, #tpu.memory_space<vmem>> -> memref<1x1x128x32xf32, #tpu.memory_space<vmem>>
          %dma_wait3A_367 = tpu.memref_squeeze %dma_wait3A_366 : memref<1x1x128x32xf32, #tpu.memory_space<vmem>> -> memref<128x32xf32, #tpu.memory_space<vmem>>
          %dma_wait3A_368 = arith.constant 0 : i32
          %dma_wait3A_369 = tpu.memref_slice %arg16[%dma_wait3A_360, %dma_wait3A_361, %dma_wait3A_368] : memref<2x2x128xi32, #tpu.memory_space<vmem>> -> memref<1x1x128xi32, #tpu.memory_space<vmem>>
          %dma_wait3A_370 = tpu.memref_squeeze %dma_wait3A_369 : memref<1x1x128xi32, #tpu.memory_space<vmem>> -> memref<128xi32, #tpu.memory_space<vmem>>
          %dma_wait3A_371 = arith.constant 0 : i32
          %dma_wait3A_372 = arith.constant 0 : i32
          %dma_wait3A_373 = tpu.memref_slice %arg7[%dma_wait3A_371, %dma_wait3A_372] : memref<53248x32xf32, #tpu.memory_space<hbm>> -> memref<53248x32xf32, #tpu.memory_space<hbm>>
          tpu.wait_indirect_dma semaphore(%arg21 : memref<!tpu.dma_semaphore, #tpu.memory_space<semaphore_mem>>) src(%dma_wait3A_373 : memref<53248x32xf32, #tpu.memory_space<hbm>>) dst(%dma_wait3A_367 : memref<128x32xf32, #tpu.memory_space<vmem>>)
          %dma_start3A_374 = arith.constant 1 : i32
          %dma_start3A_375 = arith.constant 0 : i32
          %dma_start3A_376 = arith.constant 1 : i32
          %dma_start3A_377 = arith.constant 0 : i32
          %dma_start3A_378 = arith.constant 0 : i32
          %dma_start3A_379 = arith.constant 0 : i32
          %dma_start3A_380 = tpu.memref_slice %arg18[%dma_start3A_374, %dma_start3A_375, %dma_start3A_378, %dma_start3A_379] : memref<2x2x128x32xf32, #tpu.memory_space<vmem>> -> memref<1x1x128x32xf32, #tpu.memory_space<vmem>>
          %dma_start3A_381 = tpu.memref_squeeze %dma_start3A_380 : memref<1x1x128x32xf32, #tpu.memory_space<vmem>> -> memref<128x32xf32, #tpu.memory_space<vmem>>
          %dma_start3A_382 = arith.constant 0 : i32
          %dma_start3A_383 = tpu.memref_slice %arg17[%dma_start3A_376, %dma_start3A_377, %dma_start3A_382] : memref<2x2x128xi32, #tpu.memory_space<vmem>> -> memref<1x1x128xi32, #tpu.memory_space<vmem>>
          %dma_start3A_384 = tpu.memref_squeeze %dma_start3A_383 : memref<1x1x128xi32, #tpu.memory_space<vmem>> -> memref<128xi32, #tpu.memory_space<vmem>>
          %dma_start3A_385 = arith.constant 0 : i32
          %dma_start3A_386 = arith.constant 0 : i32
          %dma_start3A_387 = tpu.memref_slice %arg13[%dma_start3A_385, %dma_start3A_386] : memref<53248x32xf32, #tpu.memory_space<vmem_shared>> -> memref<53248x32xf32, #tpu.memory_space<vmem_shared>>
          tpu.enqueue_indirect_dma source(%dma_start3A_381 : memref<128x32xf32, #tpu.memory_space<vmem>>) target(%dma_start3A_387 : memref<53248x32xf32, #tpu.memory_space<vmem_shared>>) offsets(%dma_start3A_384 : memref<128xi32, #tpu.memory_space<vmem>>) semaphore(%arg23 : memref<!tpu.dma_semaphore, #tpu.memory_space<semaphore_mem>>) {add = true}
          %dma_start3A_388 = arith.constant 1 : i32
          %dma_start3A_389 = arith.constant 0 : i32
          %dma_start3A_390 = arith.constant 0 : i32
          %dma_start3A_391 = tpu.memref_slice %arg17[%dma_start3A_388, %dma_start3A_389, %dma_start3A_390] : memref<2x2x128xi32, #tpu.memory_space<vmem>> -> memref<1x1x128xi32, #tpu.memory_space<vmem>>
          %dma_start3A_392 = tpu.memref_squeeze %dma_start3A_391 : memref<1x1x128xi32, #tpu.memory_space<vmem>> -> memref<128xi32, #tpu.memory_space<vmem>>
          %dma_start3A_393 = arith.constant 0 : i32
          %dma_start3A_394 = tpu.memref_slice %arg14[%dma_start3A_393] : memref<53248xf32, #tpu.memory_space<vmem_shared>> -> memref<53248xf32, #tpu.memory_space<vmem_shared>>
          tpu.enqueue_indirect_dma source(%arg19 : memref<128xf32, #tpu.memory_space<vmem>>) target(%dma_start3A_394 : memref<53248xf32, #tpu.memory_space<vmem_shared>>) offsets(%dma_start3A_392 : memref<128xi32, #tpu.memory_space<vmem>>) semaphore(%arg23 : memref<!tpu.dma_semaphore, #tpu.memory_space<semaphore_mem>>) {add = true}
          %dma_start3A_395 = arith.constant 1 : i32
          %dma_start3A_396 = arith.constant 0 : i32
          %dma_start3A_397 = arith.constant 0 : i32
          %dma_start3A_398 = tpu.memref_slice %arg16[%dma_start3A_395, %dma_start3A_396, %dma_start3A_397] : memref<2x2x128xi32, #tpu.memory_space<vmem>> -> memref<1x1x128xi32, #tpu.memory_space<vmem>>
          %dma_start3A_399 = tpu.memref_squeeze %dma_start3A_398 : memref<1x1x128xi32, #tpu.memory_space<vmem>> -> memref<128xi32, #tpu.memory_space<vmem>>
          %dma_start3A_400 = arith.constant 0 : i32
          %dma_start3A_401 = tpu.memref_slice %arg15[%dma_start3A_400] : memref<53248xf32, #tpu.memory_space<vmem_shared>> -> memref<53248xf32, #tpu.memory_space<vmem_shared>>
          tpu.enqueue_indirect_dma source(%arg19 : memref<128xf32, #tpu.memory_space<vmem>>) target(%dma_start3A_401 : memref<53248xf32, #tpu.memory_space<vmem_shared>>) offsets(%dma_start3A_399 : memref<128xi32, #tpu.memory_space<vmem>>) semaphore(%arg23 : memref<!tpu.dma_semaphore, #tpu.memory_space<semaphore_mem>>) {add = true}
          %dma_start3A_402 = arith.constant 1 : i32
          %dma_start3A_403 = arith.constant 1 : i32
          %dma_start3A_404 = arith.constant 1 : i32
          %dma_start3A_405 = arith.constant 1 : i32
          %dma_start3A_406 = arith.constant 0 : i32
          %dma_start3A_407 = arith.constant 0 : i32
          %dma_start3A_408 = tpu.memref_slice %arg18[%dma_start3A_402, %dma_start3A_403, %dma_start3A_406, %dma_start3A_407] : memref<2x2x128x32xf32, #tpu.memory_space<vmem>> -> memref<1x1x128x32xf32, #tpu.memory_space<vmem>>
          %dma_start3A_409 = tpu.memref_squeeze %dma_start3A_408 : memref<1x1x128x32xf32, #tpu.memory_space<vmem>> -> memref<128x32xf32, #tpu.memory_space<vmem>>
          %dma_start3A_410 = arith.constant 0 : i32
          %dma_start3A_411 = tpu.memref_slice %arg17[%dma_start3A_404, %dma_start3A_405, %dma_start3A_410] : memref<2x2x128xi32, #tpu.memory_space<vmem>> -> memref<1x1x128xi32, #tpu.memory_space<vmem>>
          %dma_start3A_412 = tpu.memref_squeeze %dma_start3A_411 : memref<1x1x128xi32, #tpu.memory_space<vmem>> -> memref<128xi32, #tpu.memory_space<vmem>>
          %dma_start3A_413 = arith.constant 0 : i32
          %dma_start3A_414 = arith.constant 0 : i32
          %dma_start3A_415 = tpu.memref_slice %arg13[%dma_start3A_413, %dma_start3A_414] : memref<53248x32xf32, #tpu.memory_space<vmem_shared>> -> memref<53248x32xf32, #tpu.memory_space<vmem_shared>>
          tpu.enqueue_indirect_dma source(%dma_start3A_409 : memref<128x32xf32, #tpu.memory_space<vmem>>) target(%dma_start3A_415 : memref<53248x32xf32, #tpu.memory_space<vmem_shared>>) offsets(%dma_start3A_412 : memref<128xi32, #tpu.memory_space<vmem>>) semaphore(%arg23 : memref<!tpu.dma_semaphore, #tpu.memory_space<semaphore_mem>>) {add = true}
          %dma_start3A_416 = arith.constant 1 : i32
          %dma_start3A_417 = arith.constant 1 : i32
          %dma_start3A_418 = arith.constant 0 : i32
          %dma_start3A_419 = tpu.memref_slice %arg17[%dma_start3A_416, %dma_start3A_417, %dma_start3A_418] : memref<2x2x128xi32, #tpu.memory_space<vmem>> -> memref<1x1x128xi32, #tpu.memory_space<vmem>>
          %dma_start3A_420 = tpu.memref_squeeze %dma_start3A_419 : memref<1x1x128xi32, #tpu.memory_space<vmem>> -> memref<128xi32, #tpu.memory_space<vmem>>
          %dma_start3A_421 = arith.constant 0 : i32
          %dma_start3A_422 = tpu.memref_slice %arg14[%dma_start3A_421] : memref<53248xf32, #tpu.memory_space<vmem_shared>> -> memref<53248xf32, #tpu.memory_space<vmem_shared>>
          tpu.enqueue_indirect_dma source(%arg19 : memref<128xf32, #tpu.memory_space<vmem>>) target(%dma_start3A_422 : memref<53248xf32, #tpu.memory_space<vmem_shared>>) offsets(%dma_start3A_420 : memref<128xi32, #tpu.memory_space<vmem>>) semaphore(%arg23 : memref<!tpu.dma_semaphore, #tpu.memory_space<semaphore_mem>>) {add = true}
          %dma_start3A_423 = arith.constant 1 : i32
          %dma_start3A_424 = arith.constant 1 : i32
          %dma_start3A_425 = arith.constant 0 : i32
          %dma_start3A_426 = tpu.memref_slice %arg16[%dma_start3A_423, %dma_start3A_424, %dma_start3A_425] : memref<2x2x128xi32, #tpu.memory_space<vmem>> -> memref<1x1x128xi32, #tpu.memory_space<vmem>>
          %dma_start3A_427 = tpu.memref_squeeze %dma_start3A_426 : memref<1x1x128xi32, #tpu.memory_space<vmem>> -> memref<128xi32, #tpu.memory_space<vmem>>
          %dma_start3A_428 = arith.constant 0 : i32
          %dma_start3A_429 = tpu.memref_slice %arg15[%dma_start3A_428] : memref<53248xf32, #tpu.memory_space<vmem_shared>> -> memref<53248xf32, #tpu.memory_space<vmem_shared>>
          tpu.enqueue_indirect_dma source(%arg19 : memref<128xf32, #tpu.memory_space<vmem>>) target(%dma_start3A_429 : memref<53248xf32, #tpu.memory_space<vmem_shared>>) offsets(%dma_start3A_427 : memref<128xi32, #tpu.memory_space<vmem>>) semaphore(%arg23 : memref<!tpu.dma_semaphore, #tpu.memory_space<semaphore_mem>>) {add = true}
        } else {
        }
        %mul3A_299 = arith.constant 2 : i32
        %mul3A_300 = arith.muli %scan3A_254, %mul3A_299 : i32
        %add3A = arith.constant 1 : i32
        %add3A_301 = arith.addi %mul3A_300, %add3A : i32
        %ge3A_302 = arith.constant 2 : i32
        %ge3A_303 = arith.cmpi sge, %add3A_301, %ge3A_302 : i32
        %convert_element_type3A_304 = arith.extui %ge3A_303 : i1 to i32
        %cond3A_305 = arith.constant 0 : i32
        %cond3A_306 = arith.cmpi ne, %convert_element_type3A_304, %cond3A_305 : i32
        scf.if %cond3A_306 {
          %dma_wait3A_346 = arith.constant 1 : i32
          %dma_wait3A_347 = arith.constant 0 : i32
          %dma_wait3A_348 = arith.constant 1 : i32
          %dma_wait3A_349 = arith.constant 0 : i32
          %dma_wait3A_350 = arith.constant 0 : i32
          %dma_wait3A_351 = arith.constant 0 : i32
          %dma_wait3A_352 = tpu.memref_slice %arg18[%dma_wait3A_346, %dma_wait3A_347, %dma_wait3A_350, %dma_wait3A_351] : memref<2x2x128x32xf32, #tpu.memory_space<vmem>> -> memref<1x1x128x32xf32, #tpu.memory_space<vmem>>
          %dma_wait3A_353 = tpu.memref_squeeze %dma_wait3A_352 : memref<1x1x128x32xf32, #tpu.memory_space<vmem>> -> memref<128x32xf32, #tpu.memory_space<vmem>>
          %dma_wait3A_354 = arith.constant 0 : i32
          %dma_wait3A_355 = tpu.memref_slice %arg17[%dma_wait3A_348, %dma_wait3A_349, %dma_wait3A_354] : memref<2x2x128xi32, #tpu.memory_space<vmem>> -> memref<1x1x128xi32, #tpu.memory_space<vmem>>
          %dma_wait3A_356 = tpu.memref_squeeze %dma_wait3A_355 : memref<1x1x128xi32, #tpu.memory_space<vmem>> -> memref<128xi32, #tpu.memory_space<vmem>>
          %dma_wait3A_357 = arith.constant 0 : i32
          %dma_wait3A_358 = arith.constant 0 : i32
          %dma_wait3A_359 = tpu.memref_slice %arg13[%dma_wait3A_357, %dma_wait3A_358] : memref<53248x32xf32, #tpu.memory_space<vmem_shared>> -> memref<53248x32xf32, #tpu.memory_space<vmem_shared>>
          tpu.wait_indirect_dma semaphore(%arg23 : memref<!tpu.dma_semaphore, #tpu.memory_space<semaphore_mem>>) src(%dma_wait3A_353 : memref<128x32xf32, #tpu.memory_space<vmem>>) dst(%dma_wait3A_359 : memref<53248x32xf32, #tpu.memory_space<vmem_shared>>)
          %dma_wait3A_360 = arith.constant 1 : i32
          %dma_wait3A_361 = arith.constant 0 : i32
          %dma_wait3A_362 = arith.constant 0 : i32
          %dma_wait3A_363 = tpu.memref_slice %arg17[%dma_wait3A_360, %dma_wait3A_361, %dma_wait3A_362] : memref<2x2x128xi32, #tpu.memory_space<vmem>> -> memref<1x1x128xi32, #tpu.memory_space<vmem>>
          %dma_wait3A_364 = tpu.memref_squeeze %dma_wait3A_363 : memref<1x1x128xi32, #tpu.memory_space<vmem>> -> memref<128xi32, #tpu.memory_space<vmem>>
          %dma_wait3A_365 = arith.constant 0 : i32
          %dma_wait3A_366 = tpu.memref_slice %arg14[%dma_wait3A_365] : memref<53248xf32, #tpu.memory_space<vmem_shared>> -> memref<53248xf32, #tpu.memory_space<vmem_shared>>
          tpu.wait_indirect_dma semaphore(%arg23 : memref<!tpu.dma_semaphore, #tpu.memory_space<semaphore_mem>>) src(%arg19 : memref<128xf32, #tpu.memory_space<vmem>>) dst(%dma_wait3A_366 : memref<53248xf32, #tpu.memory_space<vmem_shared>>)
          %dma_wait3A_367 = arith.constant 1 : i32
          %dma_wait3A_368 = arith.constant 0 : i32
          %dma_wait3A_369 = arith.constant 0 : i32
          %dma_wait3A_370 = tpu.memref_slice %arg16[%dma_wait3A_367, %dma_wait3A_368, %dma_wait3A_369] : memref<2x2x128xi32, #tpu.memory_space<vmem>> -> memref<1x1x128xi32, #tpu.memory_space<vmem>>
          %dma_wait3A_371 = tpu.memref_squeeze %dma_wait3A_370 : memref<1x1x128xi32, #tpu.memory_space<vmem>> -> memref<128xi32, #tpu.memory_space<vmem>>
          %dma_wait3A_372 = arith.constant 0 : i32
          %dma_wait3A_373 = tpu.memref_slice %arg15[%dma_wait3A_372] : memref<53248xf32, #tpu.memory_space<vmem_shared>> -> memref<53248xf32, #tpu.memory_space<vmem_shared>>
          tpu.wait_indirect_dma semaphore(%arg23 : memref<!tpu.dma_semaphore, #tpu.memory_space<semaphore_mem>>) src(%arg19 : memref<128xf32, #tpu.memory_space<vmem>>) dst(%dma_wait3A_373 : memref<53248xf32, #tpu.memory_space<vmem_shared>>)
          %dma_wait3A_374 = arith.constant 1 : i32
          %dma_wait3A_375 = arith.constant 1 : i32
          %dma_wait3A_376 = arith.constant 1 : i32
          %dma_wait3A_377 = arith.constant 1 : i32
          %dma_wait3A_378 = arith.constant 0 : i32
          %dma_wait3A_379 = arith.constant 0 : i32
          %dma_wait3A_380 = tpu.memref_slice %arg18[%dma_wait3A_374, %dma_wait3A_375, %dma_wait3A_378, %dma_wait3A_379] : memref<2x2x128x32xf32, #tpu.memory_space<vmem>> -> memref<1x1x128x32xf32, #tpu.memory_space<vmem>>
          %dma_wait3A_381 = tpu.memref_squeeze %dma_wait3A_380 : memref<1x1x128x32xf32, #tpu.memory_space<vmem>> -> memref<128x32xf32, #tpu.memory_space<vmem>>
          %dma_wait3A_382 = arith.constant 0 : i32
          %dma_wait3A_383 = tpu.memref_slice %arg17[%dma_wait3A_376, %dma_wait3A_377, %dma_wait3A_382] : memref<2x2x128xi32, #tpu.memory_space<vmem>> -> memref<1x1x128xi32, #tpu.memory_space<vmem>>
          %dma_wait3A_384 = tpu.memref_squeeze %dma_wait3A_383 : memref<1x1x128xi32, #tpu.memory_space<vmem>> -> memref<128xi32, #tpu.memory_space<vmem>>
          %dma_wait3A_385 = arith.constant 0 : i32
          %dma_wait3A_386 = arith.constant 0 : i32
          %dma_wait3A_387 = tpu.memref_slice %arg13[%dma_wait3A_385, %dma_wait3A_386] : memref<53248x32xf32, #tpu.memory_space<vmem_shared>> -> memref<53248x32xf32, #tpu.memory_space<vmem_shared>>
          tpu.wait_indirect_dma semaphore(%arg23 : memref<!tpu.dma_semaphore, #tpu.memory_space<semaphore_mem>>) src(%dma_wait3A_381 : memref<128x32xf32, #tpu.memory_space<vmem>>) dst(%dma_wait3A_387 : memref<53248x32xf32, #tpu.memory_space<vmem_shared>>)
          %dma_wait3A_388 = arith.constant 1 : i32
          %dma_wait3A_389 = arith.constant 1 : i32
          %dma_wait3A_390 = arith.constant 0 : i32
          %dma_wait3A_391 = tpu.memref_slice %arg17[%dma_wait3A_388, %dma_wait3A_389, %dma_wait3A_390] : memref<2x2x128xi32, #tpu.memory_space<vmem>> -> memref<1x1x128xi32, #tpu.memory_space<vmem>>
          %dma_wait3A_392 = tpu.memref_squeeze %dma_wait3A_391 : memref<1x1x128xi32, #tpu.memory_space<vmem>> -> memref<128xi32, #tpu.memory_space<vmem>>
          %dma_wait3A_393 = arith.constant 0 : i32
          %dma_wait3A_394 = tpu.memref_slice %arg14[%dma_wait3A_393] : memref<53248xf32, #tpu.memory_space<vmem_shared>> -> memref<53248xf32, #tpu.memory_space<vmem_shared>>
          tpu.wait_indirect_dma semaphore(%arg23 : memref<!tpu.dma_semaphore, #tpu.memory_space<semaphore_mem>>) src(%arg19 : memref<128xf32, #tpu.memory_space<vmem>>) dst(%dma_wait3A_394 : memref<53248xf32, #tpu.memory_space<vmem_shared>>)
          %dma_wait3A_395 = arith.constant 1 : i32
          %dma_wait3A_396 = arith.constant 1 : i32
          %dma_wait3A_397 = arith.constant 0 : i32
          %dma_wait3A_398 = tpu.memref_slice %arg16[%dma_wait3A_395, %dma_wait3A_396, %dma_wait3A_397] : memref<2x2x128xi32, #tpu.memory_space<vmem>> -> memref<1x1x128xi32, #tpu.memory_space<vmem>>
          %dma_wait3A_399 = tpu.memref_squeeze %dma_wait3A_398 : memref<1x1x128xi32, #tpu.memory_space<vmem>> -> memref<128xi32, #tpu.memory_space<vmem>>
          %dma_wait3A_400 = arith.constant 0 : i32
          %dma_wait3A_401 = tpu.memref_slice %arg15[%dma_wait3A_400] : memref<53248xf32, #tpu.memory_space<vmem_shared>> -> memref<53248xf32, #tpu.memory_space<vmem_shared>>
          tpu.wait_indirect_dma semaphore(%arg23 : memref<!tpu.dma_semaphore, #tpu.memory_space<semaphore_mem>>) src(%arg19 : memref<128xf32, #tpu.memory_space<vmem>>) dst(%dma_wait3A_401 : memref<53248xf32, #tpu.memory_space<vmem_shared>>)
        } else {
        }
        %mul3A_307 = arith.constant 2 : i32
        %mul3A_308 = arith.muli %add3A_301, %mul3A_307 : i32
        %run_scoped3A_309 = arith.constant 1 : i32
        "tpu.region"() ({
          %run_scoped3A_346 = tpu.sem_alloc : memref<!tpu.dma_semaphore, #tpu.memory_space<semaphore_mem>>
          %dma_start3A_347 = arith.constant 0 : i32
          %dma_start3A_348 = arith.constant 0 : i32
          %dma_start3A_349 = tpu.memref_slice %arg16[%run_scoped3A_309, %dma_start3A_347, %dma_start3A_348] : memref<2x2x128xi32, #tpu.memory_space<vmem>> -> memref<1x2x128xi32, #tpu.memory_space<vmem>>
          %dma_start3A_350 = tpu.memref_squeeze %dma_start3A_349 : memref<1x2x128xi32, #tpu.memory_space<vmem>> -> memref<2x128xi32, #tpu.memory_space<vmem>>
          %dma_start3A_351 = arith.constant 0 : i32
          %dma_start3A_352 = tpu.memref_slice %arg5[%arg1, %mul3A_308, %dma_start3A_351] : memref<16x392x128xi32, #tpu.memory_space<hbm>> -> memref<1x2x128xi32, #tpu.memory_space<hbm>>
          %dma_start3A_353 = tpu.memref_squeeze %dma_start3A_352 : memref<1x2x128xi32, #tpu.memory_space<hbm>> -> memref<2x128xi32, #tpu.memory_space<hbm>>
          %dma_start3A_354 = arith.constant 0 : i32
          %dma_start3A_355 = arith.constant 0 : i32
          %dma_start3A_356 = tpu.memref_slice %arg16[%run_scoped3A_309, %dma_start3A_354, %dma_start3A_355] : memref<2x2x128xi32, #tpu.memory_space<vmem>> -> memref<1x2x128xi32, #tpu.memory_space<vmem>>
          %dma_start3A_357 = tpu.memref_squeeze %dma_start3A_356 : memref<1x2x128xi32, #tpu.memory_space<vmem>> -> memref<2x128xi32, #tpu.memory_space<vmem>>
          %dma_start3A_358 = arith.constant 0 : i32
          %dma_start3A_359 = tpu.memref_slice %arg5[%arg1, %mul3A_308, %dma_start3A_358] : memref<16x392x128xi32, #tpu.memory_space<hbm>> -> memref<1x2x128xi32, #tpu.memory_space<hbm>>
          %dma_start3A_360 = tpu.memref_squeeze %dma_start3A_359 : memref<1x2x128xi32, #tpu.memory_space<hbm>> -> memref<2x128xi32, #tpu.memory_space<hbm>>
          tpu.enqueue_dma source(%dma_start3A_360 : memref<2x128xi32, #tpu.memory_space<hbm>>) target(%dma_start3A_357 : memref<2x128xi32, #tpu.memory_space<vmem>>) target_semaphore(%run_scoped3A_346 : memref<!tpu.dma_semaphore, #tpu.memory_space<semaphore_mem>>)
          %dma_wait3A_361 = arith.constant 0 : i32
          %dma_wait3A_362 = arith.constant 0 : i32
          %dma_wait3A_363 = tpu.memref_slice %arg16[%run_scoped3A_309, %dma_wait3A_361, %dma_wait3A_362] : memref<2x2x128xi32, #tpu.memory_space<vmem>> -> memref<1x2x128xi32, #tpu.memory_space<vmem>>
          %dma_wait3A_364 = tpu.memref_squeeze %dma_wait3A_363 : memref<1x2x128xi32, #tpu.memory_space<vmem>> -> memref<2x128xi32, #tpu.memory_space<vmem>>
          %dma_wait3A_365 = arith.constant 0 : i32
          %dma_wait3A_366 = tpu.memref_slice %arg5[%arg1, %mul3A_308, %dma_wait3A_365] : memref<16x392x128xi32, #tpu.memory_space<hbm>> -> memref<1x2x128xi32, #tpu.memory_space<hbm>>
          %dma_wait3A_367 = tpu.memref_squeeze %dma_wait3A_366 : memref<1x2x128xi32, #tpu.memory_space<hbm>> -> memref<2x128xi32, #tpu.memory_space<hbm>>
          %dma_wait3A_368 = arith.constant 0 : i32
          %dma_wait3A_369 = arith.constant 0 : i32
          %dma_wait3A_370 = tpu.memref_slice %arg16[%run_scoped3A_309, %dma_wait3A_368, %dma_wait3A_369] : memref<2x2x128xi32, #tpu.memory_space<vmem>> -> memref<1x2x128xi32, #tpu.memory_space<vmem>>
          %dma_wait3A_371 = tpu.memref_squeeze %dma_wait3A_370 : memref<1x2x128xi32, #tpu.memory_space<vmem>> -> memref<2x128xi32, #tpu.memory_space<vmem>>
          %dma_wait3A_372 = arith.constant 0 : i32
          %dma_wait3A_373 = tpu.memref_slice %arg5[%arg1, %mul3A_308, %dma_wait3A_372] : memref<16x392x128xi32, #tpu.memory_space<hbm>> -> memref<1x2x128xi32, #tpu.memory_space<hbm>>
          %dma_wait3A_374 = tpu.memref_squeeze %dma_wait3A_373 : memref<1x2x128xi32, #tpu.memory_space<hbm>> -> memref<2x128xi32, #tpu.memory_space<hbm>>
          tpu.wait_dma2 semaphore(%run_scoped3A_346 : memref<!tpu.dma_semaphore, #tpu.memory_space<semaphore_mem>>) src(%dma_wait3A_374 : memref<2x128xi32, #tpu.memory_space<hbm>>) dst(%dma_wait3A_371 : memref<2x128xi32, #tpu.memory_space<vmem>>)
          tpu.yield
        }) : () -> ()
        %mul3A_310 = arith.constant 2 : i32
        %mul3A_311 = arith.muli %add3A_301, %mul3A_310 : i32
        %run_scoped3A_312 = arith.constant 1 : i32
        "tpu.region"() ({
          %run_scoped3A_346 = tpu.sem_alloc : memref<!tpu.dma_semaphore, #tpu.memory_space<semaphore_mem>>
          %dma_start3A_347 = arith.constant 0 : i32
          %dma_start3A_348 = arith.constant 0 : i32
          %dma_start3A_349 = tpu.memref_slice %arg17[%run_scoped3A_312, %dma_start3A_347, %dma_start3A_348] : memref<2x2x128xi32, #tpu.memory_space<vmem>> -> memref<1x2x128xi32, #tpu.memory_space<vmem>>
          %dma_start3A_350 = tpu.memref_squeeze %dma_start3A_349 : memref<1x2x128xi32, #tpu.memory_space<vmem>> -> memref<2x128xi32, #tpu.memory_space<vmem>>
          %dma_start3A_351 = arith.constant 0 : i32
          %dma_start3A_352 = tpu.memref_slice %arg6[%arg1, %mul3A_311, %dma_start3A_351] : memref<16x392x128xi32, #tpu.memory_space<hbm>> -> memref<1x2x128xi32, #tpu.memory_space<hbm>>
          %dma_start3A_353 = tpu.memref_squeeze %dma_start3A_352 : memref<1x2x128xi32, #tpu.memory_space<hbm>> -> memref<2x128xi32, #tpu.memory_space<hbm>>
          %dma_start3A_354 = arith.constant 0 : i32
          %dma_start3A_355 = arith.constant 0 : i32
          %dma_start3A_356 = tpu.memref_slice %arg17[%run_scoped3A_312, %dma_start3A_354, %dma_start3A_355] : memref<2x2x128xi32, #tpu.memory_space<vmem>> -> memref<1x2x128xi32, #tpu.memory_space<vmem>>
          %dma_start3A_357 = tpu.memref_squeeze %dma_start3A_356 : memref<1x2x128xi32, #tpu.memory_space<vmem>> -> memref<2x128xi32, #tpu.memory_space<vmem>>
          %dma_start3A_358 = arith.constant 0 : i32
          %dma_start3A_359 = tpu.memref_slice %arg6[%arg1, %mul3A_311, %dma_start3A_358] : memref<16x392x128xi32, #tpu.memory_space<hbm>> -> memref<1x2x128xi32, #tpu.memory_space<hbm>>
          %dma_start3A_360 = tpu.memref_squeeze %dma_start3A_359 : memref<1x2x128xi32, #tpu.memory_space<hbm>> -> memref<2x128xi32, #tpu.memory_space<hbm>>
          tpu.enqueue_dma source(%dma_start3A_360 : memref<2x128xi32, #tpu.memory_space<hbm>>) target(%dma_start3A_357 : memref<2x128xi32, #tpu.memory_space<vmem>>) target_semaphore(%run_scoped3A_346 : memref<!tpu.dma_semaphore, #tpu.memory_space<semaphore_mem>>)
          %dma_wait3A_361 = arith.constant 0 : i32
          %dma_wait3A_362 = arith.constant 0 : i32
          %dma_wait3A_363 = tpu.memref_slice %arg17[%run_scoped3A_312, %dma_wait3A_361, %dma_wait3A_362] : memref<2x2x128xi32, #tpu.memory_space<vmem>> -> memref<1x2x128xi32, #tpu.memory_space<vmem>>
          %dma_wait3A_364 = tpu.memref_squeeze %dma_wait3A_363 : memref<1x2x128xi32, #tpu.memory_space<vmem>> -> memref<2x128xi32, #tpu.memory_space<vmem>>
          %dma_wait3A_365 = arith.constant 0 : i32
          %dma_wait3A_366 = tpu.memref_slice %arg6[%arg1, %mul3A_311, %dma_wait3A_365] : memref<16x392x128xi32, #tpu.memory_space<hbm>> -> memref<1x2x128xi32, #tpu.memory_space<hbm>>
          %dma_wait3A_367 = tpu.memref_squeeze %dma_wait3A_366 : memref<1x2x128xi32, #tpu.memory_space<hbm>> -> memref<2x128xi32, #tpu.memory_space<hbm>>
          %dma_wait3A_368 = arith.constant 0 : i32
          %dma_wait3A_369 = arith.constant 0 : i32
          %dma_wait3A_370 = tpu.memref_slice %arg17[%run_scoped3A_312, %dma_wait3A_368, %dma_wait3A_369] : memref<2x2x128xi32, #tpu.memory_space<vmem>> -> memref<1x2x128xi32, #tpu.memory_space<vmem>>
          %dma_wait3A_371 = tpu.memref_squeeze %dma_wait3A_370 : memref<1x2x128xi32, #tpu.memory_space<vmem>> -> memref<2x128xi32, #tpu.memory_space<vmem>>
          %dma_wait3A_372 = arith.constant 0 : i32
          %dma_wait3A_373 = tpu.memref_slice %arg6[%arg1, %mul3A_311, %dma_wait3A_372] : memref<16x392x128xi32, #tpu.memory_space<hbm>> -> memref<1x2x128xi32, #tpu.memory_space<hbm>>
          %dma_wait3A_374 = tpu.memref_squeeze %dma_wait3A_373 : memref<1x2x128xi32, #tpu.memory_space<hbm>> -> memref<2x128xi32, #tpu.memory_space<hbm>>
          tpu.wait_dma2 semaphore(%run_scoped3A_346 : memref<!tpu.dma_semaphore, #tpu.memory_space<semaphore_mem>>) src(%dma_wait3A_374 : memref<2x128xi32, #tpu.memory_space<hbm>>) dst(%dma_wait3A_371 : memref<2x128xi32, #tpu.memory_space<vmem>>)
          tpu.yield
        }) : () -> ()
        %dma_start3A_313 = arith.constant 1 : i32
        %dma_start3A_314 = arith.constant 0 : i32
        %dma_start3A_315 = arith.constant 1 : i32
        %dma_start3A_316 = arith.constant 0 : i32
        %dma_start3A_317 = arith.constant 0 : i32
        %dma_start3A_318 = arith.constant 0 : i32
        %dma_start3A_319 = tpu.memref_slice %arg18[%dma_start3A_315, %dma_start3A_316, %dma_start3A_317, %dma_start3A_318] : memref<2x2x128x32xf32, #tpu.memory_space<vmem>> -> memref<1x1x128x32xf32, #tpu.memory_space<vmem>>
        %dma_start3A_320 = tpu.memref_squeeze %dma_start3A_319 : memref<1x1x128x32xf32, #tpu.memory_space<vmem>> -> memref<128x32xf32, #tpu.memory_space<vmem>>
        %dma_start3A_321 = arith.constant 0 : i32
        %dma_start3A_322 = tpu.memref_slice %arg16[%dma_start3A_313, %dma_start3A_314, %dma_start3A_321] : memref<2x2x128xi32, #tpu.memory_space<vmem>> -> memref<1x1x128xi32, #tpu.memory_space<vmem>>
        %dma_start3A_323 = tpu.memref_squeeze %dma_start3A_322 : memref<1x1x128xi32, #tpu.memory_space<vmem>> -> memref<128xi32, #tpu.memory_space<vmem>>
        %dma_start3A_324 = arith.constant 0 : i32
        %dma_start3A_325 = arith.constant 0 : i32
        %dma_start3A_326 = tpu.memref_slice %arg7[%dma_start3A_324, %dma_start3A_325] : memref<53248x32xf32, #tpu.memory_space<hbm>> -> memref<53248x32xf32, #tpu.memory_space<hbm>>
        tpu.enqueue_indirect_dma source(%dma_start3A_326 : memref<53248x32xf32, #tpu.memory_space<hbm>>) target(%dma_start3A_320 : memref<128x32xf32, #tpu.memory_space<vmem>>) offsets(%dma_start3A_323 : memref<128xi32, #tpu.memory_space<vmem>>) semaphore(%arg21 : memref<!tpu.dma_semaphore, #tpu.memory_space<semaphore_mem>>)
        %dma_start3A_327 = arith.constant 1 : i32
        %dma_start3A_328 = arith.constant 1 : i32
        %dma_start3A_329 = arith.constant 1 : i32
        %dma_start3A_330 = arith.constant 1 : i32
        %dma_start3A_331 = arith.constant 0 : i32
        %dma_start3A_332 = arith.constant 0 : i32
        %dma_start3A_333 = tpu.memref_slice %arg18[%dma_start3A_329, %dma_start3A_330, %dma_start3A_331, %dma_start3A_332] : memref<2x2x128x32xf32, #tpu.memory_space<vmem>> -> memref<1x1x128x32xf32, #tpu.memory_space<vmem>>
        %dma_start3A_334 = tpu.memref_squeeze %dma_start3A_333 : memref<1x1x128x32xf32, #tpu.memory_space<vmem>> -> memref<128x32xf32, #tpu.memory_space<vmem>>
        %dma_start3A_335 = arith.constant 0 : i32
        %dma_start3A_336 = tpu.memref_slice %arg16[%dma_start3A_327, %dma_start3A_328, %dma_start3A_335] : memref<2x2x128xi32, #tpu.memory_space<vmem>> -> memref<1x1x128xi32, #tpu.memory_space<vmem>>
        %dma_start3A_337 = tpu.memref_squeeze %dma_start3A_336 : memref<1x1x128xi32, #tpu.memory_space<vmem>> -> memref<128xi32, #tpu.memory_space<vmem>>
        %dma_start3A_338 = arith.constant 0 : i32
        %dma_start3A_339 = arith.constant 0 : i32
        %dma_start3A_340 = tpu.memref_slice %arg7[%dma_start3A_338, %dma_start3A_339] : memref<53248x32xf32, #tpu.memory_space<hbm>> -> memref<53248x32xf32, #tpu.memory_space<hbm>>
        tpu.enqueue_indirect_dma source(%dma_start3A_340 : memref<53248x32xf32, #tpu.memory_space<hbm>>) target(%dma_start3A_334 : memref<128x32xf32, #tpu.memory_space<vmem>>) offsets(%dma_start3A_337 : memref<128xi32, #tpu.memory_space<vmem>>) semaphore(%arg21 : memref<!tpu.dma_semaphore, #tpu.memory_space<semaphore_mem>>)
        %ge3A_341 = arith.constant 1 : i32
        %ge3A_342 = arith.cmpi sge, %add3A_301, %ge3A_341 : i32
        %convert_element_type3A_343 = arith.extui %ge3A_342 : i1 to i32
        %cond3A_344 = arith.constant 0 : i32
        %cond3A_345 = arith.cmpi ne, %convert_element_type3A_343, %cond3A_344 : i32
        scf.if %cond3A_345 {
          %dma_wait3A_346 = arith.constant 0 : i32
          %dma_wait3A_347 = arith.constant 0 : i32
          %dma_wait3A_348 = arith.constant 0 : i32
          %dma_wait3A_349 = arith.constant 0 : i32
          %dma_wait3A_350 = arith.constant 0 : i32
          %dma_wait3A_351 = arith.constant 0 : i32
          %dma_wait3A_352 = tpu.memref_slice %arg18[%dma_wait3A_348, %dma_wait3A_349, %dma_wait3A_350, %dma_wait3A_351] : memref<2x2x128x32xf32, #tpu.memory_space<vmem>> -> memref<1x1x128x32xf32, #tpu.memory_space<vmem>>
          %dma_wait3A_353 = tpu.memref_squeeze %dma_wait3A_352 : memref<1x1x128x32xf32, #tpu.memory_space<vmem>> -> memref<128x32xf32, #tpu.memory_space<vmem>>
          %dma_wait3A_354 = arith.constant 0 : i32
          %dma_wait3A_355 = tpu.memref_slice %arg16[%dma_wait3A_346, %dma_wait3A_347, %dma_wait3A_354] : memref<2x2x128xi32, #tpu.memory_space<vmem>> -> memref<1x1x128xi32, #tpu.memory_space<vmem>>
          %dma_wait3A_356 = tpu.memref_squeeze %dma_wait3A_355 : memref<1x1x128xi32, #tpu.memory_space<vmem>> -> memref<128xi32, #tpu.memory_space<vmem>>
          %dma_wait3A_357 = arith.constant 0 : i32
          %dma_wait3A_358 = arith.constant 0 : i32
          %dma_wait3A_359 = tpu.memref_slice %arg7[%dma_wait3A_357, %dma_wait3A_358] : memref<53248x32xf32, #tpu.memory_space<hbm>> -> memref<53248x32xf32, #tpu.memory_space<hbm>>
          tpu.wait_indirect_dma semaphore(%arg20 : memref<!tpu.dma_semaphore, #tpu.memory_space<semaphore_mem>>) src(%dma_wait3A_359 : memref<53248x32xf32, #tpu.memory_space<hbm>>) dst(%dma_wait3A_353 : memref<128x32xf32, #tpu.memory_space<vmem>>)
          %dma_wait3A_360 = arith.constant 0 : i32
          %dma_wait3A_361 = arith.constant 1 : i32
          %dma_wait3A_362 = arith.constant 0 : i32
          %dma_wait3A_363 = arith.constant 1 : i32
          %dma_wait3A_364 = arith.constant 0 : i32
          %dma_wait3A_365 = arith.constant 0 : i32
          %dma_wait3A_366 = tpu.memref_slice %arg18[%dma_wait3A_362, %dma_wait3A_363, %dma_wait3A_364, %dma_wait3A_365] : memref<2x2x128x32xf32, #tpu.memory_space<vmem>> -> memref<1x1x128x32xf32, #tpu.memory_space<vmem>>
          %dma_wait3A_367 = tpu.memref_squeeze %dma_wait3A_366 : memref<1x1x128x32xf32, #tpu.memory_space<vmem>> -> memref<128x32xf32, #tpu.memory_space<vmem>>
          %dma_wait3A_368 = arith.constant 0 : i32
          %dma_wait3A_369 = tpu.memref_slice %arg16[%dma_wait3A_360, %dma_wait3A_361, %dma_wait3A_368] : memref<2x2x128xi32, #tpu.memory_space<vmem>> -> memref<1x1x128xi32, #tpu.memory_space<vmem>>
          %dma_wait3A_370 = tpu.memref_squeeze %dma_wait3A_369 : memref<1x1x128xi32, #tpu.memory_space<vmem>> -> memref<128xi32, #tpu.memory_space<vmem>>
          %dma_wait3A_371 = arith.constant 0 : i32
          %dma_wait3A_372 = arith.constant 0 : i32
          %dma_wait3A_373 = tpu.memref_slice %arg7[%dma_wait3A_371, %dma_wait3A_372] : memref<53248x32xf32, #tpu.memory_space<hbm>> -> memref<53248x32xf32, #tpu.memory_space<hbm>>
          tpu.wait_indirect_dma semaphore(%arg20 : memref<!tpu.dma_semaphore, #tpu.memory_space<semaphore_mem>>) src(%dma_wait3A_373 : memref<53248x32xf32, #tpu.memory_space<hbm>>) dst(%dma_wait3A_367 : memref<128x32xf32, #tpu.memory_space<vmem>>)
          %dma_start3A_374 = arith.constant 0 : i32
          %dma_start3A_375 = arith.constant 0 : i32
          %dma_start3A_376 = arith.constant 0 : i32
          %dma_start3A_377 = arith.constant 0 : i32
          %dma_start3A_378 = arith.constant 0 : i32
          %dma_start3A_379 = arith.constant 0 : i32
          %dma_start3A_380 = tpu.memref_slice %arg18[%dma_start3A_374, %dma_start3A_375, %dma_start3A_378, %dma_start3A_379] : memref<2x2x128x32xf32, #tpu.memory_space<vmem>> -> memref<1x1x128x32xf32, #tpu.memory_space<vmem>>
          %dma_start3A_381 = tpu.memref_squeeze %dma_start3A_380 : memref<1x1x128x32xf32, #tpu.memory_space<vmem>> -> memref<128x32xf32, #tpu.memory_space<vmem>>
          %dma_start3A_382 = arith.constant 0 : i32
          %dma_start3A_383 = tpu.memref_slice %arg17[%dma_start3A_376, %dma_start3A_377, %dma_start3A_382] : memref<2x2x128xi32, #tpu.memory_space<vmem>> -> memref<1x1x128xi32, #tpu.memory_space<vmem>>
          %dma_start3A_384 = tpu.memref_squeeze %dma_start3A_383 : memref<1x1x128xi32, #tpu.memory_space<vmem>> -> memref<128xi32, #tpu.memory_space<vmem>>
          %dma_start3A_385 = arith.constant 0 : i32
          %dma_start3A_386 = arith.constant 0 : i32
          %dma_start3A_387 = tpu.memref_slice %arg13[%dma_start3A_385, %dma_start3A_386] : memref<53248x32xf32, #tpu.memory_space<vmem_shared>> -> memref<53248x32xf32, #tpu.memory_space<vmem_shared>>
          tpu.enqueue_indirect_dma source(%dma_start3A_381 : memref<128x32xf32, #tpu.memory_space<vmem>>) target(%dma_start3A_387 : memref<53248x32xf32, #tpu.memory_space<vmem_shared>>) offsets(%dma_start3A_384 : memref<128xi32, #tpu.memory_space<vmem>>) semaphore(%arg22 : memref<!tpu.dma_semaphore, #tpu.memory_space<semaphore_mem>>) {add = true}
          %dma_start3A_388 = arith.constant 0 : i32
          %dma_start3A_389 = arith.constant 0 : i32
          %dma_start3A_390 = arith.constant 0 : i32
          %dma_start3A_391 = tpu.memref_slice %arg17[%dma_start3A_388, %dma_start3A_389, %dma_start3A_390] : memref<2x2x128xi32, #tpu.memory_space<vmem>> -> memref<1x1x128xi32, #tpu.memory_space<vmem>>
          %dma_start3A_392 = tpu.memref_squeeze %dma_start3A_391 : memref<1x1x128xi32, #tpu.memory_space<vmem>> -> memref<128xi32, #tpu.memory_space<vmem>>
          %dma_start3A_393 = arith.constant 0 : i32
          %dma_start3A_394 = tpu.memref_slice %arg14[%dma_start3A_393] : memref<53248xf32, #tpu.memory_space<vmem_shared>> -> memref<53248xf32, #tpu.memory_space<vmem_shared>>
          tpu.enqueue_indirect_dma source(%arg19 : memref<128xf32, #tpu.memory_space<vmem>>) target(%dma_start3A_394 : memref<53248xf32, #tpu.memory_space<vmem_shared>>) offsets(%dma_start3A_392 : memref<128xi32, #tpu.memory_space<vmem>>) semaphore(%arg22 : memref<!tpu.dma_semaphore, #tpu.memory_space<semaphore_mem>>) {add = true}
          %dma_start3A_395 = arith.constant 0 : i32
          %dma_start3A_396 = arith.constant 0 : i32
          %dma_start3A_397 = arith.constant 0 : i32
          %dma_start3A_398 = tpu.memref_slice %arg16[%dma_start3A_395, %dma_start3A_396, %dma_start3A_397] : memref<2x2x128xi32, #tpu.memory_space<vmem>> -> memref<1x1x128xi32, #tpu.memory_space<vmem>>
          %dma_start3A_399 = tpu.memref_squeeze %dma_start3A_398 : memref<1x1x128xi32, #tpu.memory_space<vmem>> -> memref<128xi32, #tpu.memory_space<vmem>>
          %dma_start3A_400 = arith.constant 0 : i32
          %dma_start3A_401 = tpu.memref_slice %arg15[%dma_start3A_400] : memref<53248xf32, #tpu.memory_space<vmem_shared>> -> memref<53248xf32, #tpu.memory_space<vmem_shared>>
          tpu.enqueue_indirect_dma source(%arg19 : memref<128xf32, #tpu.memory_space<vmem>>) target(%dma_start3A_401 : memref<53248xf32, #tpu.memory_space<vmem_shared>>) offsets(%dma_start3A_399 : memref<128xi32, #tpu.memory_space<vmem>>) semaphore(%arg22 : memref<!tpu.dma_semaphore, #tpu.memory_space<semaphore_mem>>) {add = true}
          %dma_start3A_402 = arith.constant 0 : i32
          %dma_start3A_403 = arith.constant 1 : i32
          %dma_start3A_404 = arith.constant 0 : i32
          %dma_start3A_405 = arith.constant 1 : i32
          %dma_start3A_406 = arith.constant 0 : i32
          %dma_start3A_407 = arith.constant 0 : i32
          %dma_start3A_408 = tpu.memref_slice %arg18[%dma_start3A_402, %dma_start3A_403, %dma_start3A_406, %dma_start3A_407] : memref<2x2x128x32xf32, #tpu.memory_space<vmem>> -> memref<1x1x128x32xf32, #tpu.memory_space<vmem>>
          %dma_start3A_409 = tpu.memref_squeeze %dma_start3A_408 : memref<1x1x128x32xf32, #tpu.memory_space<vmem>> -> memref<128x32xf32, #tpu.memory_space<vmem>>
          %dma_start3A_410 = arith.constant 0 : i32
          %dma_start3A_411 = tpu.memref_slice %arg17[%dma_start3A_404, %dma_start3A_405, %dma_start3A_410] : memref<2x2x128xi32, #tpu.memory_space<vmem>> -> memref<1x1x128xi32, #tpu.memory_space<vmem>>
          %dma_start3A_412 = tpu.memref_squeeze %dma_start3A_411 : memref<1x1x128xi32, #tpu.memory_space<vmem>> -> memref<128xi32, #tpu.memory_space<vmem>>
          %dma_start3A_413 = arith.constant 0 : i32
          %dma_start3A_414 = arith.constant 0 : i32
          %dma_start3A_415 = tpu.memref_slice %arg13[%dma_start3A_413, %dma_start3A_414] : memref<53248x32xf32, #tpu.memory_space<vmem_shared>> -> memref<53248x32xf32, #tpu.memory_space<vmem_shared>>
          tpu.enqueue_indirect_dma source(%dma_start3A_409 : memref<128x32xf32, #tpu.memory_space<vmem>>) target(%dma_start3A_415 : memref<53248x32xf32, #tpu.memory_space<vmem_shared>>) offsets(%dma_start3A_412 : memref<128xi32, #tpu.memory_space<vmem>>) semaphore(%arg22 : memref<!tpu.dma_semaphore, #tpu.memory_space<semaphore_mem>>) {add = true}
          %dma_start3A_416 = arith.constant 0 : i32
          %dma_start3A_417 = arith.constant 1 : i32
          %dma_start3A_418 = arith.constant 0 : i32
          %dma_start3A_419 = tpu.memref_slice %arg17[%dma_start3A_416, %dma_start3A_417, %dma_start3A_418] : memref<2x2x128xi32, #tpu.memory_space<vmem>> -> memref<1x1x128xi32, #tpu.memory_space<vmem>>
          %dma_start3A_420 = tpu.memref_squeeze %dma_start3A_419 : memref<1x1x128xi32, #tpu.memory_space<vmem>> -> memref<128xi32, #tpu.memory_space<vmem>>
          %dma_start3A_421 = arith.constant 0 : i32
          %dma_start3A_422 = tpu.memref_slice %arg14[%dma_start3A_421] : memref<53248xf32, #tpu.memory_space<vmem_shared>> -> memref<53248xf32, #tpu.memory_space<vmem_shared>>
          tpu.enqueue_indirect_dma source(%arg19 : memref<128xf32, #tpu.memory_space<vmem>>) target(%dma_start3A_422 : memref<53248xf32, #tpu.memory_space<vmem_shared>>) offsets(%dma_start3A_420 : memref<128xi32, #tpu.memory_space<vmem>>) semaphore(%arg22 : memref<!tpu.dma_semaphore, #tpu.memory_space<semaphore_mem>>) {add = true}
          %dma_start3A_423 = arith.constant 0 : i32
          %dma_start3A_424 = arith.constant 1 : i32
          %dma_start3A_425 = arith.constant 0 : i32
          %dma_start3A_426 = tpu.memref_slice %arg16[%dma_start3A_423, %dma_start3A_424, %dma_start3A_425] : memref<2x2x128xi32, #tpu.memory_space<vmem>> -> memref<1x1x128xi32, #tpu.memory_space<vmem>>
          %dma_start3A_427 = tpu.memref_squeeze %dma_start3A_426 : memref<1x1x128xi32, #tpu.memory_space<vmem>> -> memref<128xi32, #tpu.memory_space<vmem>>
          %dma_start3A_428 = arith.constant 0 : i32
          %dma_start3A_429 = tpu.memref_slice %arg15[%dma_start3A_428] : memref<53248xf32, #tpu.memory_space<vmem_shared>> -> memref<53248xf32, #tpu.memory_space<vmem_shared>>
          tpu.enqueue_indirect_dma source(%arg19 : memref<128xf32, #tpu.memory_space<vmem>>) target(%dma_start3A_429 : memref<53248xf32, #tpu.memory_space<vmem_shared>>) offsets(%dma_start3A_427 : memref<128xi32, #tpu.memory_space<vmem>>) semaphore(%arg22 : memref<!tpu.dma_semaphore, #tpu.memory_space<semaphore_mem>>) {add = true}
        } else {
        }
      }
      %scan3A_59 = arith.constant 98 : i32
      %dma_wait3A = arith.constant 1 : i32
      %dma_wait3A_60 = arith.constant 0 : i32
      %dma_wait3A_61 = arith.constant 1 : i32
      %dma_wait3A_62 = arith.constant 0 : i32
      %dma_wait3A_63 = arith.constant 0 : i32
      %dma_wait3A_64 = arith.constant 0 : i32
      %dma_wait3A_65 = tpu.memref_slice %arg18[%dma_wait3A_61, %dma_wait3A_62, %dma_wait3A_63, %dma_wait3A_64] : memref<2x2x128x32xf32, #tpu.memory_space<vmem>> -> memref<1x1x128x32xf32, #tpu.memory_space<vmem>>
      %dma_wait3A_66 = tpu.memref_squeeze %dma_wait3A_65 : memref<1x1x128x32xf32, #tpu.memory_space<vmem>> -> memref<128x32xf32, #tpu.memory_space<vmem>>
      %dma_wait3A_67 = arith.constant 0 : i32
      %dma_wait3A_68 = tpu.memref_slice %arg16[%dma_wait3A, %dma_wait3A_60, %dma_wait3A_67] : memref<2x2x128xi32, #tpu.memory_space<vmem>> -> memref<1x1x128xi32, #tpu.memory_space<vmem>>
      %dma_wait3A_69 = tpu.memref_squeeze %dma_wait3A_68 : memref<1x1x128xi32, #tpu.memory_space<vmem>> -> memref<128xi32, #tpu.memory_space<vmem>>
      %dma_wait3A_70 = arith.constant 0 : i32
      %dma_wait3A_71 = arith.constant 0 : i32
      %dma_wait3A_72 = tpu.memref_slice %arg7[%dma_wait3A_70, %dma_wait3A_71] : memref<53248x32xf32, #tpu.memory_space<hbm>> -> memref<53248x32xf32, #tpu.memory_space<hbm>>
      tpu.wait_indirect_dma semaphore(%arg21 : memref<!tpu.dma_semaphore, #tpu.memory_space<semaphore_mem>>) src(%dma_wait3A_72 : memref<53248x32xf32, #tpu.memory_space<hbm>>) dst(%dma_wait3A_66 : memref<128x32xf32, #tpu.memory_space<vmem>>)
      %dma_wait3A_73 = arith.constant 1 : i32
      %dma_wait3A_74 = arith.constant 1 : i32
      %dma_wait3A_75 = arith.constant 1 : i32
      %dma_wait3A_76 = arith.constant 1 : i32
      %dma_wait3A_77 = arith.constant 0 : i32
      %dma_wait3A_78 = arith.constant 0 : i32
      %dma_wait3A_79 = tpu.memref_slice %arg18[%dma_wait3A_75, %dma_wait3A_76, %dma_wait3A_77, %dma_wait3A_78] : memref<2x2x128x32xf32, #tpu.memory_space<vmem>> -> memref<1x1x128x32xf32, #tpu.memory_space<vmem>>
      %dma_wait3A_80 = tpu.memref_squeeze %dma_wait3A_79 : memref<1x1x128x32xf32, #tpu.memory_space<vmem>> -> memref<128x32xf32, #tpu.memory_space<vmem>>
      %dma_wait3A_81 = arith.constant 0 : i32
      %dma_wait3A_82 = tpu.memref_slice %arg16[%dma_wait3A_73, %dma_wait3A_74, %dma_wait3A_81] : memref<2x2x128xi32, #tpu.memory_space<vmem>> -> memref<1x1x128xi32, #tpu.memory_space<vmem>>
      %dma_wait3A_83 = tpu.memref_squeeze %dma_wait3A_82 : memref<1x1x128xi32, #tpu.memory_space<vmem>> -> memref<128xi32, #tpu.memory_space<vmem>>
      %dma_wait3A_84 = arith.constant 0 : i32
      %dma_wait3A_85 = arith.constant 0 : i32
      %dma_wait3A_86 = tpu.memref_slice %arg7[%dma_wait3A_84, %dma_wait3A_85] : memref<53248x32xf32, #tpu.memory_space<hbm>> -> memref<53248x32xf32, #tpu.memory_space<hbm>>
      tpu.wait_indirect_dma semaphore(%arg21 : memref<!tpu.dma_semaphore, #tpu.memory_space<semaphore_mem>>) src(%dma_wait3A_86 : memref<53248x32xf32, #tpu.memory_space<hbm>>) dst(%dma_wait3A_80 : memref<128x32xf32, #tpu.memory_space<vmem>>)
      %dma_start3A = arith.constant 1 : i32
      %dma_start3A_87 = arith.constant 0 : i32
      %dma_start3A_88 = arith.constant 1 : i32
      %dma_start3A_89 = arith.constant 0 : i32
      %dma_start3A_90 = arith.constant 0 : i32
      %dma_start3A_91 = arith.constant 0 : i32
      %dma_start3A_92 = tpu.memref_slice %arg18[%dma_start3A, %dma_start3A_87, %dma_start3A_90, %dma_start3A_91] : memref<2x2x128x32xf32, #tpu.memory_space<vmem>> -> memref<1x1x128x32xf32, #tpu.memory_space<vmem>>
      %dma_start3A_93 = tpu.memref_squeeze %dma_start3A_92 : memref<1x1x128x32xf32, #tpu.memory_space<vmem>> -> memref<128x32xf32, #tpu.memory_space<vmem>>
      %dma_start3A_94 = arith.constant 0 : i32
      %dma_start3A_95 = tpu.memref_slice %arg17[%dma_start3A_88, %dma_start3A_89, %dma_start3A_94] : memref<2x2x128xi32, #tpu.memory_space<vmem>> -> memref<1x1x128xi32, #tpu.memory_space<vmem>>
      %dma_start3A_96 = tpu.memref_squeeze %dma_start3A_95 : memref<1x1x128xi32, #tpu.memory_space<vmem>> -> memref<128xi32, #tpu.memory_space<vmem>>
      %dma_start3A_97 = arith.constant 0 : i32
      %dma_start3A_98 = arith.constant 0 : i32
      %dma_start3A_99 = tpu.memref_slice %arg13[%dma_start3A_97, %dma_start3A_98] : memref<53248x32xf32, #tpu.memory_space<vmem_shared>> -> memref<53248x32xf32, #tpu.memory_space<vmem_shared>>
      tpu.enqueue_indirect_dma source(%dma_start3A_93 : memref<128x32xf32, #tpu.memory_space<vmem>>) target(%dma_start3A_99 : memref<53248x32xf32, #tpu.memory_space<vmem_shared>>) offsets(%dma_start3A_96 : memref<128xi32, #tpu.memory_space<vmem>>) semaphore(%arg23 : memref<!tpu.dma_semaphore, #tpu.memory_space<semaphore_mem>>) {add = true}
      %dma_start3A_100 = arith.constant 1 : i32
      %dma_start3A_101 = arith.constant 0 : i32
      %dma_start3A_102 = arith.constant 0 : i32
      %dma_start3A_103 = tpu.memref_slice %arg17[%dma_start3A_100, %dma_start3A_101, %dma_start3A_102] : memref<2x2x128xi32, #tpu.memory_space<vmem>> -> memref<1x1x128xi32, #tpu.memory_space<vmem>>
      %dma_start3A_104 = tpu.memref_squeeze %dma_start3A_103 : memref<1x1x128xi32, #tpu.memory_space<vmem>> -> memref<128xi32, #tpu.memory_space<vmem>>
      %dma_start3A_105 = arith.constant 0 : i32
      %dma_start3A_106 = tpu.memref_slice %arg14[%dma_start3A_105] : memref<53248xf32, #tpu.memory_space<vmem_shared>> -> memref<53248xf32, #tpu.memory_space<vmem_shared>>
      tpu.enqueue_indirect_dma source(%arg19 : memref<128xf32, #tpu.memory_space<vmem>>) target(%dma_start3A_106 : memref<53248xf32, #tpu.memory_space<vmem_shared>>) offsets(%dma_start3A_104 : memref<128xi32, #tpu.memory_space<vmem>>) semaphore(%arg23 : memref<!tpu.dma_semaphore, #tpu.memory_space<semaphore_mem>>) {add = true}
      %dma_start3A_107 = arith.constant 1 : i32
      %dma_start3A_108 = arith.constant 0 : i32
      %dma_start3A_109 = arith.constant 0 : i32
      %dma_start3A_110 = tpu.memref_slice %arg16[%dma_start3A_107, %dma_start3A_108, %dma_start3A_109] : memref<2x2x128xi32, #tpu.memory_space<vmem>> -> memref<1x1x128xi32, #tpu.memory_space<vmem>>
      %dma_start3A_111 = tpu.memref_squeeze %dma_start3A_110 : memref<1x1x128xi32, #tpu.memory_space<vmem>> -> memref<128xi32, #tpu.memory_space<vmem>>
      %dma_start3A_112 = arith.constant 0 : i32
      %dma_start3A_113 = tpu.memref_slice %arg15[%dma_start3A_112] : memref<53248xf32, #tpu.memory_space<vmem_shared>> -> memref<53248xf32, #tpu.memory_space<vmem_shared>>
      tpu.enqueue_indirect_dma source(%arg19 : memref<128xf32, #tpu.memory_space<vmem>>) target(%dma_start3A_113 : memref<53248xf32, #tpu.memory_space<vmem_shared>>) offsets(%dma_start3A_111 : memref<128xi32, #tpu.memory_space<vmem>>) semaphore(%arg23 : memref<!tpu.dma_semaphore, #tpu.memory_space<semaphore_mem>>) {add = true}
      %dma_start3A_114 = arith.constant 1 : i32
      %dma_start3A_115 = arith.constant 1 : i32
      %dma_start3A_116 = arith.constant 1 : i32
      %dma_start3A_117 = arith.constant 1 : i32
      %dma_start3A_118 = arith.constant 0 : i32
      %dma_start3A_119 = arith.constant 0 : i32
      %dma_start3A_120 = tpu.memref_slice %arg18[%dma_start3A_114, %dma_start3A_115, %dma_start3A_118, %dma_start3A_119] : memref<2x2x128x32xf32, #tpu.memory_space<vmem>> -> memref<1x1x128x32xf32, #tpu.memory_space<vmem>>
      %dma_start3A_121 = tpu.memref_squeeze %dma_start3A_120 : memref<1x1x128x32xf32, #tpu.memory_space<vmem>> -> memref<128x32xf32, #tpu.memory_space<vmem>>
      %dma_start3A_122 = arith.constant 0 : i32
      %dma_start3A_123 = tpu.memref_slice %arg17[%dma_start3A_116, %dma_start3A_117, %dma_start3A_122] : memref<2x2x128xi32, #tpu.memory_space<vmem>> -> memref<1x1x128xi32, #tpu.memory_space<vmem>>
      %dma_start3A_124 = tpu.memref_squeeze %dma_start3A_123 : memref<1x1x128xi32, #tpu.memory_space<vmem>> -> memref<128xi32, #tpu.memory_space<vmem>>
      %dma_start3A_125 = arith.constant 0 : i32
      %dma_start3A_126 = arith.constant 0 : i32
      %dma_start3A_127 = tpu.memref_slice %arg13[%dma_start3A_125, %dma_start3A_126] : memref<53248x32xf32, #tpu.memory_space<vmem_shared>> -> memref<53248x32xf32, #tpu.memory_space<vmem_shared>>
      tpu.enqueue_indirect_dma source(%dma_start3A_121 : memref<128x32xf32, #tpu.memory_space<vmem>>) target(%dma_start3A_127 : memref<53248x32xf32, #tpu.memory_space<vmem_shared>>) offsets(%dma_start3A_124 : memref<128xi32, #tpu.memory_space<vmem>>) semaphore(%arg23 : memref<!tpu.dma_semaphore, #tpu.memory_space<semaphore_mem>>) {add = true}
      %dma_start3A_128 = arith.constant 1 : i32
      %dma_start3A_129 = arith.constant 1 : i32
      %dma_start3A_130 = arith.constant 0 : i32
      %dma_start3A_131 = tpu.memref_slice %arg17[%dma_start3A_128, %dma_start3A_129, %dma_start3A_130] : memref<2x2x128xi32, #tpu.memory_space<vmem>> -> memref<1x1x128xi32, #tpu.memory_space<vmem>>
      %dma_start3A_132 = tpu.memref_squeeze %dma_start3A_131 : memref<1x1x128xi32, #tpu.memory_space<vmem>> -> memref<128xi32, #tpu.memory_space<vmem>>
      %dma_start3A_133 = arith.constant 0 : i32
      %dma_start3A_134 = tpu.memref_slice %arg14[%dma_start3A_133] : memref<53248xf32, #tpu.memory_space<vmem_shared>> -> memref<53248xf32, #tpu.memory_space<vmem_shared>>
      tpu.enqueue_indirect_dma source(%arg19 : memref<128xf32, #tpu.memory_space<vmem>>) target(%dma_start3A_134 : memref<53248xf32, #tpu.memory_space<vmem_shared>>) offsets(%dma_start3A_132 : memref<128xi32, #tpu.memory_space<vmem>>) semaphore(%arg23 : memref<!tpu.dma_semaphore, #tpu.memory_space<semaphore_mem>>) {add = true}
      %dma_start3A_135 = arith.constant 1 : i32
      %dma_start3A_136 = arith.constant 1 : i32
      %dma_start3A_137 = arith.constant 0 : i32
      %dma_start3A_138 = tpu.memref_slice %arg16[%dma_start3A_135, %dma_start3A_136, %dma_start3A_137] : memref<2x2x128xi32, #tpu.memory_space<vmem>> -> memref<1x1x128xi32, #tpu.memory_space<vmem>>
      %dma_start3A_139 = tpu.memref_squeeze %dma_start3A_138 : memref<1x1x128xi32, #tpu.memory_space<vmem>> -> memref<128xi32, #tpu.memory_space<vmem>>
      %dma_start3A_140 = arith.constant 0 : i32
      %dma_start3A_141 = tpu.memref_slice %arg15[%dma_start3A_140] : memref<53248xf32, #tpu.memory_space<vmem_shared>> -> memref<53248xf32, #tpu.memory_space<vmem_shared>>
      tpu.enqueue_indirect_dma source(%arg19 : memref<128xf32, #tpu.memory_space<vmem>>) target(%dma_start3A_141 : memref<53248xf32, #tpu.memory_space<vmem_shared>>) offsets(%dma_start3A_139 : memref<128xi32, #tpu.memory_space<vmem>>) semaphore(%arg23 : memref<!tpu.dma_semaphore, #tpu.memory_space<semaphore_mem>>) {add = true}
      %dma_wait3A_142 = arith.constant 0 : i32
      %dma_wait3A_143 = arith.constant 0 : i32
      %dma_wait3A_144 = arith.constant 0 : i32
      %dma_wait3A_145 = arith.constant 0 : i32
      %dma_wait3A_146 = arith.constant 0 : i32
      %dma_wait3A_147 = arith.constant 0 : i32
      %dma_wait3A_148 = tpu.memref_slice %arg18[%dma_wait3A_142, %dma_wait3A_143, %dma_wait3A_146, %dma_wait3A_147] : memref<2x2x128x32xf32, #tpu.memory_space<vmem>> -> memref<1x1x128x32xf32, #tpu.memory_space<vmem>>
      %dma_wait3A_149 = tpu.memref_squeeze %dma_wait3A_148 : memref<1x1x128x32xf32, #tpu.memory_space<vmem>> -> memref<128x32xf32, #tpu.memory_space<vmem>>
      %dma_wait3A_150 = arith.constant 0 : i32
      %dma_wait3A_151 = tpu.memref_slice %arg17[%dma_wait3A_144, %dma_wait3A_145, %dma_wait3A_150] : memref<2x2x128xi32, #tpu.memory_space<vmem>> -> memref<1x1x128xi32, #tpu.memory_space<vmem>>
      %dma_wait3A_152 = tpu.memref_squeeze %dma_wait3A_151 : memref<1x1x128xi32, #tpu.memory_space<vmem>> -> memref<128xi32, #tpu.memory_space<vmem>>
      %dma_wait3A_153 = arith.constant 0 : i32
      %dma_wait3A_154 = arith.constant 0 : i32
      %dma_wait3A_155 = tpu.memref_slice %arg13[%dma_wait3A_153, %dma_wait3A_154] : memref<53248x32xf32, #tpu.memory_space<vmem_shared>> -> memref<53248x32xf32, #tpu.memory_space<vmem_shared>>
      tpu.wait_indirect_dma semaphore(%arg22 : memref<!tpu.dma_semaphore, #tpu.memory_space<semaphore_mem>>) src(%dma_wait3A_149 : memref<128x32xf32, #tpu.memory_space<vmem>>) dst(%dma_wait3A_155 : memref<53248x32xf32, #tpu.memory_space<vmem_shared>>)
      %dma_wait3A_156 = arith.constant 0 : i32
      %dma_wait3A_157 = arith.constant 0 : i32
      %dma_wait3A_158 = arith.constant 0 : i32
      %dma_wait3A_159 = tpu.memref_slice %arg17[%dma_wait3A_156, %dma_wait3A_157, %dma_wait3A_158] : memref<2x2x128xi32, #tpu.memory_space<vmem>> -> memref<1x1x128xi32, #tpu.memory_space<vmem>>
      %dma_wait3A_160 = tpu.memref_squeeze %dma_wait3A_159 : memref<1x1x128xi32, #tpu.memory_space<vmem>> -> memref<128xi32, #tpu.memory_space<vmem>>
      %dma_wait3A_161 = arith.constant 0 : i32
      %dma_wait3A_162 = tpu.memref_slice %arg14[%dma_wait3A_161] : memref<53248xf32, #tpu.memory_space<vmem_shared>> -> memref<53248xf32, #tpu.memory_space<vmem_shared>>
      tpu.wait_indirect_dma semaphore(%arg22 : memref<!tpu.dma_semaphore, #tpu.memory_space<semaphore_mem>>) src(%arg19 : memref<128xf32, #tpu.memory_space<vmem>>) dst(%dma_wait3A_162 : memref<53248xf32, #tpu.memory_space<vmem_shared>>)
      %dma_wait3A_163 = arith.constant 0 : i32
      %dma_wait3A_164 = arith.constant 0 : i32
      %dma_wait3A_165 = arith.constant 0 : i32
      %dma_wait3A_166 = tpu.memref_slice %arg16[%dma_wait3A_163, %dma_wait3A_164, %dma_wait3A_165] : memref<2x2x128xi32, #tpu.memory_space<vmem>> -> memref<1x1x128xi32, #tpu.memory_space<vmem>>
      %dma_wait3A_167 = tpu.memref_squeeze %dma_wait3A_166 : memref<1x1x128xi32, #tpu.memory_space<vmem>> -> memref<128xi32, #tpu.memory_space<vmem>>
      %dma_wait3A_168 = arith.constant 0 : i32
      %dma_wait3A_169 = tpu.memref_slice %arg15[%dma_wait3A_168] : memref<53248xf32, #tpu.memory_space<vmem_shared>> -> memref<53248xf32, #tpu.memory_space<vmem_shared>>
      tpu.wait_indirect_dma semaphore(%arg22 : memref<!tpu.dma_semaphore, #tpu.memory_space<semaphore_mem>>) src(%arg19 : memref<128xf32, #tpu.memory_space<vmem>>) dst(%dma_wait3A_169 : memref<53248xf32, #tpu.memory_space<vmem_shared>>)
      %dma_wait3A_170 = arith.constant 0 : i32
      %dma_wait3A_171 = arith.constant 1 : i32
      %dma_wait3A_172 = arith.constant 0 : i32
      %dma_wait3A_173 = arith.constant 1 : i32
      %dma_wait3A_174 = arith.constant 0 : i32
      %dma_wait3A_175 = arith.constant 0 : i32
      %dma_wait3A_176 = tpu.memref_slice %arg18[%dma_wait3A_170, %dma_wait3A_171, %dma_wait3A_174, %dma_wait3A_175] : memref<2x2x128x32xf32, #tpu.memory_space<vmem>> -> memref<1x1x128x32xf32, #tpu.memory_space<vmem>>
      %dma_wait3A_177 = tpu.memref_squeeze %dma_wait3A_176 : memref<1x1x128x32xf32, #tpu.memory_space<vmem>> -> memref<128x32xf32, #tpu.memory_space<vmem>>
      %dma_wait3A_178 = arith.constant 0 : i32
      %dma_wait3A_179 = tpu.memref_slice %arg17[%dma_wait3A_172, %dma_wait3A_173, %dma_wait3A_178] : memref<2x2x128xi32, #tpu.memory_space<vmem>> -> memref<1x1x128xi32, #tpu.memory_space<vmem>>
      %dma_wait3A_180 = tpu.memref_squeeze %dma_wait3A_179 : memref<1x1x128xi32, #tpu.memory_space<vmem>> -> memref<128xi32, #tpu.memory_space<vmem>>
      %dma_wait3A_181 = arith.constant 0 : i32
      %dma_wait3A_182 = arith.constant 0 : i32
      %dma_wait3A_183 = tpu.memref_slice %arg13[%dma_wait3A_181, %dma_wait3A_182] : memref<53248x32xf32, #tpu.memory_space<vmem_shared>> -> memref<53248x32xf32, #tpu.memory_space<vmem_shared>>
      tpu.wait_indirect_dma semaphore(%arg22 : memref<!tpu.dma_semaphore, #tpu.memory_space<semaphore_mem>>) src(%dma_wait3A_177 : memref<128x32xf32, #tpu.memory_space<vmem>>) dst(%dma_wait3A_183 : memref<53248x32xf32, #tpu.memory_space<vmem_shared>>)
      %dma_wait3A_184 = arith.constant 0 : i32
      %dma_wait3A_185 = arith.constant 1 : i32
      %dma_wait3A_186 = arith.constant 0 : i32
      %dma_wait3A_187 = tpu.memref_slice %arg17[%dma_wait3A_184, %dma_wait3A_185, %dma_wait3A_186] : memref<2x2x128xi32, #tpu.memory_space<vmem>> -> memref<1x1x128xi32, #tpu.memory_space<vmem>>
      %dma_wait3A_188 = tpu.memref_squeeze %dma_wait3A_187 : memref<1x1x128xi32, #tpu.memory_space<vmem>> -> memref<128xi32, #tpu.memory_space<vmem>>
      %dma_wait3A_189 = arith.constant 0 : i32
      %dma_wait3A_190 = tpu.memref_slice %arg14[%dma_wait3A_189] : memref<53248xf32, #tpu.memory_space<vmem_shared>> -> memref<53248xf32, #tpu.memory_space<vmem_shared>>
      tpu.wait_indirect_dma semaphore(%arg22 : memref<!tpu.dma_semaphore, #tpu.memory_space<semaphore_mem>>) src(%arg19 : memref<128xf32, #tpu.memory_space<vmem>>) dst(%dma_wait3A_190 : memref<53248xf32, #tpu.memory_space<vmem_shared>>)
      %dma_wait3A_191 = arith.constant 0 : i32
      %dma_wait3A_192 = arith.constant 1 : i32
      %dma_wait3A_193 = arith.constant 0 : i32
      %dma_wait3A_194 = tpu.memref_slice %arg16[%dma_wait3A_191, %dma_wait3A_192, %dma_wait3A_193] : memref<2x2x128xi32, #tpu.memory_space<vmem>> -> memref<1x1x128xi32, #tpu.memory_space<vmem>>
      %dma_wait3A_195 = tpu.memref_squeeze %dma_wait3A_194 : memref<1x1x128xi32, #tpu.memory_space<vmem>> -> memref<128xi32, #tpu.memory_space<vmem>>
      %dma_wait3A_196 = arith.constant 0 : i32
      %dma_wait3A_197 = tpu.memref_slice %arg15[%dma_wait3A_196] : memref<53248xf32, #tpu.memory_space<vmem_shared>> -> memref<53248xf32, #tpu.memory_space<vmem_shared>>
      tpu.wait_indirect_dma semaphore(%arg22 : memref<!tpu.dma_semaphore, #tpu.memory_space<semaphore_mem>>) src(%arg19 : memref<128xf32, #tpu.memory_space<vmem>>) dst(%dma_wait3A_197 : memref<53248xf32, #tpu.memory_space<vmem_shared>>)
      %dma_wait3A_198 = arith.constant 1 : i32
      %dma_wait3A_199 = arith.constant 0 : i32
      %dma_wait3A_200 = arith.constant 1 : i32
      %dma_wait3A_201 = arith.constant 0 : i32
      %dma_wait3A_202 = arith.constant 0 : i32
      %dma_wait3A_203 = arith.constant 0 : i32
      %dma_wait3A_204 = tpu.memref_slice %arg18[%dma_wait3A_198, %dma_wait3A_199, %dma_wait3A_202, %dma_wait3A_203] : memref<2x2x128x32xf32, #tpu.memory_space<vmem>> -> memref<1x1x128x32xf32, #tpu.memory_space<vmem>>
      %dma_wait3A_205 = tpu.memref_squeeze %dma_wait3A_204 : memref<1x1x128x32xf32, #tpu.memory_space<vmem>> -> memref<128x32xf32, #tpu.memory_space<vmem>>
      %dma_wait3A_206 = arith.constant 0 : i32
      %dma_wait3A_207 = tpu.memref_slice %arg17[%dma_wait3A_200, %dma_wait3A_201, %dma_wait3A_206] : memref<2x2x128xi32, #tpu.memory_space<vmem>> -> memref<1x1x128xi32, #tpu.memory_space<vmem>>
      %dma_wait3A_208 = tpu.memref_squeeze %dma_wait3A_207 : memref<1x1x128xi32, #tpu.memory_space<vmem>> -> memref<128xi32, #tpu.memory_space<vmem>>
      %dma_wait3A_209 = arith.constant 0 : i32
      %dma_wait3A_210 = arith.constant 0 : i32
      %dma_wait3A_211 = tpu.memref_slice %arg13[%dma_wait3A_209, %dma_wait3A_210] : memref<53248x32xf32, #tpu.memory_space<vmem_shared>> -> memref<53248x32xf32, #tpu.memory_space<vmem_shared>>
      tpu.wait_indirect_dma semaphore(%arg23 : memref<!tpu.dma_semaphore, #tpu.memory_space<semaphore_mem>>) src(%dma_wait3A_205 : memref<128x32xf32, #tpu.memory_space<vmem>>) dst(%dma_wait3A_211 : memref<53248x32xf32, #tpu.memory_space<vmem_shared>>)
      %dma_wait3A_212 = arith.constant 1 : i32
      %dma_wait3A_213 = arith.constant 0 : i32
      %dma_wait3A_214 = arith.constant 0 : i32
      %dma_wait3A_215 = tpu.memref_slice %arg17[%dma_wait3A_212, %dma_wait3A_213, %dma_wait3A_214] : memref<2x2x128xi32, #tpu.memory_space<vmem>> -> memref<1x1x128xi32, #tpu.memory_space<vmem>>
      %dma_wait3A_216 = tpu.memref_squeeze %dma_wait3A_215 : memref<1x1x128xi32, #tpu.memory_space<vmem>> -> memref<128xi32, #tpu.memory_space<vmem>>
      %dma_wait3A_217 = arith.constant 0 : i32
      %dma_wait3A_218 = tpu.memref_slice %arg14[%dma_wait3A_217] : memref<53248xf32, #tpu.memory_space<vmem_shared>> -> memref<53248xf32, #tpu.memory_space<vmem_shared>>
      tpu.wait_indirect_dma semaphore(%arg23 : memref<!tpu.dma_semaphore, #tpu.memory_space<semaphore_mem>>) src(%arg19 : memref<128xf32, #tpu.memory_space<vmem>>) dst(%dma_wait3A_218 : memref<53248xf32, #tpu.memory_space<vmem_shared>>)
      %dma_wait3A_219 = arith.constant 1 : i32
      %dma_wait3A_220 = arith.constant 0 : i32
      %dma_wait3A_221 = arith.constant 0 : i32
      %dma_wait3A_222 = tpu.memref_slice %arg16[%dma_wait3A_219, %dma_wait3A_220, %dma_wait3A_221] : memref<2x2x128xi32, #tpu.memory_space<vmem>> -> memref<1x1x128xi32, #tpu.memory_space<vmem>>
      %dma_wait3A_223 = tpu.memref_squeeze %dma_wait3A_222 : memref<1x1x128xi32, #tpu.memory_space<vmem>> -> memref<128xi32, #tpu.memory_space<vmem>>
      %dma_wait3A_224 = arith.constant 0 : i32
      %dma_wait3A_225 = tpu.memref_slice %arg15[%dma_wait3A_224] : memref<53248xf32, #tpu.memory_space<vmem_shared>> -> memref<53248xf32, #tpu.memory_space<vmem_shared>>
      tpu.wait_indirect_dma semaphore(%arg23 : memref<!tpu.dma_semaphore, #tpu.memory_space<semaphore_mem>>) src(%arg19 : memref<128xf32, #tpu.memory_space<vmem>>) dst(%dma_wait3A_225 : memref<53248xf32, #tpu.memory_space<vmem_shared>>)
      %dma_wait3A_226 = arith.constant 1 : i32
      %dma_wait3A_227 = arith.constant 1 : i32
      %dma_wait3A_228 = arith.constant 1 : i32
      %dma_wait3A_229 = arith.constant 1 : i32
      %dma_wait3A_230 = arith.constant 0 : i32
      %dma_wait3A_231 = arith.constant 0 : i32
      %dma_wait3A_232 = tpu.memref_slice %arg18[%dma_wait3A_226, %dma_wait3A_227, %dma_wait3A_230, %dma_wait3A_231] : memref<2x2x128x32xf32, #tpu.memory_space<vmem>> -> memref<1x1x128x32xf32, #tpu.memory_space<vmem>>
      %dma_wait3A_233 = tpu.memref_squeeze %dma_wait3A_232 : memref<1x1x128x32xf32, #tpu.memory_space<vmem>> -> memref<128x32xf32, #tpu.memory_space<vmem>>
      %dma_wait3A_234 = arith.constant 0 : i32
      %dma_wait3A_235 = tpu.memref_slice %arg17[%dma_wait3A_228, %dma_wait3A_229, %dma_wait3A_234] : memref<2x2x128xi32, #tpu.memory_space<vmem>> -> memref<1x1x128xi32, #tpu.memory_space<vmem>>
      %dma_wait3A_236 = tpu.memref_squeeze %dma_wait3A_235 : memref<1x1x128xi32, #tpu.memory_space<vmem>> -> memref<128xi32, #tpu.memory_space<vmem>>
      %dma_wait3A_237 = arith.constant 0 : i32
      %dma_wait3A_238 = arith.constant 0 : i32
      %dma_wait3A_239 = tpu.memref_slice %arg13[%dma_wait3A_237, %dma_wait3A_238] : memref<53248x32xf32, #tpu.memory_space<vmem_shared>> -> memref<53248x32xf32, #tpu.memory_space<vmem_shared>>
      tpu.wait_indirect_dma semaphore(%arg23 : memref<!tpu.dma_semaphore, #tpu.memory_space<semaphore_mem>>) src(%dma_wait3A_233 : memref<128x32xf32, #tpu.memory_space<vmem>>) dst(%dma_wait3A_239 : memref<53248x32xf32, #tpu.memory_space<vmem_shared>>)
      %dma_wait3A_240 = arith.constant 1 : i32
      %dma_wait3A_241 = arith.constant 1 : i32
      %dma_wait3A_242 = arith.constant 0 : i32
      %dma_wait3A_243 = tpu.memref_slice %arg17[%dma_wait3A_240, %dma_wait3A_241, %dma_wait3A_242] : memref<2x2x128xi32, #tpu.memory_space<vmem>> -> memref<1x1x128xi32, #tpu.memory_space<vmem>>
      %dma_wait3A_244 = tpu.memref_squeeze %dma_wait3A_243 : memref<1x1x128xi32, #tpu.memory_space<vmem>> -> memref<128xi32, #tpu.memory_space<vmem>>
      %dma_wait3A_245 = arith.constant 0 : i32
      %dma_wait3A_246 = tpu.memref_slice %arg14[%dma_wait3A_245] : memref<53248xf32, #tpu.memory_space<vmem_shared>> -> memref<53248xf32, #tpu.memory_space<vmem_shared>>
      tpu.wait_indirect_dma semaphore(%arg23 : memref<!tpu.dma_semaphore, #tpu.memory_space<semaphore_mem>>) src(%arg19 : memref<128xf32, #tpu.memory_space<vmem>>) dst(%dma_wait3A_246 : memref<53248xf32, #tpu.memory_space<vmem_shared>>)
      %dma_wait3A_247 = arith.constant 1 : i32
      %dma_wait3A_248 = arith.constant 1 : i32
      %dma_wait3A_249 = arith.constant 0 : i32
      %dma_wait3A_250 = tpu.memref_slice %arg16[%dma_wait3A_247, %dma_wait3A_248, %dma_wait3A_249] : memref<2x2x128xi32, #tpu.memory_space<vmem>> -> memref<1x1x128xi32, #tpu.memory_space<vmem>>
      %dma_wait3A_251 = tpu.memref_squeeze %dma_wait3A_250 : memref<1x1x128xi32, #tpu.memory_space<vmem>> -> memref<128xi32, #tpu.memory_space<vmem>>
      %dma_wait3A_252 = arith.constant 0 : i32
      %dma_wait3A_253 = tpu.memref_slice %arg15[%dma_wait3A_252] : memref<53248xf32, #tpu.memory_space<vmem_shared>> -> memref<53248xf32, #tpu.memory_space<vmem_shared>>
      tpu.wait_indirect_dma semaphore(%arg23 : memref<!tpu.dma_semaphore, #tpu.memory_space<semaphore_mem>>) src(%arg19 : memref<128xf32, #tpu.memory_space<vmem>>) dst(%dma_wait3A_253 : memref<53248xf32, #tpu.memory_space<vmem_shared>>)
    } else {
    }
    %barrier3A_54 = arith.constant 0 : index
    tpu.barrier barrier_id(%barrier3A_54)
    "tpu.region"() ({
      %run_scoped3A = tpu.sem_alloc : memref<!tpu.dma_semaphore, #tpu.memory_space<semaphore_mem>>
      %dma_start3A = arith.constant 0 : i32
      %dma_start3A_55 = tpu.memref_slice %arg10[%arg0, %mul3A_46, %dma_start3A] : memref<2x53248x32xf32, #tpu.memory_space<hbm>> -> memref<1x3328x32xf32, #tpu.memory_space<hbm>>
      %dma_start3A_56 = tpu.memref_squeeze %dma_start3A_55 : memref<1x3328x32xf32, #tpu.memory_space<hbm>> -> memref<3328x32xf32, #tpu.memory_space<hbm>>
      %dma_start3A_57 = arith.constant 0 : i32
      %dma_start3A_58 = tpu.memref_slice %arg13[%mul3A_46, %dma_start3A_57] : memref<53248x32xf32, #tpu.memory_space<vmem_shared>> -> memref<3328x32xf32, #tpu.memory_space<vmem_shared>>
      tpu.enqueue_dma source(%dma_start3A_58 : memref<3328x32xf32, #tpu.memory_space<vmem_shared>>) target(%dma_start3A_56 : memref<3328x32xf32, #tpu.memory_space<hbm>>) target_semaphore(%run_scoped3A : memref<!tpu.dma_semaphore, #tpu.memory_space<semaphore_mem>>)
      %dma_wait3A = arith.constant 0 : i32
      %dma_wait3A_59 = tpu.memref_slice %arg10[%arg0, %mul3A_46, %dma_wait3A] : memref<2x53248x32xf32, #tpu.memory_space<hbm>> -> memref<1x3328x32xf32, #tpu.memory_space<hbm>>
      %dma_wait3A_60 = tpu.memref_squeeze %dma_wait3A_59 : memref<1x3328x32xf32, #tpu.memory_space<hbm>> -> memref<3328x32xf32, #tpu.memory_space<hbm>>
      %dma_wait3A_61 = arith.constant 0 : i32
      %dma_wait3A_62 = tpu.memref_slice %arg13[%mul3A_46, %dma_wait3A_61] : memref<53248x32xf32, #tpu.memory_space<vmem_shared>> -> memref<3328x32xf32, #tpu.memory_space<vmem_shared>>
      tpu.wait_dma2 semaphore(%run_scoped3A : memref<!tpu.dma_semaphore, #tpu.memory_space<semaphore_mem>>) src(%dma_wait3A_62 : memref<3328x32xf32, #tpu.memory_space<vmem_shared>>) dst(%dma_wait3A_60 : memref<3328x32xf32, #tpu.memory_space<hbm>>)
      tpu.yield
    }) : () -> ()
    "tpu.region"() ({
      %run_scoped3A = tpu.sem_alloc : memref<!tpu.dma_semaphore, #tpu.memory_space<semaphore_mem>>
      %dma_start3A = tpu.memref_slice %arg11[%arg0, %mul3A_46] : memref<2x53248xf32, #tpu.memory_space<hbm>> -> memref<1x3328xf32, #tpu.memory_space<hbm>>
      %dma_start3A_55 = tpu.memref_squeeze %dma_start3A : memref<1x3328xf32, #tpu.memory_space<hbm>> -> memref<3328xf32, #tpu.memory_space<hbm>>
      %dma_start3A_56 = tpu.memref_slice %arg14[%mul3A_46] : memref<53248xf32, #tpu.memory_space<vmem_shared>> -> memref<3328xf32, #tpu.memory_space<vmem_shared>>
      tpu.enqueue_dma source(%dma_start3A_56 : memref<3328xf32, #tpu.memory_space<vmem_shared>>) target(%dma_start3A_55 : memref<3328xf32, #tpu.memory_space<hbm>>) target_semaphore(%run_scoped3A : memref<!tpu.dma_semaphore, #tpu.memory_space<semaphore_mem>>)
      %dma_wait3A = tpu.memref_slice %arg11[%arg0, %mul3A_46] : memref<2x53248xf32, #tpu.memory_space<hbm>> -> memref<1x3328xf32, #tpu.memory_space<hbm>>
      %dma_wait3A_57 = tpu.memref_squeeze %dma_wait3A : memref<1x3328xf32, #tpu.memory_space<hbm>> -> memref<3328xf32, #tpu.memory_space<hbm>>
      %dma_wait3A_58 = tpu.memref_slice %arg14[%mul3A_46] : memref<53248xf32, #tpu.memory_space<vmem_shared>> -> memref<3328xf32, #tpu.memory_space<vmem_shared>>
      tpu.wait_dma2 semaphore(%run_scoped3A : memref<!tpu.dma_semaphore, #tpu.memory_space<semaphore_mem>>) src(%dma_wait3A_58 : memref<3328xf32, #tpu.memory_space<vmem_shared>>) dst(%dma_wait3A_57 : memref<3328xf32, #tpu.memory_space<hbm>>)
      tpu.yield
    }) : () -> ()
    "tpu.region"() ({
      %run_scoped3A = tpu.sem_alloc : memref<!tpu.dma_semaphore, #tpu.memory_space<semaphore_mem>>
      %dma_start3A = tpu.memref_slice %arg12[%arg0, %mul3A_46] : memref<2x53248xf32, #tpu.memory_space<hbm>> -> memref<1x3328xf32, #tpu.memory_space<hbm>>
      %dma_start3A_55 = tpu.memref_squeeze %dma_start3A : memref<1x3328xf32, #tpu.memory_space<hbm>> -> memref<3328xf32, #tpu.memory_space<hbm>>
      %dma_start3A_56 = tpu.memref_slice %arg15[%mul3A_46] : memref<53248xf32, #tpu.memory_space<vmem_shared>> -> memref<3328xf32, #tpu.memory_space<vmem_shared>>
      tpu.enqueue_dma source(%dma_start3A_56 : memref<3328xf32, #tpu.memory_space<vmem_shared>>) target(%dma_start3A_55 : memref<3328xf32, #tpu.memory_space<hbm>>) target_semaphore(%run_scoped3A : memref<!tpu.dma_semaphore, #tpu.memory_space<semaphore_mem>>)
      %dma_wait3A = tpu.memref_slice %arg12[%arg0, %mul3A_46] : memref<2x53248xf32, #tpu.memory_space<hbm>> -> memref<1x3328xf32, #tpu.memory_space<hbm>>
      %dma_wait3A_57 = tpu.memref_squeeze %dma_wait3A : memref<1x3328xf32, #tpu.memory_space<hbm>> -> memref<3328xf32, #tpu.memory_space<hbm>>
      %dma_wait3A_58 = tpu.memref_slice %arg15[%mul3A_46] : memref<53248xf32, #tpu.memory_space<vmem_shared>> -> memref<3328xf32, #tpu.memory_space<vmem_shared>>
      tpu.wait_dma2 semaphore(%run_scoped3A : memref<!tpu.dma_semaphore, #tpu.memory_space<semaphore_mem>>) src(%dma_wait3A_58 : memref<3328xf32, #tpu.memory_space<vmem_shared>>) dst(%dma_wait3A_57 : memref<3328xf32, #tpu.memory_space<hbm>>)
      tpu.yield
    }) : () -> ()
    return
  }
}

module attributes {stable_mosaic.version = 14 : i64} {
  func.func @_vembed_body(%arg0: i32, %arg1: memref<4096x6xf32, #tpu.memory_space<vmem>>, %arg2: memref<1x1xf32, #tpu.memory_space<vmem>>, %arg3: memref<1x6xf32, #tpu.memory_space<vmem>>, %arg4: memref<1x6xf32, #tpu.memory_space<vmem>>, %arg5: memref<6x32xf32, #tpu.memory_space<vmem>>, %arg6: memref<1x32xf32, #tpu.memory_space<vmem>>, %arg7: memref<32x32xf32, #tpu.memory_space<vmem>>, %arg8: memref<1x32xf32, #tpu.memory_space<vmem>>, %arg9: memref<4096x32xf32, #tpu.memory_space<vmem>>) attributes {dimension_semantics = [#tpu.dimension_semantics<arbitrary>], iteration_bounds = array<i64: 13>, scalar_prefetch = 0 : i64, scratch_operands = 0 : i64, tpu.core_type = #tpu.core_type<tc>, window_params = [{transform_indices = @transform_0, window_bounds = array<i64: 4096, 6>}, {pipeline_mode = #tpu.pipeline_mode<synchronous>, transform_indices = @transform_1, window_bounds = array<i64: 1, 1>}, {pipeline_mode = #tpu.pipeline_mode<synchronous>, transform_indices = @transform_2, window_bounds = array<i64: 1, 6>}, {pipeline_mode = #tpu.pipeline_mode<synchronous>, transform_indices = @transform_3, window_bounds = array<i64: 1, 6>}, {pipeline_mode = #tpu.pipeline_mode<synchronous>, transform_indices = @transform_4, window_bounds = array<i64: 6, 32>}, {pipeline_mode = #tpu.pipeline_mode<synchronous>, transform_indices = @transform_5, window_bounds = array<i64: 1, 32>}, {pipeline_mode = #tpu.pipeline_mode<synchronous>, transform_indices = @transform_6, window_bounds = array<i64: 32, 32>}, {pipeline_mode = #tpu.pipeline_mode<synchronous>, transform_indices = @transform_7, window_bounds = array<i64: 1, 32>}, {transform_indices = @transform_8, window_bounds = array<i64: 4096, 32>}]} {
    %get3A = arith.constant 0 : index
    %get3A_0 = arith.constant 0 : index
    %get3A_1 = vector.load %arg1[%get3A, %get3A_0] : memref<4096x6xf32, #tpu.memory_space<vmem>>, vector<4096x6xf32>
    %get3A_2 = arith.constant 0 : index
    %get3A_3 = arith.constant 0 : index
    %get3A_4 = vector.load %arg2[%get3A_2, %get3A_3] : memref<1x1xf32, #tpu.memory_space<vmem>>, vector<1x1xf32>
    %slice3A = vector.extract_strided_slice %get3A_1 {offsets = [0, 0], sizes = [4096, 1], strides = [1, 1]} : vector<4096x6xf32> to vector<4096x1xf32>
    %abs3A = math.absf %slice3A : vector<4096x1xf32>
    %slice3A_5 = vector.extract_strided_slice %get3A_1 {offsets = [0, 1], sizes = [4096, 1], strides = [1, 1]} : vector<4096x6xf32> to vector<4096x1xf32>
    %abs3A_6 = math.absf %slice3A_5 : vector<4096x1xf32>
    %max3A = arith.maximumf %abs3A, %abs3A_6 : vector<4096x1xf32>
    %max3A_7 = arith.constant 1.000000e+00 : f32
    %max3A_8 = vector.broadcast %max3A_7 : f32 to vector<4096x1xf32>
    %max3A_9 = arith.maximumf %max3A, %max3A_8 : vector<4096x1xf32>
    %iota3A = tpu.iota {dimensions = array<i32: 1>} : vector<4096x6xi32>
    %lt3A = arith.constant 2 : i32
    %lt3A_10 = vector.broadcast %lt3A : i32 to vector<4096x6xi32>
    %lt3A_11 = arith.cmpi slt, %iota3A, %lt3A_10 : vector<4096x6xi32>
    %div3A = vector.broadcast %max3A_9 : vector<4096x1xf32> to vector<4096x6xf32>
    %div3A_12 = arith.divf %get3A_1, %div3A : vector<4096x6xf32>
    %eq3A = arith.constant 2 : i32
    %eq3A_13 = vector.broadcast %eq3A : i32 to vector<4096x6xi32>
    %eq3A_14 = arith.cmpi eq, %iota3A, %eq3A_13 : vector<4096x6xi32>
    %mul3A = vector.broadcast %max3A_9 : vector<4096x1xf32> to vector<4096x6xf32>
    %mul3A_15 = arith.mulf %get3A_1, %mul3A : vector<4096x6xf32>
    %div3A_16 = vector.broadcast %get3A_4 : vector<1x1xf32> to vector<4096x6xf32>
    %div3A_17 = arith.divf %mul3A_15, %div3A_16 : vector<4096x6xf32>
    %select_n3A = arith.select %eq3A_14, %div3A_17, %get3A_1 : vector<4096x6xi1>, vector<4096x6xf32>
    %select_n3A_18 = arith.select %lt3A_11, %div3A_12, %select_n3A : vector<4096x6xi1>, vector<4096x6xf32>
    %reduce_sum3A = arith.constant dense<0.000000e+00> : vector<4096xf32>
    %reduce_sum3A_19 = vector.multi_reduction <add>, %select_n3A_18, %reduce_sum3A [1] : vector<4096x6xf32> to vector<4096xf32>
    %broadcast_in_dim3A = vector.shape_cast %reduce_sum3A_19 : vector<4096xf32> to vector<4096x1xf32>
    %div3A_20 = arith.constant 6.000000e+00 : f32
    %div3A_21 = vector.broadcast %div3A_20 : f32 to vector<4096x1xf32>
    %div3A_22 = arith.divf %broadcast_in_dim3A, %div3A_21 : vector<4096x1xf32>
    %sub3A = vector.broadcast %div3A_22 : vector<4096x1xf32> to vector<4096x6xf32>
    %sub3A_23 = arith.subf %select_n3A_18, %sub3A : vector<4096x6xf32>
    %integer_pow3A = arith.mulf %sub3A_23, %sub3A_23 : vector<4096x6xf32>
    %reduce_sum3A_24 = arith.constant dense<0.000000e+00> : vector<4096xf32>
    %reduce_sum3A_25 = vector.multi_reduction <add>, %integer_pow3A, %reduce_sum3A_24 [1] : vector<4096x6xf32> to vector<4096xf32>
    %broadcast_in_dim3A_26 = vector.shape_cast %reduce_sum3A_25 : vector<4096xf32> to vector<4096x1xf32>
    %div3A_27 = arith.constant 6.000000e+00 : f32
    %div3A_28 = vector.broadcast %div3A_27 : f32 to vector<4096x1xf32>
    %div3A_29 = arith.divf %broadcast_in_dim3A_26, %div3A_28 : vector<4096x1xf32>
    %sub3A_30 = vector.broadcast %div3A_22 : vector<4096x1xf32> to vector<4096x6xf32>
    %sub3A_31 = arith.subf %select_n3A_18, %sub3A_30 : vector<4096x6xf32>
    %add3A = arith.constant 9.99999974E-6 : f32
    %add3A_32 = vector.broadcast %add3A : f32 to vector<4096x1xf32>
    %add3A_33 = arith.addf %div3A_29, %add3A_32 : vector<4096x1xf32>
    %sqrt3A = math.sqrt %add3A_33 : vector<4096x1xf32>
    %div3A_34 = vector.broadcast %sqrt3A : vector<4096x1xf32> to vector<4096x6xf32>
    %div3A_35 = arith.divf %sub3A_31, %div3A_34 : vector<4096x6xf32>
    %get3A_36 = arith.constant 0 : index
    %get3A_37 = arith.constant 0 : index
    %get3A_38 = vector.load %arg3[%get3A_36, %get3A_37] : memref<1x6xf32, #tpu.memory_space<vmem>>, vector<1x6xf32>
    %mul3A_39 = vector.broadcast %get3A_38 : vector<1x6xf32> to vector<4096x6xf32>
    %mul3A_40 = arith.mulf %div3A_35, %mul3A_39 : vector<4096x6xf32>
    %get3A_41 = arith.constant 0 : index
    %get3A_42 = arith.constant 0 : index
    %get3A_43 = vector.load %arg4[%get3A_41, %get3A_42] : memref<1x6xf32, #tpu.memory_space<vmem>>, vector<1x6xf32>
    %add3A_44 = vector.broadcast %get3A_43 : vector<1x6xf32> to vector<4096x6xf32>
    %add3A_45 = arith.addf %mul3A_40, %add3A_44 : vector<4096x6xf32>
    %get3A_46 = arith.constant 0 : index
    %get3A_47 = arith.constant 0 : index
    %get3A_48 = vector.load %arg5[%get3A_46, %get3A_47] : memref<6x32xf32, #tpu.memory_space<vmem>>, vector<6x32xf32>
    %dot_general3A = arith.constant dense<0.000000e+00> : vector<4096x32xf32>
    %dot_general3A_49 = tpu.matmul %add3A_45, %get3A_48, %dot_general3A {dimension_numbers = #tpu.dot_dimension_numbers<[1], [0], [0], [1], [0, 0, 1, 1], [], []>, transpose_lhs_hint = false} : vector<4096x6xf32>, vector<6x32xf32>, vector<4096x32xf32> -> vector<4096x32xf32>
    %get3A_50 = arith.constant 0 : index
    %get3A_51 = arith.constant 0 : index
    %get3A_52 = vector.load %arg6[%get3A_50, %get3A_51] : memref<1x32xf32, #tpu.memory_space<vmem>>, vector<1x32xf32>
    %add3A_53 = vector.broadcast %get3A_52 : vector<1x32xf32> to vector<4096x32xf32>
    %add3A_54 = arith.addf %dot_general3A_49, %add3A_53 : vector<4096x32xf32>
    %max3A_55 = arith.constant 0.000000e+00 : f32
    %max3A_56 = vector.broadcast %max3A_55 : f32 to vector<4096x32xf32>
    %max3A_57 = arith.maximumf %add3A_54, %max3A_56 : vector<4096x32xf32>
    %get3A_58 = arith.constant 0 : index
    %get3A_59 = arith.constant 0 : index
    %get3A_60 = vector.load %arg7[%get3A_58, %get3A_59] : memref<32x32xf32, #tpu.memory_space<vmem>>, vector<32x32xf32>
    %dot_general3A_61 = arith.constant dense<0.000000e+00> : vector<4096x32xf32>
    %dot_general3A_62 = tpu.matmul %max3A_57, %get3A_60, %dot_general3A_61 {dimension_numbers = #tpu.dot_dimension_numbers<[1], [0], [0], [1], [0, 0, 1, 1], [], []>, transpose_lhs_hint = false} : vector<4096x32xf32>, vector<32x32xf32>, vector<4096x32xf32> -> vector<4096x32xf32>
    %get3A_63 = arith.constant 0 : index
    %get3A_64 = arith.constant 0 : index
    %get3A_65 = vector.load %arg8[%get3A_63, %get3A_64] : memref<1x32xf32, #tpu.memory_space<vmem>>, vector<1x32xf32>
    %add3A_66 = vector.broadcast %get3A_65 : vector<1x32xf32> to vector<4096x32xf32>
    %add3A_67 = arith.addf %dot_general3A_62, %add3A_66 : vector<4096x32xf32>
    %max3A_68 = arith.constant 0.000000e+00 : f32
    %max3A_69 = vector.broadcast %max3A_68 : f32 to vector<4096x32xf32>
    %max3A_70 = arith.maximumf %add3A_67, %max3A_69 : vector<4096x32xf32>
    %iota3A_71 = tpu.iota {dimensions = array<i32: 0>} : vector<4096x1xi32>
    %mul3A_72 = arith.constant 4096 : i32
    %mul3A_73 = arith.muli %arg0, %mul3A_72 : i32
    %add3A_74 = vector.broadcast %mul3A_73 : i32 to vector<4096x1xi32>
    %add3A_75 = arith.addi %iota3A_71, %add3A_74 : vector<4096x1xi32>
    %lt3A_76 = arith.constant 50000 : i32
    %lt3A_77 = vector.broadcast %lt3A_76 : i32 to vector<4096x1xi32>
    %lt3A_78 = arith.cmpi slt, %add3A_75, %lt3A_77 : vector<4096x1xi32>
    %jit3A = arith.constant 0.000000e+00 : f32
    %broadcast_in_dim3A_79 = vector.shape_cast %lt3A_78 : vector<4096x1xi1> to vector<4096x1xi1>
    %broadcast_in_dim3A_80 = vector.broadcast %broadcast_in_dim3A_79 : vector<4096x1xi1> to vector<4096x32xi1>
    %broadcast_in_dim3A_81 = vector.broadcast %jit3A : f32 to vector<4096x32xf32>
    %select_n3A_82 = arith.select %broadcast_in_dim3A_80, %max3A_70, %broadcast_in_dim3A_81 : vector<4096x32xi1>, vector<4096x32xf32>
    %swap3A = arith.constant 0 : index
    %swap3A_83 = arith.constant 0 : index
    %swap3A_84 = vector.load %arg9[%swap3A, %swap3A_83] : memref<4096x32xf32, #tpu.memory_space<vmem>>, vector<4096x32xf32>
    tpu.vector_store %arg9[%swap3A, %swap3A_83], %select_n3A_82 {strides = array<i32>} : memref<4096x32xf32, #tpu.memory_space<vmem>>, vector<4096x32xf32>,
    return
  }
  func.func @transform_0(%arg0: i32) -> (i32, i32) {
    %c0_i32 = arith.constant 0 : i32
    %c0_i32_0 = arith.constant 0 : i32
    return %arg0, %c0_i32 : i32, i32
  }
  func.func @transform_1(%arg0: i32) -> (i32, i32) {
    %c0_i32 = arith.constant 0 : i32
    %c0_i32_0 = arith.constant 0 : i32
    %c0_i32_1 = arith.constant 0 : i32
    return %c0_i32, %c0_i32_0 : i32, i32
  }
  func.func @transform_2(%arg0: i32) -> (i32, i32) {
    %c0_i32 = arith.constant 0 : i32
    %c0_i32_0 = arith.constant 0 : i32
    %c0_i32_1 = arith.constant 0 : i32
    return %c0_i32, %c0_i32_0 : i32, i32
  }
  func.func @transform_3(%arg0: i32) -> (i32, i32) {
    %c0_i32 = arith.constant 0 : i32
    %c0_i32_0 = arith.constant 0 : i32
    %c0_i32_1 = arith.constant 0 : i32
    return %c0_i32, %c0_i32_0 : i32, i32
  }
  func.func @transform_4(%arg0: i32) -> (i32, i32) {
    %c0_i32 = arith.constant 0 : i32
    %c0_i32_0 = arith.constant 0 : i32
    %c0_i32_1 = arith.constant 0 : i32
    return %c0_i32, %c0_i32_0 : i32, i32
  }
  func.func @transform_5(%arg0: i32) -> (i32, i32) {
    %c0_i32 = arith.constant 0 : i32
    %c0_i32_0 = arith.constant 0 : i32
    %c0_i32_1 = arith.constant 0 : i32
    return %c0_i32, %c0_i32_0 : i32, i32
  }
  func.func @transform_6(%arg0: i32) -> (i32, i32) {
    %c0_i32 = arith.constant 0 : i32
    %c0_i32_0 = arith.constant 0 : i32
    %c0_i32_1 = arith.constant 0 : i32
    return %c0_i32, %c0_i32_0 : i32, i32
  }
  func.func @transform_7(%arg0: i32) -> (i32, i32) {
    %c0_i32 = arith.constant 0 : i32
    %c0_i32_0 = arith.constant 0 : i32
    %c0_i32_1 = arith.constant 0 : i32
    return %c0_i32, %c0_i32_0 : i32, i32
  }
  func.func @transform_8(%arg0: i32) -> (i32, i32) {
    %c0_i32 = arith.constant 0 : i32
    %c0_i32_0 = arith.constant 0 : i32
    return %arg0, %c0_i32 : i32, i32
  }
}

module attributes {stable_mosaic.version = 14 : i64} {
  func.func @_vmax_body(%arg0: i32, %arg1: memref<4096x6xf32, #tpu.memory_space<vmem>>, %arg2: memref<1x1xf32, #tpu.memory_space<vmem>>) attributes {dimension_semantics = [#tpu.dimension_semantics<arbitrary>], iteration_bounds = array<i64: 13>, scalar_prefetch = 0 : i64, scratch_operands = 0 : i64, tpu.core_type = #tpu.core_type<tc>, window_params = [{transform_indices = @transform_0, window_bounds = array<i64: 4096, 6>}, {pipeline_mode = #tpu.pipeline_mode<synchronous>, transform_indices = @transform_1, window_bounds = array<i64: 1, 1>}]} {
    %get3A = arith.constant 0 : index
    %get3A_0 = arith.constant 0 : index
    %get3A_1 = vector.load %arg1[%get3A, %get3A_0] : memref<4096x6xf32, #tpu.memory_space<vmem>>, vector<4096x6xf32>
    %iota3A = tpu.iota {dimensions = array<i32: 0>} : vector<4096x1xi32>
    %mul3A = arith.constant 4096 : i32
    %mul3A_2 = arith.muli %arg0, %mul3A : i32
    %add3A = vector.broadcast %mul3A_2 : i32 to vector<4096x1xi32>
    %add3A_3 = arith.addi %iota3A, %add3A : vector<4096x1xi32>
    %slice3A = vector.extract_strided_slice %get3A_1 {offsets = [0, 0], sizes = [4096, 1], strides = [1, 1]} : vector<4096x6xf32> to vector<4096x1xf32>
    %abs3A = math.absf %slice3A : vector<4096x1xf32>
    %slice3A_4 = vector.extract_strided_slice %get3A_1 {offsets = [0, 1], sizes = [4096, 1], strides = [1, 1]} : vector<4096x6xf32> to vector<4096x1xf32>
    %abs3A_5 = math.absf %slice3A_4 : vector<4096x1xf32>
    %max3A = arith.maximumf %abs3A, %abs3A_5 : vector<4096x1xf32>
    %max3A_6 = arith.constant 1.000000e+00 : f32
    %max3A_7 = vector.broadcast %max3A_6 : f32 to vector<4096x1xf32>
    %max3A_8 = arith.maximumf %max3A, %max3A_7 : vector<4096x1xf32>
    %lt3A = arith.constant 50000 : i32
    %lt3A_9 = vector.broadcast %lt3A : i32 to vector<4096x1xi32>
    %lt3A_10 = arith.cmpi slt, %add3A_3, %lt3A_9 : vector<4096x1xi32>
    %slice3A_11 = vector.extract_strided_slice %get3A_1 {offsets = [0, 2], sizes = [4096, 1], strides = [1, 1]} : vector<4096x6xf32> to vector<4096x1xf32>
    %mul3A_12 = arith.mulf %slice3A_11, %max3A_8 : vector<4096x1xf32>
    %abs3A_13 = math.absf %mul3A_12 : vector<4096x1xf32>
    %jit3A = arith.constant 0.000000e+00 : f32
    %broadcast_in_dim3A = vector.broadcast %jit3A : f32 to vector<4096x1xf32>
    %select_n3A = arith.select %lt3A_10, %abs3A_13, %broadcast_in_dim3A : vector<4096x1xi1>, vector<4096x1xf32>
    %reduce_max3A = vector.shape_cast %select_n3A : vector<4096x1xf32> to vector<1x4096x1xf32>
    %reduce_max3A_14 = arith.constant dense<0xFF800000> : vector<1xf32>
    %reduce_max3A_15 = vector.multi_reduction <maximumf>, %reduce_max3A, %reduce_max3A_14 [1, 2] : vector<1x4096x1xf32> to vector<1xf32>
    %reduce_max3A_16 = vector.shape_cast %reduce_max3A_15 : vector<1xf32> to vector<1x1x1xf32>
    %reduce_max3A_17 = vector.extract %reduce_max3A_16[0, 0, 0] : f32 from vector<1x1x1xf32>
    %broadcast_in_dim3A_18 = vector.broadcast %reduce_max3A_17 : f32 to vector<1x1xf32>
    %eq3A = arith.constant 0 : i32
    %eq3A_19 = arith.cmpi eq, %arg0, %eq3A : i32
    %convert_element_type3A = arith.extui %eq3A_19 : i1 to i32
    %cond3A = arith.constant 0 : i32
    %cond3A_20 = arith.cmpi ne, %convert_element_type3A, %cond3A : i32
    scf.if %cond3A_20 {
      %swap3A = arith.constant 0 : index
      %swap3A_25 = arith.constant 0 : index
      %swap3A_26 = vector.load %arg2[%swap3A, %swap3A_25] : memref<1x1xf32, #tpu.memory_space<vmem>>, vector<1x1xf32>
      tpu.vector_store %arg2[%swap3A, %swap3A_25], %broadcast_in_dim3A_18 {strides = array<i32>} : memref<1x1xf32, #tpu.memory_space<vmem>>, vector<1x1xf32>,
    } else {
    }
    %gt3A = arith.constant 0 : i32
    %gt3A_21 = arith.cmpi sgt, %arg0, %gt3A : i32
    %convert_element_type3A_22 = arith.extui %gt3A_21 : i1 to i32
    %cond3A_23 = arith.constant 0 : i32
    %cond3A_24 = arith.cmpi ne, %convert_element_type3A_22, %cond3A_23 : i32
    scf.if %cond3A_24 {
      %get3A_25 = arith.constant 0 : index
      %get3A_26 = arith.constant 0 : index
      %get3A_27 = vector.load %arg2[%get3A_25, %get3A_26] : memref<1x1xf32, #tpu.memory_space<vmem>>, vector<1x1xf32>
      %max3A_28 = arith.maximumf %get3A_27, %broadcast_in_dim3A_18 : vector<1x1xf32>
      %swap3A = arith.constant 0 : index
      %swap3A_29 = arith.constant 0 : index
      %swap3A_30 = vector.load %arg2[%swap3A, %swap3A_29] : memref<1x1xf32, #tpu.memory_space<vmem>>, vector<1x1xf32>
      tpu.vector_store %arg2[%swap3A, %swap3A_29], %max3A_28 {strides = array<i32>} : memref<1x1xf32, #tpu.memory_space<vmem>>, vector<1x1xf32>,
    } else {
    }
    return
  }
  func.func @transform_0(%arg0: i32) -> (i32, i32) {
    %c0_i32 = arith.constant 0 : i32
    %c0_i32_0 = arith.constant 0 : i32
    return %arg0, %c0_i32 : i32, i32
  }
  func.func @transform_1(%arg0: i32) -> (i32, i32) {
    %c0_i32 = arith.constant 0 : i32
    %c0_i32_0 = arith.constant 0 : i32
    %c0_i32_1 = arith.constant 0 : i32
    return %c0_i32, %c0_i32_0 : i32, i32
  }
}

module attributes {stable_mosaic.version = 14 : i64} {
  func.func @_pool_body(%arg0: i32, %arg1: memref<1x4096x32xf32, #tpu.memory_space<vmem>>, %arg2: memref<1x4096x1xf32, #tpu.memory_space<vmem>>, %arg3: memref<1x4096x1xf32, #tpu.memory_space<vmem>>, %arg4: memref<4096x32xf32, #tpu.memory_space<vmem>>, %arg5: memref<32x17xf32, #tpu.memory_space<vmem>>, %arg6: memref<32x17xf32, #tpu.memory_space<vmem>>, %arg7: memref<1x17xf32, #tpu.memory_space<vmem>>, %arg8: memref<1x17xf32, #tpu.memory_space<vmem>>, %arg9: memref<1x17xf32, #tpu.memory_space<vmem>>, %arg10: memref<1x17xf32, #tpu.memory_space<vmem>>, %arg11: memref<1x34xf32, #tpu.memory_space<vmem>>) attributes {dimension_semantics = [#tpu.dimension_semantics<arbitrary>], iteration_bounds = array<i64: 13>, scalar_prefetch = 0 : i64, scratch_operands = 0 : i64, tpu.core_type = #tpu.core_type<tc>, window_params = [{transform_indices = @transform_0, window_bounds = array<i64: 1, 4096, 32>}, {transform_indices = @transform_1, window_bounds = array<i64: 1, 4096, 1>}, {transform_indices = @transform_2, window_bounds = array<i64: 1, 4096, 1>}, {transform_indices = @transform_3, window_bounds = array<i64: 4096, 32>}, {pipeline_mode = #tpu.pipeline_mode<synchronous>, transform_indices = @transform_4, window_bounds = array<i64: 32, 17>}, {pipeline_mode = #tpu.pipeline_mode<synchronous>, transform_indices = @transform_5, window_bounds = array<i64: 32, 17>}, {pipeline_mode = #tpu.pipeline_mode<synchronous>, transform_indices = @transform_6, window_bounds = array<i64: 1, 17>}, {pipeline_mode = #tpu.pipeline_mode<synchronous>, transform_indices = @transform_7, window_bounds = array<i64: 1, 17>}, {pipeline_mode = #tpu.pipeline_mode<synchronous>, transform_indices = @transform_8, window_bounds = array<i64: 1, 17>}, {pipeline_mode = #tpu.pipeline_mode<synchronous>, transform_indices = @transform_9, window_bounds = array<i64: 1, 17>}, {pipeline_mode = #tpu.pipeline_mode<synchronous>, transform_indices = @transform_10, window_bounds = array<i64: 1, 34>}]} {
    %iota3A = tpu.iota {dimensions = array<i32: 0>} : vector<4096x1xi32>
    %mul3A = arith.constant 4096 : i32
    %mul3A_0 = arith.muli %arg0, %mul3A : i32
    %add3A = vector.broadcast %mul3A_0 : i32 to vector<4096x1xi32>
    %add3A_1 = arith.addi %iota3A, %add3A : vector<4096x1xi32>
    %lt3A = arith.constant 50000 : i32
    %lt3A_2 = vector.broadcast %lt3A : i32 to vector<4096x1xi32>
    %lt3A_3 = arith.cmpi slt, %add3A_1, %lt3A_2 : vector<4096x1xi32>
    %get3A = arith.constant 0 : index
    %get3A_4 = arith.constant 0 : index
    %get3A_5 = arith.constant 0 : index
    %get3A_6 = vector.load %arg1[%get3A, %get3A_4, %get3A_5] : memref<1x4096x32xf32, #tpu.memory_space<vmem>>, vector<1x4096x32xf32>
    %get3A_7 = vector.shape_cast %get3A_6 : vector<1x4096x32xf32> to vector<4096x32xf32>
    %get3A_8 = arith.constant 0 : index
    %get3A_9 = arith.constant 0 : index
    %get3A_10 = vector.load %arg5[%get3A_8, %get3A_9] : memref<32x17xf32, #tpu.memory_space<vmem>>, vector<32x17xf32>
    %dot_general3A = arith.constant dense<0.000000e+00> : vector<4096x17xf32>
    %dot_general3A_11 = tpu.matmul %get3A_7, %get3A_10, %dot_general3A {dimension_numbers = #tpu.dot_dimension_numbers<[1], [0], [0], [1], [0, 0, 1, 1], [], []>, transpose_lhs_hint = false} : vector<4096x32xf32>, vector<32x17xf32>, vector<4096x17xf32> -> vector<4096x17xf32>
    %get3A_12 = arith.constant 0 : index
    %get3A_13 = arith.constant 0 : index
    %get3A_14 = arith.constant 0 : index
    %get3A_15 = vector.load %arg2[%get3A_12, %get3A_13, %get3A_14] : memref<1x4096x1xf32, #tpu.memory_space<vmem>>, vector<1x4096x1xf32>
    %get3A_16 = vector.shape_cast %get3A_15 : vector<1x4096x1xf32> to vector<4096x1xf32>
    %get3A_17 = arith.constant 0 : index
    %get3A_18 = arith.constant 0 : index
    %get3A_19 = vector.load %arg7[%get3A_17, %get3A_18] : memref<1x17xf32, #tpu.memory_space<vmem>>, vector<1x17xf32>
    %mul3A_20 = vector.broadcast %get3A_16 : vector<4096x1xf32> to vector<4096x17xf32>
    %mul3A_21 = vector.broadcast %get3A_19 : vector<1x17xf32> to vector<4096x17xf32>
    %mul3A_22 = arith.mulf %mul3A_20, %mul3A_21 : vector<4096x17xf32>
    %add3A_23 = arith.addf %dot_general3A_11, %mul3A_22 : vector<4096x17xf32>
    %get3A_24 = arith.constant 0 : index
    %get3A_25 = arith.constant 0 : index
    %get3A_26 = vector.load %arg8[%get3A_24, %get3A_25] : memref<1x17xf32, #tpu.memory_space<vmem>>, vector<1x17xf32>
    %add3A_27 = vector.broadcast %get3A_26 : vector<1x17xf32> to vector<4096x17xf32>
    %add3A_28 = arith.addf %add3A_23, %add3A_27 : vector<4096x17xf32>
    %max3A = arith.constant 0.000000e+00 : f32
    %max3A_29 = vector.broadcast %max3A : f32 to vector<4096x17xf32>
    %max3A_30 = arith.maximumf %add3A_28, %max3A_29 : vector<4096x17xf32>
    %jit3A = arith.constant 0.000000e+00 : f32
    %broadcast_in_dim3A = vector.shape_cast %lt3A_3 : vector<4096x1xi1> to vector<4096x1xi1>
    %broadcast_in_dim3A_31 = vector.broadcast %broadcast_in_dim3A : vector<4096x1xi1> to vector<4096x17xi1>
    %broadcast_in_dim3A_32 = vector.broadcast %jit3A : f32 to vector<4096x17xf32>
    %select_n3A = arith.select %broadcast_in_dim3A_31, %max3A_30, %broadcast_in_dim3A_32 : vector<4096x17xi1>, vector<4096x17xf32>
    %get3A_33 = arith.constant 0 : index
    %get3A_34 = arith.constant 0 : index
    %get3A_35 = arith.constant 0 : index
    %get3A_36 = vector.load %arg3[%get3A_33, %get3A_34, %get3A_35] : memref<1x4096x1xf32, #tpu.memory_space<vmem>>, vector<1x4096x1xf32>
    %get3A_37 = vector.shape_cast %get3A_36 : vector<1x4096x1xf32> to vector<4096x1xf32>
    %get3A_38 = arith.constant 0 : index
    %get3A_39 = arith.constant 0 : index
    %get3A_40 = vector.load %arg9[%get3A_38, %get3A_39] : memref<1x17xf32, #tpu.memory_space<vmem>>, vector<1x17xf32>
    %mul3A_41 = vector.broadcast %get3A_37 : vector<4096x1xf32> to vector<4096x17xf32>
    %mul3A_42 = vector.broadcast %get3A_40 : vector<1x17xf32> to vector<4096x17xf32>
    %mul3A_43 = arith.mulf %mul3A_41, %mul3A_42 : vector<4096x17xf32>
    %get3A_44 = arith.constant 0 : index
    %get3A_45 = arith.constant 0 : index
    %get3A_46 = vector.load %arg4[%get3A_44, %get3A_45] : memref<4096x32xf32, #tpu.memory_space<vmem>>, vector<4096x32xf32>
    %get3A_47 = arith.constant 0 : index
    %get3A_48 = arith.constant 0 : index
    %get3A_49 = vector.load %arg6[%get3A_47, %get3A_48] : memref<32x17xf32, #tpu.memory_space<vmem>>, vector<32x17xf32>
    %dot_general3A_50 = arith.constant dense<0.000000e+00> : vector<4096x17xf32>
    %dot_general3A_51 = tpu.matmul %get3A_46, %get3A_49, %dot_general3A_50 {dimension_numbers = #tpu.dot_dimension_numbers<[1], [0], [0], [1], [0, 0, 1, 1], [], []>, transpose_lhs_hint = false} : vector<4096x32xf32>, vector<32x17xf32>, vector<4096x17xf32> -> vector<4096x17xf32>
    %add3A_52 = arith.addf %mul3A_43, %dot_general3A_51 : vector<4096x17xf32>
    %get3A_53 = arith.constant 0 : index
    %get3A_54 = arith.constant 0 : index
    %get3A_55 = vector.load %arg10[%get3A_53, %get3A_54] : memref<1x17xf32, #tpu.memory_space<vmem>>, vector<1x17xf32>
    %add3A_56 = vector.broadcast %get3A_55 : vector<1x17xf32> to vector<4096x17xf32>
    %add3A_57 = arith.addf %add3A_52, %add3A_56 : vector<4096x17xf32>
    %max3A_58 = arith.constant 0.000000e+00 : f32
    %max3A_59 = vector.broadcast %max3A_58 : f32 to vector<4096x17xf32>
    %max3A_60 = arith.maximumf %add3A_57, %max3A_59 : vector<4096x17xf32>
    %jit3A_61 = arith.constant 0.000000e+00 : f32
    %broadcast_in_dim3A_62 = vector.shape_cast %lt3A_3 : vector<4096x1xi1> to vector<4096x1xi1>
    %broadcast_in_dim3A_63 = vector.broadcast %broadcast_in_dim3A_62 : vector<4096x1xi1> to vector<4096x17xi1>
    %broadcast_in_dim3A_64 = vector.broadcast %jit3A_61 : f32 to vector<4096x17xf32>
    %select_n3A_65 = arith.select %broadcast_in_dim3A_63, %max3A_60, %broadcast_in_dim3A_64 : vector<4096x17xi1>, vector<4096x17xf32>
    %reduce_sum3A = arith.constant dense<0.000000e+00> : vector<17xf32>
    %reduce_sum3A_66 = vector.multi_reduction <add>, %select_n3A_65, %reduce_sum3A [0] : vector<4096x17xf32> to vector<17xf32>
    %broadcast_in_dim3A_67 = vector.shape_cast %reduce_sum3A_66 : vector<17xf32> to vector<1x17xf32>
    %reduce_sum3A_68 = arith.constant dense<0.000000e+00> : vector<17xf32>
    %reduce_sum3A_69 = vector.multi_reduction <add>, %select_n3A, %reduce_sum3A_68 [0] : vector<4096x17xf32> to vector<17xf32>
    %broadcast_in_dim3A_70 = vector.shape_cast %reduce_sum3A_69 : vector<17xf32> to vector<1x17xf32>
    %concatenate3A = tpu.concatenate %broadcast_in_dim3A_67, %broadcast_in_dim3A_70 in 1 : vector<1x17xf32>, vector<1x17xf32> -> vector<1x34xf32>
    %eq3A = arith.constant 0 : i32
    %eq3A_71 = arith.cmpi eq, %arg0, %eq3A : i32
    %convert_element_type3A = arith.extui %eq3A_71 : i1 to i32
    %cond3A = arith.constant 0 : i32
    %cond3A_72 = arith.cmpi ne, %convert_element_type3A, %cond3A : i32
    scf.if %cond3A_72 {
      %swap3A = arith.constant 0 : index
      %swap3A_77 = arith.constant 0 : index
      %swap3A_78 = vector.load %arg11[%swap3A, %swap3A_77] : memref<1x34xf32, #tpu.memory_space<vmem>>, vector<1x34xf32>
      tpu.vector_store %arg11[%swap3A, %swap3A_77], %concatenate3A {strides = array<i32>} : memref<1x34xf32, #tpu.memory_space<vmem>>, vector<1x34xf32>,
    } else {
    }
    %gt3A = arith.constant 0 : i32
    %gt3A_73 = arith.cmpi sgt, %arg0, %gt3A : i32
    %convert_element_type3A_74 = arith.extui %gt3A_73 : i1 to i32
    %cond3A_75 = arith.constant 0 : i32
    %cond3A_76 = arith.cmpi ne, %convert_element_type3A_74, %cond3A_75 : i32
    scf.if %cond3A_76 {
      %get3A_77 = arith.constant 0 : index
      %get3A_78 = arith.constant 0 : index
      %get3A_79 = vector.load %arg11[%get3A_77, %get3A_78] : memref<1x34xf32, #tpu.memory_space<vmem>>, vector<1x34xf32>
      %add3A_80 = arith.addf %get3A_79, %concatenate3A : vector<1x34xf32>
      %swap3A = arith.constant 0 : index
      %swap3A_81 = arith.constant 0 : index
      %swap3A_82 = vector.load %arg11[%swap3A, %swap3A_81] : memref<1x34xf32, #tpu.memory_space<vmem>>, vector<1x34xf32>
      tpu.vector_store %arg11[%swap3A, %swap3A_81], %add3A_80 {strides = array<i32>} : memref<1x34xf32, #tpu.memory_space<vmem>>, vector<1x34xf32>,
    } else {
    }
    return
  }
  func.func @transform_0(%arg0: i32) -> (i32, i32, i32) {
    %c1_i32 = arith.constant 1 : i32
    %c0_i32 = arith.constant 0 : i32
    %c0_i32_0 = arith.constant 0 : i32
    return %c1_i32, %arg0, %c0_i32 : i32, i32, i32
  }
  func.func @transform_1(%arg0: i32) -> (i32, i32, i32) {
    %c1_i32 = arith.constant 1 : i32
    %c0_i32 = arith.constant 0 : i32
    %c0_i32_0 = arith.constant 0 : i32
    return %c1_i32, %arg0, %c0_i32 : i32, i32, i32
  }
  func.func @transform_2(%arg0: i32) -> (i32, i32, i32) {
    %c1_i32 = arith.constant 1 : i32
    %c0_i32 = arith.constant 0 : i32
    %c0_i32_0 = arith.constant 0 : i32
    return %c1_i32, %arg0, %c0_i32 : i32, i32, i32
  }
  func.func @transform_3(%arg0: i32) -> (i32, i32) {
    %c0_i32 = arith.constant 0 : i32
    %c0_i32_0 = arith.constant 0 : i32
    return %arg0, %c0_i32 : i32, i32
  }
  func.func @transform_4(%arg0: i32) -> (i32, i32) {
    %c0_i32 = arith.constant 0 : i32
    %c0_i32_0 = arith.constant 0 : i32
    %c0_i32_1 = arith.constant 0 : i32
    return %c0_i32, %c0_i32_0 : i32, i32
  }
  func.func @transform_5(%arg0: i32) -> (i32, i32) {
    %c0_i32 = arith.constant 0 : i32
    %c0_i32_0 = arith.constant 0 : i32
    %c0_i32_1 = arith.constant 0 : i32
    return %c0_i32, %c0_i32_0 : i32, i32
  }
  func.func @transform_6(%arg0: i32) -> (i32, i32) {
    %c0_i32 = arith.constant 0 : i32
    %c0_i32_0 = arith.constant 0 : i32
    %c0_i32_1 = arith.constant 0 : i32
    return %c0_i32, %c0_i32_0 : i32, i32
  }
  func.func @transform_7(%arg0: i32) -> (i32, i32) {
    %c0_i32 = arith.constant 0 : i32
    %c0_i32_0 = arith.constant 0 : i32
    %c0_i32_1 = arith.constant 0 : i32
    return %c0_i32, %c0_i32_0 : i32, i32
  }
  func.func @transform_8(%arg0: i32) -> (i32, i32) {
    %c0_i32 = arith.constant 0 : i32
    %c0_i32_0 = arith.constant 0 : i32
    %c0_i32_1 = arith.constant 0 : i32
    return %c0_i32, %c0_i32_0 : i32, i32
  }
  func.func @transform_9(%arg0: i32) -> (i32, i32) {
    %c0_i32 = arith.constant 0 : i32
    %c0_i32_0 = arith.constant 0 : i32
    %c0_i32_1 = arith.constant 0 : i32
    return %c0_i32, %c0_i32_0 : i32, i32
  }
  func.func @transform_10(%arg0: i32) -> (i32, i32) {
    %c0_i32 = arith.constant 0 : i32
    %c0_i32_0 = arith.constant 0 : i32
    %c0_i32_1 = arith.constant 0 : i32
    return %c0_i32, %c0_i32_0 : i32, i32
  }
}

module attributes {stable_mosaic.version = 14 : i64} {
  func.func @_pool_body(%arg0: i32, %arg1: memref<1x4096x32xf32, #tpu.memory_space<vmem>>, %arg2: memref<1x4096x1xf32, #tpu.memory_space<vmem>>, %arg3: memref<1x4096x1xf32, #tpu.memory_space<vmem>>, %arg4: memref<4096x32xf32, #tpu.memory_space<vmem>>, %arg5: memref<32x17xf32, #tpu.memory_space<vmem>>, %arg6: memref<32x17xf32, #tpu.memory_space<vmem>>, %arg7: memref<1x17xf32, #tpu.memory_space<vmem>>, %arg8: memref<1x17xf32, #tpu.memory_space<vmem>>, %arg9: memref<1x17xf32, #tpu.memory_space<vmem>>, %arg10: memref<1x17xf32, #tpu.memory_space<vmem>>, %arg11: memref<1x34xf32, #tpu.memory_space<vmem>>) attributes {dimension_semantics = [#tpu.dimension_semantics<arbitrary>], iteration_bounds = array<i64: 13>, scalar_prefetch = 0 : i64, scratch_operands = 0 : i64, tpu.core_type = #tpu.core_type<tc>, window_params = [{transform_indices = @transform_0, window_bounds = array<i64: 1, 4096, 32>}, {transform_indices = @transform_1, window_bounds = array<i64: 1, 4096, 1>}, {transform_indices = @transform_2, window_bounds = array<i64: 1, 4096, 1>}, {transform_indices = @transform_3, window_bounds = array<i64: 4096, 32>}, {pipeline_mode = #tpu.pipeline_mode<synchronous>, transform_indices = @transform_4, window_bounds = array<i64: 32, 17>}, {pipeline_mode = #tpu.pipeline_mode<synchronous>, transform_indices = @transform_5, window_bounds = array<i64: 32, 17>}, {pipeline_mode = #tpu.pipeline_mode<synchronous>, transform_indices = @transform_6, window_bounds = array<i64: 1, 17>}, {pipeline_mode = #tpu.pipeline_mode<synchronous>, transform_indices = @transform_7, window_bounds = array<i64: 1, 17>}, {pipeline_mode = #tpu.pipeline_mode<synchronous>, transform_indices = @transform_8, window_bounds = array<i64: 1, 17>}, {pipeline_mode = #tpu.pipeline_mode<synchronous>, transform_indices = @transform_9, window_bounds = array<i64: 1, 17>}, {pipeline_mode = #tpu.pipeline_mode<synchronous>, transform_indices = @transform_10, window_bounds = array<i64: 1, 34>}]} {
    %iota3A = tpu.iota {dimensions = array<i32: 0>} : vector<4096x1xi32>
    %mul3A = arith.constant 4096 : i32
    %mul3A_0 = arith.muli %arg0, %mul3A : i32
    %add3A = vector.broadcast %mul3A_0 : i32 to vector<4096x1xi32>
    %add3A_1 = arith.addi %iota3A, %add3A : vector<4096x1xi32>
    %lt3A = arith.constant 50000 : i32
    %lt3A_2 = vector.broadcast %lt3A : i32 to vector<4096x1xi32>
    %lt3A_3 = arith.cmpi slt, %add3A_1, %lt3A_2 : vector<4096x1xi32>
    %get3A = arith.constant 0 : index
    %get3A_4 = arith.constant 0 : index
    %get3A_5 = arith.constant 0 : index
    %get3A_6 = vector.load %arg1[%get3A, %get3A_4, %get3A_5] : memref<1x4096x32xf32, #tpu.memory_space<vmem>>, vector<1x4096x32xf32>
    %get3A_7 = vector.shape_cast %get3A_6 : vector<1x4096x32xf32> to vector<4096x32xf32>
    %get3A_8 = arith.constant 0 : index
    %get3A_9 = arith.constant 0 : index
    %get3A_10 = vector.load %arg5[%get3A_8, %get3A_9] : memref<32x17xf32, #tpu.memory_space<vmem>>, vector<32x17xf32>
    %dot_general3A = arith.constant dense<0.000000e+00> : vector<4096x17xf32>
    %dot_general3A_11 = tpu.matmul %get3A_7, %get3A_10, %dot_general3A {dimension_numbers = #tpu.dot_dimension_numbers<[1], [0], [0], [1], [0, 0, 1, 1], [], []>, transpose_lhs_hint = false} : vector<4096x32xf32>, vector<32x17xf32>, vector<4096x17xf32> -> vector<4096x17xf32>
    %get3A_12 = arith.constant 0 : index
    %get3A_13 = arith.constant 0 : index
    %get3A_14 = arith.constant 0 : index
    %get3A_15 = vector.load %arg2[%get3A_12, %get3A_13, %get3A_14] : memref<1x4096x1xf32, #tpu.memory_space<vmem>>, vector<1x4096x1xf32>
    %get3A_16 = vector.shape_cast %get3A_15 : vector<1x4096x1xf32> to vector<4096x1xf32>
    %get3A_17 = arith.constant 0 : index
    %get3A_18 = arith.constant 0 : index
    %get3A_19 = vector.load %arg7[%get3A_17, %get3A_18] : memref<1x17xf32, #tpu.memory_space<vmem>>, vector<1x17xf32>
    %mul3A_20 = vector.broadcast %get3A_16 : vector<4096x1xf32> to vector<4096x17xf32>
    %mul3A_21 = vector.broadcast %get3A_19 : vector<1x17xf32> to vector<4096x17xf32>
    %mul3A_22 = arith.mulf %mul3A_20, %mul3A_21 : vector<4096x17xf32>
    %add3A_23 = arith.addf %dot_general3A_11, %mul3A_22 : vector<4096x17xf32>
    %get3A_24 = arith.constant 0 : index
    %get3A_25 = arith.constant 0 : index
    %get3A_26 = vector.load %arg8[%get3A_24, %get3A_25] : memref<1x17xf32, #tpu.memory_space<vmem>>, vector<1x17xf32>
    %add3A_27 = vector.broadcast %get3A_26 : vector<1x17xf32> to vector<4096x17xf32>
    %add3A_28 = arith.addf %add3A_23, %add3A_27 : vector<4096x17xf32>
    %max3A = arith.constant 0.000000e+00 : f32
    %max3A_29 = vector.broadcast %max3A : f32 to vector<4096x17xf32>
    %max3A_30 = arith.maximumf %add3A_28, %max3A_29 : vector<4096x17xf32>
    %jit3A = arith.constant 0.000000e+00 : f32
    %broadcast_in_dim3A = vector.shape_cast %lt3A_3 : vector<4096x1xi1> to vector<4096x1xi1>
    %broadcast_in_dim3A_31 = vector.broadcast %broadcast_in_dim3A : vector<4096x1xi1> to vector<4096x17xi1>
    %broadcast_in_dim3A_32 = vector.broadcast %jit3A : f32 to vector<4096x17xf32>
    %select_n3A = arith.select %broadcast_in_dim3A_31, %max3A_30, %broadcast_in_dim3A_32 : vector<4096x17xi1>, vector<4096x17xf32>
    %get3A_33 = arith.constant 0 : index
    %get3A_34 = arith.constant 0 : index
    %get3A_35 = arith.constant 0 : index
    %get3A_36 = vector.load %arg3[%get3A_33, %get3A_34, %get3A_35] : memref<1x4096x1xf32, #tpu.memory_space<vmem>>, vector<1x4096x1xf32>
    %get3A_37 = vector.shape_cast %get3A_36 : vector<1x4096x1xf32> to vector<4096x1xf32>
    %get3A_38 = arith.constant 0 : index
    %get3A_39 = arith.constant 0 : index
    %get3A_40 = vector.load %arg9[%get3A_38, %get3A_39] : memref<1x17xf32, #tpu.memory_space<vmem>>, vector<1x17xf32>
    %mul3A_41 = vector.broadcast %get3A_37 : vector<4096x1xf32> to vector<4096x17xf32>
    %mul3A_42 = vector.broadcast %get3A_40 : vector<1x17xf32> to vector<4096x17xf32>
    %mul3A_43 = arith.mulf %mul3A_41, %mul3A_42 : vector<4096x17xf32>
    %get3A_44 = arith.constant 0 : index
    %get3A_45 = arith.constant 0 : index
    %get3A_46 = vector.load %arg4[%get3A_44, %get3A_45] : memref<4096x32xf32, #tpu.memory_space<vmem>>, vector<4096x32xf32>
    %get3A_47 = arith.constant 0 : index
    %get3A_48 = arith.constant 0 : index
    %get3A_49 = vector.load %arg6[%get3A_47, %get3A_48] : memref<32x17xf32, #tpu.memory_space<vmem>>, vector<32x17xf32>
    %dot_general3A_50 = arith.constant dense<0.000000e+00> : vector<4096x17xf32>
    %dot_general3A_51 = tpu.matmul %get3A_46, %get3A_49, %dot_general3A_50 {dimension_numbers = #tpu.dot_dimension_numbers<[1], [0], [0], [1], [0, 0, 1, 1], [], []>, transpose_lhs_hint = false} : vector<4096x32xf32>, vector<32x17xf32>, vector<4096x17xf32> -> vector<4096x17xf32>
    %add3A_52 = arith.addf %mul3A_43, %dot_general3A_51 : vector<4096x17xf32>
    %get3A_53 = arith.constant 0 : index
    %get3A_54 = arith.constant 0 : index
    %get3A_55 = vector.load %arg10[%get3A_53, %get3A_54] : memref<1x17xf32, #tpu.memory_space<vmem>>, vector<1x17xf32>
    %add3A_56 = vector.broadcast %get3A_55 : vector<1x17xf32> to vector<4096x17xf32>
    %add3A_57 = arith.addf %add3A_52, %add3A_56 : vector<4096x17xf32>
    %max3A_58 = arith.constant 0.000000e+00 : f32
    %max3A_59 = vector.broadcast %max3A_58 : f32 to vector<4096x17xf32>
    %max3A_60 = arith.maximumf %add3A_57, %max3A_59 : vector<4096x17xf32>
    %jit3A_61 = arith.constant 0.000000e+00 : f32
    %broadcast_in_dim3A_62 = vector.shape_cast %lt3A_3 : vector<4096x1xi1> to vector<4096x1xi1>
    %broadcast_in_dim3A_63 = vector.broadcast %broadcast_in_dim3A_62 : vector<4096x1xi1> to vector<4096x17xi1>
    %broadcast_in_dim3A_64 = vector.broadcast %jit3A_61 : f32 to vector<4096x17xf32>
    %select_n3A_65 = arith.select %broadcast_in_dim3A_63, %max3A_60, %broadcast_in_dim3A_64 : vector<4096x17xi1>, vector<4096x17xf32>
    %reduce_sum3A = arith.constant dense<0.000000e+00> : vector<17xf32>
    %reduce_sum3A_66 = vector.multi_reduction <add>, %select_n3A_65, %reduce_sum3A [0] : vector<4096x17xf32> to vector<17xf32>
    %broadcast_in_dim3A_67 = vector.shape_cast %reduce_sum3A_66 : vector<17xf32> to vector<1x17xf32>
    %reduce_sum3A_68 = arith.constant dense<0.000000e+00> : vector<17xf32>
    %reduce_sum3A_69 = vector.multi_reduction <add>, %select_n3A, %reduce_sum3A_68 [0] : vector<4096x17xf32> to vector<17xf32>
    %broadcast_in_dim3A_70 = vector.shape_cast %reduce_sum3A_69 : vector<17xf32> to vector<1x17xf32>
    %concatenate3A = tpu.concatenate %broadcast_in_dim3A_67, %broadcast_in_dim3A_70 in 1 : vector<1x17xf32>, vector<1x17xf32> -> vector<1x34xf32>
    %eq3A = arith.constant 0 : i32
    %eq3A_71 = arith.cmpi eq, %arg0, %eq3A : i32
    %convert_element_type3A = arith.extui %eq3A_71 : i1 to i32
    %cond3A = arith.constant 0 : i32
    %cond3A_72 = arith.cmpi ne, %convert_element_type3A, %cond3A : i32
    scf.if %cond3A_72 {
      %swap3A = arith.constant 0 : index
      %swap3A_77 = arith.constant 0 : index
      %swap3A_78 = vector.load %arg11[%swap3A, %swap3A_77] : memref<1x34xf32, #tpu.memory_space<vmem>>, vector<1x34xf32>
      tpu.vector_store %arg11[%swap3A, %swap3A_77], %concatenate3A {strides = array<i32>} : memref<1x34xf32, #tpu.memory_space<vmem>>, vector<1x34xf32>,
    } else {
    }
    %gt3A = arith.constant 0 : i32
    %gt3A_73 = arith.cmpi sgt, %arg0, %gt3A : i32
    %convert_element_type3A_74 = arith.extui %gt3A_73 : i1 to i32
    %cond3A_75 = arith.constant 0 : i32
    %cond3A_76 = arith.cmpi ne, %convert_element_type3A_74, %cond3A_75 : i32
    scf.if %cond3A_76 {
      %get3A_77 = arith.constant 0 : index
      %get3A_78 = arith.constant 0 : index
      %get3A_79 = vector.load %arg11[%get3A_77, %get3A_78] : memref<1x34xf32, #tpu.memory_space<vmem>>, vector<1x34xf32>
      %add3A_80 = arith.addf %get3A_79, %concatenate3A : vector<1x34xf32>
      %swap3A = arith.constant 0 : index
      %swap3A_81 = arith.constant 0 : index
      %swap3A_82 = vector.load %arg11[%swap3A, %swap3A_81] : memref<1x34xf32, #tpu.memory_space<vmem>>, vector<1x34xf32>
      tpu.vector_store %arg11[%swap3A, %swap3A_81], %add3A_80 {strides = array<i32>} : memref<1x34xf32, #tpu.memory_space<vmem>>, vector<1x34xf32>,
    } else {
    }
    return
  }
  func.func @transform_0(%arg0: i32) -> (i32, i32, i32) {
    %c0_i32 = arith.constant 0 : i32
    %c0_i32_0 = arith.constant 0 : i32
    %c0_i32_1 = arith.constant 0 : i32
    return %c0_i32, %arg0, %c0_i32_0 : i32, i32, i32
  }
  func.func @transform_1(%arg0: i32) -> (i32, i32, i32) {
    %c0_i32 = arith.constant 0 : i32
    %c0_i32_0 = arith.constant 0 : i32
    %c0_i32_1 = arith.constant 0 : i32
    return %c0_i32, %arg0, %c0_i32_0 : i32, i32, i32
  }
  func.func @transform_2(%arg0: i32) -> (i32, i32, i32) {
    %c0_i32 = arith.constant 0 : i32
    %c0_i32_0 = arith.constant 0 : i32
    %c0_i32_1 = arith.constant 0 : i32
    return %c0_i32, %arg0, %c0_i32_0 : i32, i32, i32
  }
  func.func @transform_3(%arg0: i32) -> (i32, i32) {
    %c0_i32 = arith.constant 0 : i32
    %c0_i32_0 = arith.constant 0 : i32
    return %arg0, %c0_i32 : i32, i32
  }
  func.func @transform_4(%arg0: i32) -> (i32, i32) {
    %c0_i32 = arith.constant 0 : i32
    %c0_i32_0 = arith.constant 0 : i32
    %c0_i32_1 = arith.constant 0 : i32
    return %c0_i32, %c0_i32_0 : i32, i32
  }
  func.func @transform_5(%arg0: i32) -> (i32, i32) {
    %c0_i32 = arith.constant 0 : i32
    %c0_i32_0 = arith.constant 0 : i32
    %c0_i32_1 = arith.constant 0 : i32
    return %c0_i32, %c0_i32_0 : i32, i32
  }
  func.func @transform_6(%arg0: i32) -> (i32, i32) {
    %c0_i32 = arith.constant 0 : i32
    %c0_i32_0 = arith.constant 0 : i32
    %c0_i32_1 = arith.constant 0 : i32
    return %c0_i32, %c0_i32_0 : i32, i32
  }
  func.func @transform_7(%arg0: i32) -> (i32, i32) {
    %c0_i32 = arith.constant 0 : i32
    %c0_i32_0 = arith.constant 0 : i32
    %c0_i32_1 = arith.constant 0 : i32
    return %c0_i32, %c0_i32_0 : i32, i32
  }
  func.func @transform_8(%arg0: i32) -> (i32, i32) {
    %c0_i32 = arith.constant 0 : i32
    %c0_i32_0 = arith.constant 0 : i32
    %c0_i32_1 = arith.constant 0 : i32
    return %c0_i32, %c0_i32_0 : i32, i32
  }
  func.func @transform_9(%arg0: i32) -> (i32, i32) {
    %c0_i32 = arith.constant 0 : i32
    %c0_i32_0 = arith.constant 0 : i32
    %c0_i32_1 = arith.constant 0 : i32
    return %c0_i32, %c0_i32_0 : i32, i32
  }
  func.func @transform_10(%arg0: i32) -> (i32, i32) {
    %c0_i32 = arith.constant 0 : i32
    %c0_i32_0 = arith.constant 0 : i32
    %c0_i32_1 = arith.constant 0 : i32
    return %c0_i32, %c0_i32_0 : i32, i32
  }
}

module attributes {stable_mosaic.version = 14 : i64} {
  func.func @_head_body(%arg0: memref<1x34xf32, #tpu.memory_space<vmem>>, %arg1: memref<1x34xf32, #tpu.memory_space<vmem>>, %arg2: memref<1x34xf32, #tpu.memory_space<vmem>>, %arg3: memref<1x34xf32, #tpu.memory_space<vmem>>, %arg4: memref<34x128xf32, #tpu.memory_space<vmem>>, %arg5: memref<1x128xf32, #tpu.memory_space<vmem>>, %arg6: memref<128x1xf32, #tpu.memory_space<vmem>>, %arg7: memref<1x1xf32, #tpu.memory_space<vmem>>) attributes {dimension_semantics = [], scalar_prefetch = 0 : i64, scratch_operands = 0 : i64, tpu.core_type = #tpu.core_type<tc>} {
    %get3A = arith.constant 0 : index
    %get3A_0 = arith.constant 0 : index
    %get3A_1 = vector.load %arg1[%get3A, %get3A_0] : memref<1x34xf32, #tpu.memory_space<vmem>>, vector<1x34xf32>
    %get3A_2 = arith.constant 0 : index
    %get3A_3 = arith.constant 0 : index
    %get3A_4 = vector.load %arg0[%get3A_2, %get3A_3] : memref<1x34xf32, #tpu.memory_space<vmem>>, vector<1x34xf32>
    %sub3A = arith.subf %get3A_1, %get3A_4 : vector<1x34xf32>
    %mul3A = arith.constant 2.000000e-05 : f32
    %mul3A_5 = vector.broadcast %mul3A : f32 to vector<1x34xf32>
    %mul3A_6 = arith.mulf %sub3A, %mul3A_5 : vector<1x34xf32>
    %reduce_sum3A = arith.constant dense<0.000000e+00> : vector<1xf32>
    %reduce_sum3A_7 = vector.multi_reduction <add>, %mul3A_6, %reduce_sum3A [1] : vector<1x34xf32> to vector<1xf32>
    %broadcast_in_dim3A = vector.shape_cast %reduce_sum3A_7 : vector<1xf32> to vector<1x1xf32>
    %div3A = arith.constant 3.400000e+01 : f32
    %div3A_8 = vector.broadcast %div3A : f32 to vector<1x1xf32>
    %div3A_9 = arith.divf %broadcast_in_dim3A, %div3A_8 : vector<1x1xf32>
    %sub3A_10 = vector.broadcast %div3A_9 : vector<1x1xf32> to vector<1x34xf32>
    %sub3A_11 = arith.subf %mul3A_6, %sub3A_10 : vector<1x34xf32>
    %integer_pow3A = arith.mulf %sub3A_11, %sub3A_11 : vector<1x34xf32>
    %reduce_sum3A_12 = arith.constant dense<0.000000e+00> : vector<1xf32>
    %reduce_sum3A_13 = vector.multi_reduction <add>, %integer_pow3A, %reduce_sum3A_12 [1] : vector<1x34xf32> to vector<1xf32>
    %broadcast_in_dim3A_14 = vector.shape_cast %reduce_sum3A_13 : vector<1xf32> to vector<1x1xf32>
    %div3A_15 = arith.constant 3.400000e+01 : f32
    %div3A_16 = vector.broadcast %div3A_15 : f32 to vector<1x1xf32>
    %div3A_17 = arith.divf %broadcast_in_dim3A_14, %div3A_16 : vector<1x1xf32>
    %sub3A_18 = vector.broadcast %div3A_9 : vector<1x1xf32> to vector<1x34xf32>
    %sub3A_19 = arith.subf %mul3A_6, %sub3A_18 : vector<1x34xf32>
    %add3A = arith.constant 9.99999974E-6 : f32
    %add3A_20 = vector.broadcast %add3A : f32 to vector<1x1xf32>
    %add3A_21 = arith.addf %div3A_17, %add3A_20 : vector<1x1xf32>
    %sqrt3A = math.sqrt %add3A_21 : vector<1x1xf32>
    %div3A_22 = vector.broadcast %sqrt3A : vector<1x1xf32> to vector<1x34xf32>
    %div3A_23 = arith.divf %sub3A_19, %div3A_22 : vector<1x34xf32>
    %get3A_24 = arith.constant 0 : index
    %get3A_25 = arith.constant 0 : index
    %get3A_26 = vector.load %arg2[%get3A_24, %get3A_25] : memref<1x34xf32, #tpu.memory_space<vmem>>, vector<1x34xf32>
    %mul3A_27 = arith.mulf %div3A_23, %get3A_26 : vector<1x34xf32>
    %get3A_28 = arith.constant 0 : index
    %get3A_29 = arith.constant 0 : index
    %get3A_30 = vector.load %arg3[%get3A_28, %get3A_29] : memref<1x34xf32, #tpu.memory_space<vmem>>, vector<1x34xf32>
    %add3A_31 = arith.addf %mul3A_27, %get3A_30 : vector<1x34xf32>
    %get3A_32 = arith.constant 0 : index
    %get3A_33 = arith.constant 0 : index
    %get3A_34 = vector.load %arg4[%get3A_32, %get3A_33] : memref<34x128xf32, #tpu.memory_space<vmem>>, vector<34x128xf32>
    %dot_general3A = arith.constant dense<0.000000e+00> : vector<1x128xf32>
    %dot_general3A_35 = tpu.matmul %add3A_31, %get3A_34, %dot_general3A {dimension_numbers = #tpu.dot_dimension_numbers<[1], [0], [0], [1], [0, 0, 1, 1], [], []>, transpose_lhs_hint = false} : vector<1x34xf32>, vector<34x128xf32>, vector<1x128xf32> -> vector<1x128xf32>
    %get3A_36 = arith.constant 0 : index
    %get3A_37 = arith.constant 0 : index
    %get3A_38 = vector.load %arg5[%get3A_36, %get3A_37] : memref<1x128xf32, #tpu.memory_space<vmem>>, vector<1x128xf32>
    %add3A_39 = arith.addf %dot_general3A_35, %get3A_38 : vector<1x128xf32>
    %max3A = arith.constant 0.000000e+00 : f32
    %max3A_40 = vector.broadcast %max3A : f32 to vector<1x128xf32>
    %max3A_41 = arith.maximumf %add3A_39, %max3A_40 : vector<1x128xf32>
    %get3A_42 = arith.constant 0 : index
    %get3A_43 = arith.constant 0 : index
    %get3A_44 = vector.load %arg6[%get3A_42, %get3A_43] : memref<128x1xf32, #tpu.memory_space<vmem>>, vector<128x1xf32>
    %dot_general3A_45 = arith.constant dense<0.000000e+00> : vector<1x1xf32>
    %dot_general3A_46 = tpu.matmul %max3A_41, %get3A_44, %dot_general3A_45 {dimension_numbers = #tpu.dot_dimension_numbers<[1], [0], [0], [1], [0, 0, 1, 1], [], []>, transpose_lhs_hint = false} : vector<1x128xf32>, vector<128x1xf32>, vector<1x1xf32> -> vector<1x1xf32>
    %logistic3A = arith.negf %dot_general3A_46 : vector<1x1xf32>
    %logistic3A_47 = math.exp %logistic3A : vector<1x1xf32>
    %logistic3A_48 = arith.constant 1.000000e+00 : f32
    %logistic3A_49 = vector.broadcast %logistic3A_48 : f32 to vector<1x1xf32>
    %logistic3A_50 = arith.addf %logistic3A_49, %logistic3A_47 : vector<1x1xf32>
    %logistic3A_51 = arith.divf %logistic3A_49, %logistic3A_50 : vector<1x1xf32>
    %swap3A = arith.constant 0 : index
    %swap3A_52 = arith.constant 0 : index
    %swap3A_53 = vector.load %arg7[%swap3A, %swap3A_52] : memref<1x1xf32, #tpu.memory_space<vmem>>, vector<1x1xf32>
    tpu.vector_store %arg7[%swap3A, %swap3A_52], %logistic3A_51 {strides = array<i32>} : memref<1x1xf32, #tpu.memory_space<vmem>>, vector<1x1xf32>,
    return
  }
}

</mosaic_0001>

<sc_bundles>
// kernel: kernel.10.cloned.1.call-start
scs
__scs_entry_jumppad:
0x0: {  	(pc) =	sbr.rel $0x88, $3  }
0x1: {  	(tag) =	ssettag $0x0;
	lr =	simm.s32 $0x1  }
0x2: {  	[smem:$0x3F7A] =	sst lr;
	_ =	strace $0xD0000000  }
0x3: {  	_ = 	snop  }
0x4: {  	_ = 	snop  }
0x5: {  	_ = 	snop  }
0x6: {  	_ = 	snop  }
0x7: {  	_ = 	snop  }
__scs_overlays_trampoline_lowered:
0x8: {  	[smem:$0x3F89] =	sst s0  }
0x9: {  	[smem:$0x3F8A] =	sst s1  }
0xa: {  	[smem:$0x3F8B] =	sst s2  }
0xb: {  	[smem:$0x3F8C] =	sst s3  }
0xc: {  	[smem:$0x3F8D] =	sst s4  }
0xd: {  	[smem:$0x3F8E] =	sst s5  }
0xe: {  	[smem:$0x3F8F] =	sst s6  }
0xf: {  	[smem:$0x3F90] =	sst s7  }
0x10: {  	[smem:$0x3F91] =	sst s8  }
0x11: {  	[smem:$0x3F92] =	sst s9;
	s0 =	simm.s32 @!p0 $0x0  }
0x12: {  	s1 =	sld [smem:$0x3F78];
	s0 =	simm.s32 @p0 $0x1  }
0x13: {  	[smem:$0x3F93] =	sst s0;
	s0 =	simm.s32 @!p1 $0x0  }
0x14: {  	s2 =	sld [smem:$0x3F77];
	s0 =	simm.s32 @p1 $0x1  }
0x15: {  	[smem:$0x3F94] =	sst s0;
	s0 =	simm.s32 @!p2 $0x0  }
0x16: {  	s3 =	sld [smem:$0x3FDB];
	s0 =	simm.s32 @p2 $0x1  }
0x17: {  	s4 =	simm.s32 $0x1BF5;
	[smem:$0x3F96] =	sst s0  }
0x18: {  	s0 =	sld [smem:$0x3F79];
	_ =	swait.ge [sflag:s4], $0x0  }
0x19: {  	s7 =	sld [smem:$0x3F7A]  }
0x1a: {  	s8 =	sadd.s32 $0xFFFFE003, lr  }
0x1b: {  	s9 =	sadd.s32 $0xFFFFFEF7, lr;
	s5 =	simm.s32 $0xFFFFFFFF;
	p2 =	slt.u32 s8, $0xFFFFF086  }
0x1c: {  	p1 =	slt.u32 s9, $0xF7A;
	s5 =	simm.s32 @!p2 $0x0  }
0x1d: {  	s5 =	simm.s32 @p1 $0x1;
	p0 =	seq.s32 s7, s2  }
0x1e: {  	s7 =	smul.u32 @!p0 $0xF7A, s2;
	p2 =	seq.s32 @!p0 s5, $0x0  }
0x1f: {  	s9 =	smul.u32 $0xF7A, s1;
	s8 =	simm.s32 @!p0 $0x1BF5;
	p2 =	por !p2, p0  }
0x20: {  	[sflag:s8] =	ssyncset.s32 @!p0 $0xFFFFF086;
	s6 =	sadd.s32 @!p0 s3, s7;
	s7 =	simm.s32 @!p0 $0x108  }
0x21: {  	s3 =	sadd.s32 s3, s9;
	s6 =	sadd.s32 @!p0 $0x88, s6;
	s7 =	simm.s32 @p2 $0x1082  }
0x22: {  	[simem:s7], [sflag:s8] =	dma.local @!p0 [hbm:s6], $0xF7A  }
0x23: {  	s9 =	sor.u32 $0xD0000000, s2;
	s6 =	simm.s32 $0x108;
	_ =	swait.ge @!p0 [sflag:s8], $0x0  }
0x24: {  	s3 =	sadd.s32 $0x88, s3;
	s6 =	simm.s32 @!p1 $0x1082;
	[sflag:s4] =	ssyncset.s32 $0xFFFFF086  }
0x25: {  	[simem:s6], [sflag:s4] =	dma.local [hbm:s3], $0xF7A  }
0x26: {  	[smem:$0x3F7A] =	sst s1;
	(tag) =	ssettag s2;
	_ =	strace s9  }
0x27: {  	s1 =	sld [smem:$0x3F8A]  }
0x28: {  	s2 =	sld [smem:$0x3F8B]  }
0x29: {  	s4 =	sld [smem:$0x3F8D]  }
0x2a: {  	p0 =	seq.s32 s5, $0x0;
	s5 =	sld [smem:$0x3F8E]  }
0x2b: {  	s6 =	sld [smem:$0x3F8F]  }
0x2c: {  	s7 =	sld [smem:$0x3F90]  }
0x2d: {  	s3 =	simm.s32 $0x108;
	s8 =	sld [smem:$0x3F91]  }
0x2e: {  	s3 =	simm.s32 @!p0 $0x1082;
	s9 =	sld [smem:$0x3F92]  }
0x2f: {  	lr =	sadd.s32 s0, s3;
	s0 =	sld [smem:$0x3F89]  }
0x30: {  	s3 =	sld [smem:$0x3F8C]  }
0x31: {  	[smem:$0x3F95] =	sst s10  }
0x32: {  	s10 =	sld [smem:$0x3F93];
	_ =	sdelay $0x3  }
0x33: {  	p0 =	seq.s32 s10, $0x1;
	s10 =	sld [smem:$0x3F95];
	_ =	sdelay $0x3  }
0x34: {  	[smem:$0x3F95] =	sst s10  }
0x35: {  	s10 =	sld [smem:$0x3F94];
	_ =	sdelay $0x3  }
0x36: {  	p1 =	seq.s32 s10, $0x1;
	s10 =	sld [smem:$0x3F95];
	_ =	sdelay $0x3  }
0x37: {  	[smem:$0x3F95] =	sst s10  }
0x38: {  	s10 =	sld [smem:$0x3F96]  }
0x39: {  	_ = 	snop;
	(pc) =	sbr.ind lr, $3  }
0x3a: {  	_ = 	snop  }
0x3b: {  	_ = 	snop  }
0x3c: {  	p2 =	seq.s32 s10, $0x1;
	s10 =	sld [smem:$0x3F95]  }
0x3d: {  	_ =	shalt  }
0x3e: {  	_ =	shalt  }
0x3f: {  	_ =	shalt  }
0x40: {  	_ =	shalt  }
0x41: {  	_ =	shalt  }
0x42: {  	_ =	shalt  }
0x43: {  	_ =	shalt  }
0x44: {  	_ =	shalt  }
0x45: {  	_ =	shalt  }
0x46: {  	_ =	shalt  }
0x47: {  	_ =	shalt  }
0x48: {  	_ =	shalt  }
0x49: {  	_ =	shalt  }
0x4a: {  	_ =	shalt  }
0x4b: {  	_ =	shalt  }
0x4c: {  	_ =	shalt  }
0x4d: {  	_ =	shalt  }
0x4e: {  	_ =	shalt  }
0x4f: {  	_ =	shalt  }
0x50: {  	_ =	shalt  }
0x51: {  	_ =	shalt  }
0x52: {  	_ =	shalt  }
0x53: {  	_ =	shalt  }
0x54: {  	_ =	shalt  }
0x55: {  	_ =	shalt  }
0x56: {  	_ =	shalt  }
0x57: {  	_ =	shalt  }
0x58: {  	_ =	shalt  }
0x59: {  	_ =	shalt  }
0x5a: {  	_ =	shalt  }
0x5b: {  	_ =	shalt  }
0x5c: {  	_ =	shalt  }
0x5d: {  	_ =	shalt  }
0x5e: {  	_ =	shalt  }
0x5f: {  	_ =	shalt  }
0x60: {  	_ =	shalt  }
0x61: {  	_ =	shalt  }
0x62: {  	_ =	shalt  }
0x63: {  	_ =	shalt  }
0x64: {  	_ =	shalt  }
0x65: {  	_ =	shalt  }
0x66: {  	_ =	shalt  }
0x67: {  	_ =	shalt  }
0x68: {  	_ =	shalt  }
0x69: {  	_ =	shalt  }
0x6a: {  	_ =	shalt  }
0x6b: {  	_ =	shalt  }
0x6c: {  	_ =	shalt  }
0x6d: {  	_ =	shalt  }
0x6e: {  	_ =	shalt  }
0x6f: {  	_ =	shalt  }
0x70: {  	_ =	shalt  }
0x71: {  	_ =	shalt  }
0x72: {  	_ =	shalt  }
0x73: {  	_ =	shalt  }
0x74: {  	_ =	shalt  }
0x75: {  	_ =	shalt  }
0x76: {  	_ =	shalt  }
0x77: {  	_ =	shalt  }
0x78: {  	_ =	shalt  }
0x79: {  	_ =	shalt  }
0x7a: {  	_ =	shalt  }
0x7b: {  	_ =	shalt  }
0x7c: {  	_ =	shalt  }
0x7d: {  	_ =	shalt  }
0x7e: {  	_ =	shalt  }
0x7f: {  	_ =	shalt  }
0x80: {  	_ =	shalt  }
0x81: {  	_ =	shalt  }
0x82: {  	_ =	shalt  }
0x83: {  	_ =	shalt  }
0x84: {  	_ =	shalt  }
0x85: {  	_ =	shalt  }
0x86: {  	_ =	shalt  }
0x87: {  	_ =	shalt  }
.Lfunc_end0:
.L_simem_size_0:
called_computation_lowered:
.L_overlay_start_0:
0x88: {  	s2 =	sld [smem:$0x3FD9]  }
0x89: {  	s3 =	sld [smem:$0x3FFE];
	_ =	sdelay $0x1  }
0x8a: {  	s1 =	srdreg.scid  }
0x8b: {  	s0 =	sand.u32 $0x1, s1  }
0x8c: {  	s16 =	sshll.u32 s0, $0xA;
	s2 =	sadd.s32 s3, s2  }
0x8d: {  	s2 =	sadd.s32 s2, s16  }
0x8e: {  	[smem:$0x3FA1] =	sst s2  }
0x8f: {  	_ = 	snop  }
0x90: {  	(tm) =	ssettm $0x1  }
0x91: {  	s17 =	sld [smem:$0x3FFB];
	_ =	sdelay $0x3  }
0x92: {  	_ =	strace s17  }
0x93: {  	s2 =	sld [smem:$0x3FFC];
	_ =	sdelay $0x3  }
0x94: {  	_ =	strace s2  }
0x95: {  	s2 =	sld [smem:$0x3FFD];
	_ =	sdelay $0x3  }
0x96: {  	_ =	strace s2  }
0x97: {  	_ =	strace $0x8FFFFFFF  }
0x98: {  	s18 =	sld [smem:$0x3FDB];
	_ =	sdelay $0x1  }
0x99: {  	s19 =	simm.s32 $_scs_section_size  }
0x9a: {  	s4 =	simm.s32 $_size__tile_overlayer_lowered;
	s5 =	simm.s32 $_tile_overlayer_lowered  }
0x9b: {  	s22 =	simm.s32 $0x1BFF;
	s21 =	sshll.u32 s5, $0x1;
	s2 =	sadd.s32 s19, s18  }
0x9c: {  	s6 =	simm.s32 $0x0;
	s20 =	sshll.u32 s4, $0x1;
	s4 =	sadd.s32 s21, s2  }
0x9d: {  	[timem:s6], [sflag:s22] =	dma.local [hbm:s4], s20  }
0x9e: {  	_ =	swait.ge [sflag:s22], s20  }
0x9f: {  	s3 =	ssub.s32 $0x0, s20;
	[sflag:s22] =	ssyncset.done $0x0  }
0xa0: {  	[sflag:s22] =	ssyncadd.s32 s3;
	_ =	sdelay $0x1  }
0xa1: {  	s23 =	simm.s32 $0x1B8B  }
0xa2: {  	_ =	swait.ge [sflag:s23], $0x1  }
0xa3: {  	[sflag:s23] =	ssyncset.done $0x0  }
0xa4: {  	s25 =	simm.s32 $0x1B8E;
	s24 =	sld [smem:$0x3FFE];
	[sflag:s23] =	ssyncadd.s32 $0xFFFFFFFF  }
0xa5: {  	s26 =	simm.s32 $execute0_lowered;
	[smem:$0x3FD2] =	sst s25  }
0xa6: {  	s4 =	sshll.u32 s26, $0x1;
	_ =	strace $0x80000046;
	[dreg:$0x1] =	wrdreg $0xFFFFFFFF  }
0xa7: {  	s28 =	simm.s32 $_size_execute0_lowered;
	s2 =	sadd.s32 s2, s4;
	[dreg:$0x0] =	wrdreg $0x0  }
0xa8: {  	s4 =	sshll.u32 s28, $0x1;
	[dreg:$0x2] =	wrdreg s2  }
0xa9: {  	[dreg:$0x3] =	wrdreg s4  }
0xaa: {  	[dreg:$0x4] =	wrdreg $0xC0  }
0xab: {  	_ =	task [dreg:s6], $0x5FFFF  }
0xac: {  	[dreg:$0x1] =	wrdreg $0xFFFFFFFF  }
0xad: {  	[dreg:$0x0] =	wrdreg $0x60  }
0xae: {  	[dreg:$0x2] =	wrdreg s24  }
0xaf: {  	[dreg:$0x3] =	wrdreg $0x0  }
0xb0: {  	[dreg:$0x4] =	wrdreg $0x1A0000  }
0xb1: {  	[dreg:$0x5] =	wrdreg $0x1AD000  }
0xb2: {  	[dreg:$0x6] =	wrdreg $0x9  }
0xb3: {  	_ =	task.clear_ibuf [dreg:s6], $0x7FFFF;
	_ =	strace $0x90000046  }
0xb4: {  	s29 =	simm.s32 $0x9;
	_ =	strace $0x80000048  }
0xb5: {  	_ =	swait.ge [sflag:s29], $0x1  }
0xb6: {  	[sflag:s29] =	ssyncadd.s32 $0xFFFFFFFF  }
0xb7: {  	_ =	strace $0x90000048  }
0xb8: {  	_ =	sfence  }
0xb9: {  	s30 =	sld [smem:$0x0];
	_ =	sdelay $0x2  }
0xba: {  	s31 =	sshll.u32 s1, $0xD;
	s1 =	sshrl.u32 s1, $0x2  }
0xbb: {  	s3 =	sand.u32 $0x4000, s31;
	s1 =	sadd.s32 s1, s30  }
0xbc: {  	s0 =	sor.u32 s3, s0;
	s1 =	sshll.u32 s1, $0x11  }
0xbd: {  	s0 =	sor.u32 s1, s0  }
0xbe: {  	s0 =	sadd.s32 $0x8F2B, s0  }
0xbf: {  	[sflag:s0] =	ssyncadd.remote.s32 $0x1  }
0xc0: {  	_ =	sfence.sel $0xFFFF  }
0xc1: {  	[dreg:$0x0] =	wrdreg $0xFFFFFFFF;
	(pc) =	sbr.abs _section_cstart, $3  }
0xc2: {  	[dreg:$0x1] =	wrdreg $0xFFFFFFFF  }
0xc3: {  	_ =	task.clear_ibuf [dreg:s6], $0x2FFFF;
	_ =	strace $0x9FFFFFFF  }
0xc4: {  	(tm) =	ssettm $0x7FFFFFFF  }
0xc5: {  	_ =	shalt  }
tec
execute0_lowered:
.L_overlay_start_1:
0x0: {  	(tag) =	ssettag $0x1  }
0x1: {  	s0 =	rddreg [dreg:$0x0]  }
0x2: {  	s2 =	rddreg [dreg:$0x1]  }
0x3: {  	s3 =	rddreg [dreg:$0x2]  }
0x4: {  	s4 =	rddreg [dreg:$0x3];
	s14 =	stileid.u32  }
0x5: {  	s6 =	srdreg.scid;
	s5 =	simm.s32 $0x0;
	s28 =	simm.s32 $0x1DE00  }
0x6: {  	s29 =	simm.s32 $0x1BB80;
	s30 =	simm.s32 $0x1EE00;
	s1 =	smul.u32 $0x1880, s14  }
0x7: {  	s31 =	simm.s32 $0x1;
	s8 =	sand.u32 $0x1, s6;
	s9 =	smul.u32 $0x1A000, s14  }
0x8: {  	[smem:$0x7FF] =	sst s5;
	s11 =	smul.u32 $0xD00, s14;
	s6 =	sadd.s32 $0x38C00, s0  }
0x9: {  	s7 =	sadd.s32 $0x4C00, s0;
	s13 =	sadd.s32 $0xB6400, s0;
	s15 =	sadd.s32 $0xB9800, s0  }
0xa: {  	s10 =	smul.u32 $0x1A0000, s8;
	_ =	strace $0x80000047;
	[dreg:$0x9] =	wrdreg s13  }
0xb: {  	s14 =	sshll.u32 s14, $0x6;
	s12 =	smul.u32 $0xD000, s8;
	[dreg:$0xa] =	wrdreg s15  }
0xc: {  	s18 =	ssub.s32 $0x2, s8;
	p0 =	seq.s32 s8, $0x1;
	s13 =	simm.s32 $0x4  }
0xd: {  	s1 =	sadd.s32 s1, s0;
	s19 =	sshrl.u32 s18, $0x1;
	s20 =	sadd.s32 s11, s3  }
0xe: {  	s12 =	sadd.s32 s11, s12;
	[dreg:$0xc] =	wrdreg s20;
	s11 =	sadd.s32 s11, s4  }
0xf: {  	s10 =	sadd.s32 s9, s10;
	s21 =	sadd.s32 $0x85400, s1;
	[dreg:$0xd] =	wrdreg s11  }
0x10: {  	s9 =	sadd.s32 s9, s2;
	s22 =	sadd.s32 $0x198200, s1;
	[dreg:$0x5] =	wrdreg s21  }
0x11: {  	s24 =	sadd.s32 $0x6CC00, s1;
	s1 =	sadd.s32 $0x9DC00, s1;
	[dreg:$0x6] =	wrdreg s22  }
0x12: {  	s20 =	simm.s32 $0x1BC00;
	s10 =	sshrl.u32 s10, $0x3;
	[dreg:$0x7] =	wrdreg s24  }
0x13: {  	s17 =	sshrl.u32 s12, $0x3;
	s12 =	ssub.s32 s18, s19;
	[dreg:$0x8] =	wrdreg s1  }
0x14: {  	s9 =	sshrl.u32 s9, $0x3;
	s18 =	simm.s32 $0x5;
	s19 =	simm.s32 $0x1BA00  }
0x15: {  	s21 =	simm.s32 $0x80;
	s22 =	simm.s32 $0x1BE00;
	s24 =	simm.s32 $0x1CE00  }
0x16: {  	s16 =	sadd.s32 s10, s0;
	s26 =	smax.u32 s12, $0x1;
	[dreg:$0x12] =	wrdreg s9  }
0x17: {  	s0 =	sadd.s32 s17, s0;
	s10 =	sor.u32 $0x1C05, s14;
	[dreg:$0x11] =	wrdreg s26  }
.Ltmp0:
0x18: {  	s23 =	sadd.s32 $0x1B0A00, s16;
	[dreg:$0xb] =	wrdreg s10;
	(pc) =	sbr.rel .LBB2_1-.Ltmp0, $4  }
0x19: {  	s1 =	simm.s32 $0x1BC80;
	s25 =	sadd.s32 $0xB9A00, s0;
	[dreg:$0xe] =	wrdreg s23  }
0x1a: {  	s11 =	simm.s32 $0x0;
	s0 =	sadd.s32 $0xBCE00, s0;
	[dreg:$0xf] =	wrdreg s25  }
0x1b: {  	s12 =	simm.s32 $0x3;
	s26 =	simm.s32 $0x1BD00;
	[dreg:$0x10] =	wrdreg s0  }
0x1c: {  	v0 =	vimm.f32 $1.000000000e+00;
	s23 =	simm.s32 $0x1BA80;
	s25 =	simm.s32 $0x1BB00;
	s0 =	simm.s32 $0x1FE00  }
.LBB2_7:
0x1d: {  	[spmem:s4] =	stream.indirect.scatter.add.f32 [tilespmem:s0], [sflag:$0x3], $0x1, s23, s21, $0xb8;
	[tilespmem:$0x1FE80] =	vst v63  }
0x1e: {  	s8 =	simm.s32 @!p1 $0x3  }
0x1f: {  	_ =	swait.ge @!p1 [sflag:s8], $0x1000  }
0x20: {  	[sflag:s8] =	ssyncset.done @!p1 $0x0  }
0x21: {  	[sflag:s8] =	ssyncadd.s32 @!p1 $0xFFFFF000  }
0x22: {  	_ =	swait.ge @!p1 [sflag:s8], $0x80  }
0x23: {  	[sflag:s8] =	ssyncset.done @!p1 $0x0  }
0x24: {  	[sflag:s8] =	ssyncadd.s32 @!p1 $0xFFFFFF80  }
0x25: {  	_ =	swait.ge @!p1 [sflag:s8], $0x80  }
0x26: {  	[sflag:s8] =	ssyncset.done @!p1 $0x0  }
0x27: {  	[sflag:s8] =	ssyncadd.s32 @!p1 $0xFFFFFF80  }
0x28: {  	_ =	swait.ge @!p1 [sflag:s8], $0x1000  }
0x29: {  	[sflag:s8] =	ssyncset.done @!p1 $0x0  }
0x2a: {  	[sflag:s8] =	ssyncadd.s32 @!p1 $0xFFFFF000  }
0x2b: {  	_ =	swait.ge @!p1 [sflag:s8], $0x80  }
0x2c: {  	[sflag:s8] =	ssyncset.done @!p1 $0x0  }
0x2d: {  	[sflag:s8] =	ssyncadd.s32 @!p1 $0xFFFFFF80  }
0x2e: {  	_ =	swait.ge @!p1 [sflag:s8], $0x80  }
0x2f: {  	s9 =	rddreg [dreg:$0x8];
	[sflag:s8] =	ssyncset.done @!p1 $0x0  }
0x30: {  	[sflag:s8] =	ssyncadd.s32 @!p1 $0xFFFFFF80;
	s17 =	sadd.s32 s11, s9  }
0x31: {  	[tilespmem:s19], [sflag:$0x5] =	stream.linear.gather [hbm4b:s17+s5], $0x100, $0x38;
	[tilespmem:$0x1FE80] =	vst v63  }
0x32: {  	_ =	swait.ge [sflag:s18], $0x100  }
0x33: {  	s16 =	rddreg [dreg:$0x7];
	[sflag:s18] =	ssyncset.done $0x0  }
0x34: {  	[sflag:s18] =	ssyncadd.s32 $0xFFFFFF00;
	s9 =	sadd.s32 s11, s16  }
0x35: {  	[tilespmem:s20], [sflag:$0x5] =	stream.linear.gather [hbm4b:s9+s5], $0x100, $0x38;
	[tilespmem:$0x1FE80] =	vst v63  }
0x36: {  	_ =	swait.ge [sflag:s18], $0x100  }
0x37: {  	[sflag:s18] =	ssyncset.done $0x0  }
0x38: {  	[sflag:s18] =	ssyncadd.s32 $0xFFFFFF00  }
0x39: {  	[tilespmem:s22], [sflag:$0x1] =	stream.indirect.gather [hbm4b:s7+s21], $0x20, s19, s21, $0xb8;
	[tilespmem:$0x1FE80] =	vst v63  }
0x3a: {  	s10 =	simm.s32 @!p1 $0x2  }
0x3b: {  	[tilespmem:s24], [sflag:$0x1] =	stream.indirect.gather [hbm4b:s7+s21], $0x20, s23, s21, $0xb8;
	[tilespmem:$0x1FE80] =	vst v63  }
0x3c: {  	_ =	swait.ge @!p1 [sflag:s10], $0x1000  }
0x3d: {  	[sflag:s10] =	ssyncset.done @!p1 $0x0  }
0x3e: {  	[sflag:s10] =	ssyncadd.s32 @!p1 $0xFFFFF000  }
0x3f: {  	_ =	swait.ge @!p1 [sflag:s10], $0x1000  }
0x40: {  	s14 =	simm.s32 @!p1 $0x1BD00;
	[sflag:s10] =	ssyncset.done @!p1 $0x0  }
0x41: {  	s11 =	simm.s32 @!p1 $0x1DE00;
	[sflag:s10] =	ssyncadd.s32 @!p1 $0xFFFFF000;
	s10 =	simm.s32 @!p1 $0x80  }
0x42: {  	[spmem:s2] =	stream.indirect.scatter.add.f32 @!p1 [tilespmem:s11], [sflag:$0x4], $0x20, s14, s10, $0xb8;
	[tilespmem:$0x1FE80] =	vst v63  }
0x43: {  	s11 =	simm.s32 @!p1 $0x1FE00  }
0x44: {  	[spmem:s3] =	stream.indirect.scatter.add.f32 @!p1 [tilespmem:s11], [sflag:$0x4], $0x1, s14, s10, $0xb8;
	[tilespmem:$0x1FE80] =	vst v63  }
0x45: {  	s14 =	simm.s32 @!p1 $0x1BB00  }
0x46: {  	[spmem:s4] =	stream.indirect.scatter.add.f32 @!p1 [tilespmem:s11], [sflag:$0x4], $0x1, s14, s10, $0xb8;
	[tilespmem:$0x1FE80] =	vst v63  }
0x47: {  	s15 =	simm.s32 @!p1 $0x1EE00;
	s14 =	simm.s32 @!p1 $0x1BD80  }
0x48: {  	[spmem:s2] =	stream.indirect.scatter.add.f32 @!p1 [tilespmem:s15], [sflag:$0x4], $0x20, s14, s10, $0xb8;
	[tilespmem:$0x1FE80] =	vst v63  }
0x49: {  	_ = 	snop  }
0x4a: {  	[spmem:s3] =	stream.indirect.scatter.add.f32 @!p1 [tilespmem:s11], [sflag:$0x4], $0x1, s14, s10, $0xb8;
	[tilespmem:$0x1FE80] =	vst v63  }
0x4b: {  	s15 =	simm.s32 @!p1 $0x4;
	s14 =	simm.s32 @!p1 $0x1BB80  }
0x4c: {  	[spmem:s4] =	stream.indirect.scatter.add.f32 @!p1 [tilespmem:s11], [sflag:$0x4], $0x1, s14, s10, $0xb8;
	[tilespmem:$0x1FE80] =	vst v63  }
0x4d: {  	_ =	swait.ge @!p1 [sflag:s15], $0x1000  }
0x4e: {  	[sflag:s15] =	ssyncset.done @!p1 $0x0  }
0x4f: {  	[sflag:s15] =	ssyncadd.s32 @!p1 $0xFFFFF000  }
0x50: {  	_ =	swait.ge @!p1 [sflag:s15], $0x80  }
0x51: {  	[sflag:s15] =	ssyncset.done @!p1 $0x0  }
0x52: {  	[sflag:s15] =	ssyncadd.s32 @!p1 $0xFFFFFF80  }
0x53: {  	_ =	swait.ge @!p1 [sflag:s15], $0x80  }
0x54: {  	[sflag:s15] =	ssyncset.done @!p1 $0x0  }
0x55: {  	[sflag:s15] =	ssyncadd.s32 @!p1 $0xFFFFFF80  }
0x56: {  	_ =	swait.ge @!p1 [sflag:s15], $0x1000  }
0x57: {  	[sflag:s15] =	ssyncset.done @!p1 $0x0  }
0x58: {  	[sflag:s15] =	ssyncadd.s32 @!p1 $0xFFFFF000  }
0x59: {  	_ =	swait.ge @!p1 [sflag:s15], $0x80  }
0x5a: {  	[sflag:s15] =	ssyncset.done @!p1 $0x0  }
0x5b: {  	[sflag:s15] =	ssyncadd.s32 @!p1 $0xFFFFFF80  }
0x5c: {  	_ =	swait.ge @!p1 [sflag:s15], $0x80  }
0x5d: {  	[sflag:s15] =	ssyncset.done @!p1 $0x0  }
0x5e: {  	s8 =	sadd.s32 $0x20, s17;
	[sflag:s15] =	ssyncadd.s32 @!p1 $0xFFFFFF80  }
0x5f: {  	[tilespmem:s25], [sflag:$0x5] =	stream.linear.gather [hbm4b:s8+s5], $0x100, $0x38;
	[tilespmem:$0x1FE80] =	vst v63  }
0x60: {  	_ =	swait.ge [sflag:s18], $0x100  }
0x61: {  	[sflag:s18] =	ssyncset.done $0x0  }
0x62: {  	s17 =	sadd.s32 $0x20, s9;
	[sflag:s18] =	ssyncadd.s32 $0xFFFFFF00  }
0x63: {  	[tilespmem:s26], [sflag:$0x5] =	stream.linear.gather [hbm4b:s17+s5], $0x100, $0x38;
	[tilespmem:$0x1FE80] =	vst v63  }
0x64: {  	_ =	swait.ge [sflag:s18], $0x100  }
0x65: {  	[sflag:s18] =	ssyncset.done $0x0  }
0x66: {  	[sflag:s18] =	ssyncadd.s32 $0xFFFFFF00  }
0x67: {  	[tilespmem:s28], [sflag:$0x2] =	stream.indirect.gather [hbm4b:s7+s21], $0x20, s25, s21, $0xb8;
	[tilespmem:$0x1FE80] =	vst v63  }
0x68: {  	_ = 	snop  }
0x69: {  	[tilespmem:s30], [sflag:$0x2] =	stream.indirect.gather [hbm4b:s7+s21], $0x20, s29, s21, $0xb8;
	[tilespmem:$0x1FE80] =	vst v63  }
0x6a: {  	_ =	swait.ge [sflag:s31], $0x1000  }
0x6b: {  	[sflag:s31] =	ssyncset.done $0x0  }
0x6c: {  	[sflag:s31] =	ssyncadd.s32 $0xFFFFF000  }
0x6d: {  	_ =	swait.ge [sflag:s31], $0x1000  }
0x6e: {  	[sflag:s31] =	ssyncset.done $0x0  }
0x6f: {  	[sflag:s31] =	ssyncadd.s32 $0xFFFFF000  }
0x70: {  	[spmem:s2] =	stream.indirect.scatter.add.f32 [tilespmem:s22], [sflag:$0x3], $0x20, s20, s21, $0xb8;
	[tilespmem:$0x1FE80] =	vst v63  }
0x71: {  	_ = 	snop  }
0x72: {  	[spmem:s3] =	stream.indirect.scatter.add.f32 [tilespmem:s0], [sflag:$0x3], $0x1, s20, s21, $0xb8;
	[tilespmem:$0x1FE80] =	vst v63  }
0x73: {  	_ = 	snop  }
0x74: {  	[spmem:s4] =	stream.indirect.scatter.add.f32 [tilespmem:s0], [sflag:$0x3], $0x1, s19, s21, $0xb8;
	[tilespmem:$0x1FE80] =	vst v63  }
0x75: {  	_ = 	snop  }
0x76: {  	[spmem:s2] =	stream.indirect.scatter.add.f32 [tilespmem:s24], [sflag:$0x3], $0x20, s1, s21, $0xb8;
	[tilespmem:$0x1FE80] =	vst v63  }
0x77: {  	_ = 	snop  }
0x78: {  	[spmem:s3] =	stream.indirect.scatter.add.f32 [tilespmem:s0], [sflag:$0x3], $0x1, s1, s21, $0xb8;
	[tilespmem:$0x1FE80] =	vst v63  }
0x79: {  	s11 =	rddreg [dreg:$0x13]  }
0x7a: {  	[spmem:s4] =	stream.indirect.scatter.add.f32 [tilespmem:s0], [sflag:$0x3], $0x1, s23, s21, $0xb8;
	[tilespmem:$0x1FE80] =	vst v63  }
.LBB2_8:
0x7b: {  	s8 =	simm.s32 $0x2  }
0x7c: {  	_ =	swait.ge [sflag:s8], $0x1000  }
0x7d: {  	[sflag:s8] =	ssyncset.done $0x0  }
0x7e: {  	[sflag:s8] =	ssyncadd.s32 $0xFFFFF000  }
0x7f: {  	_ =	swait.ge [sflag:s8], $0x1000  }
0x80: {  	[sflag:s8] =	ssyncset.done $0x0  }
0x81: {  	[sflag:s8] =	ssyncadd.s32 $0xFFFFF000  }
0x82: {  	[spmem:s2] =	stream.indirect.scatter.add.f32 [tilespmem:s28], [sflag:$0x4], $0x20, s26, s21, $0xb8;
	[tilespmem:$0x1FE80] =	vst v63  }
0x83: {  	_ = 	snop  }
0x84: {  	[spmem:s3] =	stream.indirect.scatter.add.f32 [tilespmem:s0], [sflag:$0x4], $0x1, s26, s21, $0xb8;
	[tilespmem:$0x1FE80] =	vst v63  }
0x85: {  	_ = 	snop  }
0x86: {  	[spmem:s4] =	stream.indirect.scatter.add.f32 [tilespmem:s0], [sflag:$0x4], $0x1, s25, s21, $0xb8;
	[tilespmem:$0x1FE80] =	vst v63  }
0x87: {  	s15 =	simm.s32 $0x1BD80  }
0x88: {  	[spmem:s2] =	stream.indirect.scatter.add.f32 [tilespmem:s30], [sflag:$0x4], $0x20, s15, s21, $0xb8;
	[tilespmem:$0x1FE80] =	vst v63  }
0x89: {  	_ = 	snop  }
0x8a: {  	[spmem:s3] =	stream.indirect.scatter.add.f32 [tilespmem:s0], [sflag:$0x4], $0x1, s15, s21, $0xb8;
	[tilespmem:$0x1FE80] =	vst v63  }
0x8b: {  	_ = 	snop  }
0x8c: {  	[spmem:s4] =	stream.indirect.scatter.add.f32 [tilespmem:s0], [sflag:$0x4], $0x1, s29, s21, $0xb8;
	[tilespmem:$0x1FE80] =	vst v63  }
0x8d: {  	_ =	swait.ge [sflag:s12], $0x1000  }
0x8e: {  	[sflag:s12] =	ssyncset.done $0x0  }
0x8f: {  	[sflag:s12] =	ssyncadd.s32 $0xFFFFF000  }
0x90: {  	_ =	swait.ge [sflag:s12], $0x80  }
0x91: {  	[sflag:s12] =	ssyncset.done $0x0  }
0x92: {  	[sflag:s12] =	ssyncadd.s32 $0xFFFFFF80  }
0x93: {  	_ =	swait.ge [sflag:s12], $0x80  }
0x94: {  	[sflag:s12] =	ssyncset.done $0x0  }
0x95: {  	[sflag:s12] =	ssyncadd.s32 $0xFFFFFF80  }
0x96: {  	_ =	swait.ge [sflag:s12], $0x1000  }
0x97: {  	[sflag:s12] =	ssyncset.done $0x0  }
0x98: {  	[sflag:s12] =	ssyncadd.s32 $0xFFFFF000  }
0x99: {  	_ =	swait.ge [sflag:s12], $0x80  }
0x9a: {  	[sflag:s12] =	ssyncset.done $0x0  }
0x9b: {  	[sflag:s12] =	ssyncadd.s32 $0xFFFFFF80  }
0x9c: {  	_ =	swait.ge [sflag:s12], $0x80  }
0x9d: {  	[sflag:s12] =	ssyncset.done $0x0  }
0x9e: {  	[sflag:s12] =	ssyncadd.s32 $0xFFFFFF80  }
0x9f: {  	_ =	swait.ge [sflag:s13], $0x1000  }
0xa0: {  	[sflag:s13] =	ssyncset.done $0x0  }
0xa1: {  	[sflag:s13] =	ssyncadd.s32 $0xFFFFF000  }
0xa2: {  	_ =	swait.ge [sflag:s13], $0x80  }
0xa3: {  	[sflag:s13] =	ssyncset.done $0x0  }
0xa4: {  	[sflag:s13] =	ssyncadd.s32 $0xFFFFFF80  }
0xa5: {  	_ =	swait.ge [sflag:s13], $0x80  }
0xa6: {  	[sflag:s13] =	ssyncset.done $0x0  }
0xa7: {  	[sflag:s13] =	ssyncadd.s32 $0xFFFFFF80  }
0xa8: {  	_ =	swait.ge [sflag:s13], $0x1000  }
0xa9: {  	[sflag:s13] =	ssyncset.done $0x0  }
0xaa: {  	[sflag:s13] =	ssyncadd.s32 $0xFFFFF000  }
0xab: {  	_ =	swait.ge [sflag:s13], $0x80  }
0xac: {  	[sflag:s13] =	ssyncset.done $0x0  }
0xad: {  	[sflag:s13] =	ssyncadd.s32 $0xFFFFFF80  }
0xae: {  	_ =	swait.ge [sflag:s13], $0x80  }
0xaf: {  	[sflag:s13] =	ssyncset.done $0x0  }
0xb0: {  	[sflag:s13] =	ssyncadd.s32 $0xFFFFFF80  }
0xb1: {  	[bflag:$0x0] =	sbarrier.arrive $0xFFFF  }
0xb2: {  	s10 =	rddreg [dreg:$0xb]  }
0xb3: {  	s16 =	rddreg [dreg:$0xe]  }
0xb4: {  	s9 =	rddreg [dreg:$0x12]  }
0xb5: {  	[hbm:s16], [sflag:s10] =	dma.local [spmem:s9], $0x3400  }
0xb6: {  	_ =	swait.ge [sflag:s18], $0x3400  }
0xb7: {  	[sflag:s18] =	ssyncset.done $0x0;
	s17 =	rddreg [dreg:$0xf]  }
0xb8: {  	s14 =	rddreg [dreg:$0x14];
	[sflag:s18] =	ssyncadd.s32 $0xFFFFCC00  }
0xb9: {  	[hbm:s17], [sflag:s10] =	dma.local [spmem:s14], $0x1A0  }
0xba: {  	_ =	swait.ge [sflag:s18], $0x1A0  }
0xbb: {  	[sflag:s18] =	ssyncset.done $0x0;
	s15 =	rddreg [dreg:$0x10]  }
0xbc: {  	s16 =	rddreg [dreg:$0x15];
	[sflag:s18] =	ssyncadd.s32 $0xFFFFFE60  }
0xbd: {  	[hbm:s15], [sflag:s10] =	dma.local [spmem:s16], $0x1A0  }
0xbe: {  	_ =	swait.ge [sflag:s18], $0x1A0  }
0xbf: {  	s11 =	sadd.s32 $0x1, s11;
	s17 =	rddreg [dreg:$0x11]  }
0xc0: {  	p1 =	sne.s32 s11, s17  }
.Ltmp1:
0xc1: {  	_ = 	snop;
	(pc) =	sbr.rel @!p1 .LBB2_9-.Ltmp1, $3  }
0xc2: {  	_ =	sdelay $0x1  }
0xc3: {  	[sflag:s18] =	ssyncset.done $0x0  }
0xc4: {  	[sflag:s18] =	ssyncadd.s32 $0xFFFFFE60  }
.LBB2_1:
0xc5: {  	[tilespmem:$0x1FE00] =	vst v0  }
0xc6: {  	[tilespmem:$0x1FE10] =	vst v0  }
0xc7: {  	[tilespmem:$0x1FE20] =	vst v0  }
0xc8: {  	[tilespmem:$0x1FE30] =	vst v0  }
0xc9: {  	[tilespmem:$0x1FE40] =	vst v0  }
0xca: {  	[tilespmem:$0x1FE50] =	vst v0  }
0xcb: {  	[dreg:$0x13] =	wrdreg s11;
	[tilespmem:$0x1FE60] =	vst v0  }
0xcc: {  	[tilespmem:$0x1FE70] =	vst v0;
	s8 =	rddreg [dreg:$0x9]  }
0xcd: {  	[spmem:s9], [sflag:s10] =	dma.local [hbm:s8], $0x3400  }
0xce: {  	_ =	swait.ge [sflag:s18], $0x3400  }
0xcf: {  	s14 =	rddreg [dreg:$0xc]  }
0xd0: {  	[sflag:s18] =	ssyncset.done $0x0;
	s16 =	rddreg [dreg:$0xa];
	s15 =	sshrl.u32 s14, $0x3  }
0xd1: {  	[sflag:s18] =	ssyncadd.s32 $0xFFFFCC00;
	[dreg:$0x14] =	wrdreg s15  }
0xd2: {  	[spmem:s15], [sflag:s10] =	dma.local [hbm:s16], $0x1A0  }
0xd3: {  	_ =	swait.ge [sflag:s18], $0x1A0  }
0xd4: {  	s17 =	rddreg [dreg:$0xd]  }
0xd5: {  	[sflag:s18] =	ssyncset.done $0x0;
	s9 =	sshrl.u32 s17, $0x3  }
0xd6: {  	[sflag:s18] =	ssyncadd.s32 $0xFFFFFE60;
	[dreg:$0x15] =	wrdreg s9  }
0xd7: {  	[spmem:s9], [sflag:s10] =	dma.local [hbm:s16], $0x1A0  }
.Ltmp2:
0xd8: {  	_ =	swait.ge [sflag:s18], $0x1A0;
	(pc) =	sbr.rel @!p0 .LBB2_2-.Ltmp2, $4  }
0xd9: {  	[sflag:s18] =	ssyncset.done $0x0  }
0xda: {  	[sflag:s18] =	ssyncadd.s32 $0xFFFFFE60  }
0xdb: {  	p1 =	por $0x1, $0x1;
	[bflag:$0x0] =	sbarrier.arrive $0xFFFF  }
0xdc: {  	p1 =	por p1, p1  }
0xdd: {  	s8 =	simm.s32 @!p1 $0x3  }
0xde: {  	_ =	swait.ge @!p1 [sflag:s8], $0x1000  }
0xdf: {  	[sflag:s8] =	ssyncset.done @!p1 $0x0  }
0xe0: {  	[sflag:s8] =	ssyncadd.s32 @!p1 $0xFFFFF000  }
0xe1: {  	_ =	swait.ge @!p1 [sflag:s8], $0x80  }
0xe2: {  	[sflag:s8] =	ssyncset.done @!p1 $0x0  }
0xe3: {  	[sflag:s8] =	ssyncadd.s32 @!p1 $0xFFFFFF80  }
0xe4: {  	_ =	swait.ge @!p1 [sflag:s8], $0x80  }
0xe5: {  	[sflag:s8] =	ssyncset.done @!p1 $0x0  }
0xe6: {  	[sflag:s8] =	ssyncadd.s32 @!p1 $0xFFFFFF80  }
0xe7: {  	_ =	swait.ge @!p1 [sflag:s8], $0x1000  }
0xe8: {  	[sflag:s8] =	ssyncset.done @!p1 $0x0  }
0xe9: {  	[sflag:s8] =	ssyncadd.s32 @!p1 $0xFFFFF000  }
0xea: {  	_ =	swait.ge @!p1 [sflag:s8], $0x80  }
0xeb: {  	[sflag:s8] =	ssyncset.done @!p1 $0x0  }
0xec: {  	[sflag:s8] =	ssyncadd.s32 @!p1 $0xFFFFFF80  }
0xed: {  	_ =	swait.ge @!p1 [sflag:s8], $0x80  }
0xee: {  	s9 =	rddreg [dreg:$0x8];
	[sflag:s8] =	ssyncset.done @!p1 $0x0  }
0xef: {  	[sflag:s8] =	ssyncadd.s32 @!p1 $0xFFFFFF80;
	s17 =	sadd.s32 $0x0, s9  }
0xf0: {  	[tilespmem:s19], [sflag:$0x5] =	stream.linear.gather [hbm4b:s17+s5], $0x100, $0x38;
	[tilespmem:$0x1FE80] =	vst v63  }
0xf1: {  	_ =	swait.ge [sflag:s18], $0x100  }
0xf2: {  	s16 =	rddreg [dreg:$0x7];
	[sflag:s18] =	ssyncset.done $0x0  }
0xf3: {  	[sflag:s18] =	ssyncadd.s32 $0xFFFFFF00;
	s9 =	sadd.s32 $0x0, s16  }
0xf4: {  	[tilespmem:s20], [sflag:$0x5] =	stream.linear.gather [hbm4b:s9+s5], $0x100, $0x38;
	[tilespmem:$0x1FE80] =	vst v63  }
0xf5: {  	_ =	swait.ge [sflag:s18], $0x100  }
0xf6: {  	[sflag:s18] =	ssyncset.done $0x0  }
0xf7: {  	[sflag:s18] =	ssyncadd.s32 $0xFFFFFF00  }
0xf8: {  	[tilespmem:s22], [sflag:$0x1] =	stream.indirect.gather [hbm4b:s7+s21], $0x20, s19, s21, $0xb8;
	[tilespmem:$0x1FE80] =	vst v63  }
0xf9: {  	s10 =	simm.s32 @!p1 $0x2  }
0xfa: {  	[tilespmem:s24], [sflag:$0x1] =	stream.indirect.gather [hbm4b:s7+s21], $0x20, s23, s21, $0xb8;
	[tilespmem:$0x1FE80] =	vst v63  }
0xfb: {  	_ =	swait.ge @!p1 [sflag:s10], $0x1000  }
0xfc: {  	[sflag:s10] =	ssyncset.done @!p1 $0x0  }
0xfd: {  	[sflag:s10] =	ssyncadd.s32 @!p1 $0xFFFFF000  }
0xfe: {  	_ =	swait.ge @!p1 [sflag:s10], $0x1000  }
0xff: {  	s11 =	simm.s32 @!p1 $0x1DE00;
	[sflag:s10] =	ssyncset.done @!p1 $0x0  }
0x100: {  	s14 =	simm.s32 @!p1 $0x1BD00;
	[sflag:s10] =	ssyncadd.s32 @!p1 $0xFFFFF000;
	s10 =	simm.s32 @!p1 $0x80  }
0x101: {  	[spmem:s2] =	stream.indirect.scatter.add.f32 @!p1 [tilespmem:s11], [sflag:$0x4], $0x20, s14, s10, $0xb8;
	[tilespmem:$0x1FE80] =	vst v63  }
0x102: {  	s11 =	simm.s32 @!p1 $0x1FE00  }
0x103: {  	[spmem:s3] =	stream.indirect.scatter.add.f32 @!p1 [tilespmem:s11], [sflag:$0x4], $0x1, s14, s10, $0xb8;
	[tilespmem:$0x1FE80] =	vst v63  }
0x104: {  	s14 =	simm.s32 @!p1 $0x1BB00  }
0x105: {  	[spmem:s4] =	stream.indirect.scatter.add.f32 @!p1 [tilespmem:s11], [sflag:$0x4], $0x1, s14, s10, $0xb8;
	[tilespmem:$0x1FE80] =	vst v63  }
0x106: {  	s15 =	simm.s32 @!p1 $0x1EE00;
	s14 =	simm.s32 @!p1 $0x1BD80  }
0x107: {  	[spmem:s2] =	stream.indirect.scatter.add.f32 @!p1 [tilespmem:s15], [sflag:$0x4], $0x20, s14, s10, $0xb8;
	[tilespmem:$0x1FE80] =	vst v63  }
0x108: {  	_ = 	snop  }
0x109: {  	[spmem:s3] =	stream.indirect.scatter.add.f32 @!p1 [tilespmem:s11], [sflag:$0x4], $0x1, s14, s10, $0xb8;
	[tilespmem:$0x1FE80] =	vst v63  }
0x10a: {  	s14 =	simm.s32 @!p1 $0x1BB80  }
0x10b: {  	[spmem:s4] =	stream.indirect.scatter.add.f32 @!p1 [tilespmem:s11], [sflag:$0x4], $0x1, s14, s10, $0xb8;
	[tilespmem:$0x1FE80] =	vst v63  }
0x10c: {  	s10 =	simm.s32 @!p1 $0x4  }
0x10d: {  	_ =	swait.ge @!p1 [sflag:s10], $0x1000  }
0x10e: {  	[sflag:s10] =	ssyncset.done @!p1 $0x0  }
0x10f: {  	[sflag:s10] =	ssyncadd.s32 @!p1 $0xFFFFF000  }
0x110: {  	_ =	swait.ge @!p1 [sflag:s10], $0x80  }
0x111: {  	[sflag:s10] =	ssyncset.done @!p1 $0x0  }
0x112: {  	[sflag:s10] =	ssyncadd.s32 @!p1 $0xFFFFFF80  }
0x113: {  	_ =	swait.ge @!p1 [sflag:s10], $0x80  }
0x114: {  	[sflag:s10] =	ssyncset.done @!p1 $0x0  }
0x115: {  	[sflag:s10] =	ssyncadd.s32 @!p1 $0xFFFFFF80  }
0x116: {  	_ =	swait.ge @!p1 [sflag:s10], $0x1000  }
0x117: {  	[sflag:s10] =	ssyncset.done @!p1 $0x0  }
0x118: {  	[sflag:s10] =	ssyncadd.s32 @!p1 $0xFFFFF000  }
0x119: {  	_ =	swait.ge @!p1 [sflag:s10], $0x80  }
0x11a: {  	[sflag:s10] =	ssyncset.done @!p1 $0x0  }
0x11b: {  	[sflag:s10] =	ssyncadd.s32 @!p1 $0xFFFFFF80  }
0x11c: {  	_ =	swait.ge @!p1 [sflag:s10], $0x80  }
0x11d: {  	[sflag:s10] =	ssyncset.done @!p1 $0x0  }
0x11e: {  	s8 =	sadd.s32 $0x20, s17;
	[sflag:s10] =	ssyncadd.s32 @!p1 $0xFFFFFF80  }
0x11f: {  	[tilespmem:s25], [sflag:$0x5] =	stream.linear.gather [hbm4b:s8+s5], $0x100, $0x38;
	[tilespmem:$0x1FE80] =	vst v63  }
0x120: {  	_ =	swait.ge [sflag:s18], $0x100  }
0x121: {  	[sflag:s18] =	ssyncset.done $0x0  }
0x122: {  	s17 =	sadd.s32 $0x20, s9;
	[sflag:s18] =	ssyncadd.s32 $0xFFFFFF00  }
0x123: {  	[tilespmem:s26], [sflag:$0x5] =	stream.linear.gather [hbm4b:s17+s5], $0x100, $0x38;
	[tilespmem:$0x1FE80] =	vst v63  }
0x124: {  	_ =	swait.ge [sflag:s18], $0x100  }
0x125: {  	[sflag:s18] =	ssyncset.done $0x0  }
0x126: {  	[sflag:s18] =	ssyncadd.s32 $0xFFFFFF00  }
0x127: {  	[tilespmem:s28], [sflag:$0x2] =	stream.indirect.gather [hbm4b:s7+s21], $0x20, s25, s21, $0xb8;
	[tilespmem:$0x1FE80] =	vst v63  }
0x128: {  	_ = 	snop  }
0x129: {  	[tilespmem:s30], [sflag:$0x2] =	stream.indirect.gather [hbm4b:s7+s21], $0x20, s29, s21, $0xb8;
	[tilespmem:$0x1FE80] =	vst v63  }
0x12a: {  	_ =	swait.ge [sflag:s31], $0x1000  }
0x12b: {  	[sflag:s31] =	ssyncset.done $0x0  }
0x12c: {  	[sflag:s31] =	ssyncadd.s32 $0xFFFFF000  }
0x12d: {  	_ =	swait.ge [sflag:s31], $0x1000  }
0x12e: {  	[sflag:s31] =	ssyncset.done $0x0  }
0x12f: {  	[sflag:s31] =	ssyncadd.s32 $0xFFFFF000  }
0x130: {  	[spmem:s2] =	stream.indirect.scatter.add.f32 [tilespmem:s22], [sflag:$0x3], $0x20, s20, s21, $0xb8;
	[tilespmem:$0x1FE80] =	vst v63  }
0x131: {  	_ = 	snop  }
0x132: {  	[spmem:s3] =	stream.indirect.scatter.add.f32 [tilespmem:s0], [sflag:$0x3], $0x1, s20, s21, $0xb8;
	[tilespmem:$0x1FE80] =	vst v63  }
0x133: {  	_ = 	snop  }
0x134: {  	[spmem:s4] =	stream.indirect.scatter.add.f32 [tilespmem:s0], [sflag:$0x3], $0x1, s19, s21, $0xb8;
	[tilespmem:$0x1FE80] =	vst v63  }
0x135: {  	p6 =	por $0x0, $0x0  }
0x136: {  	[spmem:s2] =	stream.indirect.scatter.add.f32 [tilespmem:s24], [sflag:$0x3], $0x20, s1, s21, $0xb8;
	[tilespmem:$0x1FE80] =	vst v63  }
0x137: {  	s9 =	simm.s32 $0x80;
	s11 =	simm.s32 $0x40;
	p1 =	por p6, p6  }
0x138: {  	[spmem:s3] =	stream.indirect.scatter.add.f32 [tilespmem:s0], [sflag:$0x3], $0x1, s1, s21, $0xb8;
	[tilespmem:$0x1FE80] =	vst v63  }
.LBB2_6:
0x139: {  	[spmem:s4] =	stream.indirect.scatter.add.f32 [tilespmem:s0], [sflag:$0x3], $0x1, s23, s21, $0xb8;
	[tilespmem:$0x1FE80] =	vst v63  }
0x13a: {  	s8 =	simm.s32 @!p1 $0x3  }
0x13b: {  	_ =	swait.ge @!p1 [sflag:s8], $0x1000  }
0x13c: {  	[sflag:s8] =	ssyncset.done @!p1 $0x0  }
0x13d: {  	[sflag:s8] =	ssyncadd.s32 @!p1 $0xFFFFF000  }
0x13e: {  	_ =	swait.ge @!p1 [sflag:s8], $0x80  }
0x13f: {  	[sflag:s8] =	ssyncset.done @!p1 $0x0  }
0x140: {  	[sflag:s8] =	ssyncadd.s32 @!p1 $0xFFFFFF80  }
0x141: {  	_ =	swait.ge @!p1 [sflag:s8], $0x80  }
0x142: {  	[sflag:s8] =	ssyncset.done @!p1 $0x0  }
0x143: {  	[sflag:s8] =	ssyncadd.s32 @!p1 $0xFFFFFF80  }
0x144: {  	_ =	swait.ge @!p1 [sflag:s8], $0x1000  }
0x145: {  	[sflag:s8] =	ssyncset.done @!p1 $0x0  }
0x146: {  	[sflag:s8] =	ssyncadd.s32 @!p1 $0xFFFFF000  }
0x147: {  	_ =	swait.ge @!p1 [sflag:s8], $0x80  }
0x148: {  	[sflag:s8] =	ssyncset.done @!p1 $0x0  }
0x149: {  	[sflag:s8] =	ssyncadd.s32 @!p1 $0xFFFFFF80  }
0x14a: {  	_ =	swait.ge @!p1 [sflag:s8], $0x80  }
0x14b: {  	[sflag:s8] =	ssyncset.done @!p1 $0x0;
	s14 =	rddreg [dreg:$0x8]  }
0x14c: {  	[sflag:s8] =	ssyncadd.s32 @!p1 $0xFFFFFF80;
	s17 =	sadd.s32 s11, s14  }
0x14d: {  	[tilespmem:s19], [sflag:$0x5] =	stream.linear.gather [hbm4b:s17+s5], $0x100, $0x38;
	[tilespmem:$0x1FE80] =	vst v63  }
0x14e: {  	_ =	swait.ge [sflag:s18], $0x100  }
0x14f: {  	s16 =	rddreg [dreg:$0x7];
	[sflag:s18] =	ssyncset.done $0x0  }
0x150: {  	[sflag:s18] =	ssyncadd.s32 $0xFFFFFF00;
	s8 =	sadd.s32 s11, s16  }
0x151: {  	[tilespmem:s20], [sflag:$0x5] =	stream.linear.gather [hbm4b:s8+s5], $0x100, $0x38;
	[tilespmem:$0x1FE80] =	vst v63  }
0x152: {  	_ =	swait.ge [sflag:s18], $0x100  }
0x153: {  	[sflag:s18] =	ssyncset.done $0x0  }
0x154: {  	s10 =	smov.u32 s9;
	[sflag:s18] =	ssyncadd.s32 $0xFFFFFF00  }
0x155: {  	[tilespmem:s22], [sflag:$0x1] =	stream.indirect.gather [hbm4b:s7+s21], $0x20, s19, s21, $0xb8;
	[tilespmem:$0x1FE80] =	vst v63  }
0x156: {  	p3 =	seq.s32 s10, $0x0;
	s11 =	smov.u32 s10;
	s10 =	simm.s32 @!p1 $0x2  }
0x157: {  	[tilespmem:s24], [sflag:$0x1] =	stream.indirect.gather [hbm4b:s7+s21], $0x20, s23, s21, $0xb8;
	[tilespmem:$0x1FE80] =	vst v63  }
0x158: {  	_ =	swait.ge @!p1 [sflag:s10], $0x1000  }
0x159: {  	[sflag:s10] =	ssyncset.done @!p1 $0x0  }
0x15a: {  	[sflag:s10] =	ssyncadd.s32 @!p1 $0xFFFFF000  }
0x15b: {  	_ =	swait.ge @!p1 [sflag:s10], $0x1000  }
0x15c: {  	s15 =	simm.s32 @!p1 $0x1BD00;
	[sflag:s10] =	ssyncset.done @!p1 $0x0  }
0x15d: {  	s14 =	simm.s32 @!p1 $0x1DE00;
	[sflag:s10] =	ssyncadd.s32 @!p1 $0xFFFFF000;
	s10 =	simm.s32 @!p1 $0x80  }
0x15e: {  	[spmem:s2] =	stream.indirect.scatter.add.f32 @!p1 [tilespmem:s14], [sflag:$0x4], $0x20, s15, s10, $0xb8;
	[tilespmem:$0x1FE80] =	vst v63  }
0x15f: {  	s14 =	simm.s32 @!p1 $0x1FE00  }
0x160: {  	[spmem:s3] =	stream.indirect.scatter.add.f32 @!p1 [tilespmem:s14], [sflag:$0x4], $0x1, s15, s10, $0xb8;
	[tilespmem:$0x1FE80] =	vst v63  }
0x161: {  	s15 =	simm.s32 @!p1 $0x1BB00  }
0x162: {  	[spmem:s4] =	stream.indirect.scatter.add.f32 @!p1 [tilespmem:s14], [sflag:$0x4], $0x1, s15, s10, $0xb8;
	[tilespmem:$0x1FE80] =	vst v63  }
0x163: {  	s16 =	simm.s32 @!p1 $0x1EE00;
	s15 =	simm.s32 @!p1 $0x1BD80  }
0x164: {  	[spmem:s2] =	stream.indirect.scatter.add.f32 @!p1 [tilespmem:s16], [sflag:$0x4], $0x20, s15, s10, $0xb8;
	[tilespmem:$0x1FE80] =	vst v63  }
0x165: {  	_ = 	snop  }
0x166: {  	[spmem:s3] =	stream.indirect.scatter.add.f32 @!p1 [tilespmem:s14], [sflag:$0x4], $0x1, s15, s10, $0xb8;
	[tilespmem:$0x1FE80] =	vst v63  }
0x167: {  	s16 =	simm.s32 @!p1 $0x4;
	s15 =	simm.s32 @!p1 $0x1BB80  }
0x168: {  	[spmem:s4] =	stream.indirect.scatter.add.f32 @!p1 [tilespmem:s14], [sflag:$0x4], $0x1, s15, s10, $0xb8;
	[tilespmem:$0x1FE80] =	vst v63  }
0x169: {  	_ =	swait.ge @!p1 [sflag:s16], $0x1000  }
0x16a: {  	[sflag:s16] =	ssyncset.done @!p1 $0x0  }
0x16b: {  	[sflag:s16] =	ssyncadd.s32 @!p1 $0xFFFFF000  }
0x16c: {  	_ =	swait.ge @!p1 [sflag:s16], $0x80  }
0x16d: {  	[sflag:s16] =	ssyncset.done @!p1 $0x0  }
0x16e: {  	[sflag:s16] =	ssyncadd.s32 @!p1 $0xFFFFFF80  }
0x16f: {  	_ =	swait.ge @!p1 [sflag:s16], $0x80  }
0x170: {  	[sflag:s16] =	ssyncset.done @!p1 $0x0  }
0x171: {  	[sflag:s16] =	ssyncadd.s32 @!p1 $0xFFFFFF80  }
0x172: {  	_ =	swait.ge @!p1 [sflag:s16], $0x1000  }
0x173: {  	[sflag:s16] =	ssyncset.done @!p1 $0x0  }
0x174: {  	[sflag:s16] =	ssyncadd.s32 @!p1 $0xFFFFF000  }
0x175: {  	_ =	swait.ge @!p1 [sflag:s16], $0x80  }
0x176: {  	[sflag:s16] =	ssyncset.done @!p1 $0x0  }
0x177: {  	[sflag:s16] =	ssyncadd.s32 @!p1 $0xFFFFFF80  }
0x178: {  	_ =	swait.ge @!p1 [sflag:s16], $0x80  }
0x179: {  	[sflag:s16] =	ssyncset.done @!p1 $0x0  }
0x17a: {  	s17 =	sadd.s32 $0x20, s17;
	[sflag:s16] =	ssyncadd.s32 @!p1 $0xFFFFFF80  }
0x17b: {  	[tilespmem:s25], [sflag:$0x5] =	stream.linear.gather [hbm4b:s17+s5], $0x100, $0x38;
	[tilespmem:$0x1FE80] =	vst v63  }
0x17c: {  	_ =	swait.ge [sflag:s18], $0x100  }
0x17d: {  	[sflag:s18] =	ssyncset.done $0x0  }
0x17e: {  	s8 =	sadd.s32 $0x20, s8;
	[sflag:s18] =	ssyncadd.s32 $0xFFFFFF00  }
0x17f: {  	[tilespmem:s26], [sflag:$0x5] =	stream.linear.gather [hbm4b:s8+s5], $0x100, $0x38;
	[tilespmem:$0x1FE80] =	vst v63  }
0x180: {  	_ =	swait.ge [sflag:s18], $0x100  }
0x181: {  	[sflag:s18] =	ssyncset.done $0x0  }
0x182: {  	[sflag:s18] =	ssyncadd.s32 $0xFFFFFF00  }
0x183: {  	[tilespmem:s28], [sflag:$0x2] =	stream.indirect.gather [hbm4b:s7+s21], $0x20, s25, s21, $0xb8;
	[tilespmem:$0x1FE80] =	vst v63  }
0x184: {  	_ = 	snop  }
0x185: {  	[tilespmem:s30], [sflag:$0x2] =	stream.indirect.gather [hbm4b:s7+s21], $0x20, s29, s21, $0xb8;
	[tilespmem:$0x1FE80] =	vst v63  }
0x186: {  	_ =	swait.ge [sflag:s31], $0x1000  }
0x187: {  	[sflag:s31] =	ssyncset.done $0x0  }
0x188: {  	[sflag:s31] =	ssyncadd.s32 $0xFFFFF000  }
0x189: {  	_ =	swait.ge [sflag:s31], $0x1000  }
0x18a: {  	[sflag:s31] =	ssyncset.done $0x0  }
0x18b: {  	[sflag:s31] =	ssyncadd.s32 $0xFFFFF000  }
0x18c: {  	[spmem:s2] =	stream.indirect.scatter.add.f32 [tilespmem:s22], [sflag:$0x3], $0x20, s20, s21, $0xb8;
	[tilespmem:$0x1FE80] =	vst v63  }
0x18d: {  	s9 =	sadd.s32 $0x40, s9  }
0x18e: {  	[spmem:s3] =	stream.indirect.scatter.add.f32 [tilespmem:s0], [sflag:$0x3], $0x1, s20, s21, $0xb8;
	[tilespmem:$0x1FE80] =	vst v63  }
0x18f: {  	p2 =	sne.s32 s9, $0x1880  }
0x190: {  	[spmem:s4] =	stream.indirect.scatter.add.f32 [tilespmem:s0], [sflag:$0x3], $0x1, s19, s21, $0xb8;
	[tilespmem:$0x1FE80] =	vst v63  }
.Ltmp3:
0x191: {  	_ = 	snop;
	(pc) =	sbr.rel @p2 .LBB2_6-.Ltmp3, $4  }
0x192: {  	_ = 	snop  }
0x193: {  	[spmem:s2] =	stream.indirect.scatter.add.f32 [tilespmem:s24], [sflag:$0x3], $0x20, s1, s21, $0xb8;
	[tilespmem:$0x1FE80] =	vst v63  }
0x194: {  	p1 =	por p3, p3  }
0x195: {  	[spmem:s3] =	stream.indirect.scatter.add.f32 [tilespmem:s0], [sflag:$0x3], $0x1, s1, s21, $0xb8;
	[tilespmem:$0x1FE80] =	vst v63  }
.Ltmp4:
0x196: {  	_ = 	snop;
	(pc) =	sbr.rel .LBB2_7-.Ltmp4, $1  }
0x197: {  	_ =	sdelay $0x3  }
.LBB2_2:
0x198: {  	s8 =	simm.s32 @!p1 $0x3  }
0x199: {  	_ =	swait.ge @!p1 [sflag:s8], $0x1000  }
0x19a: {  	[sflag:s8] =	ssyncset.done @!p1 $0x0  }
0x19b: {  	[sflag:s8] =	ssyncadd.s32 @!p1 $0xFFFFF000  }
0x19c: {  	_ =	swait.ge @!p1 [sflag:s8], $0x80  }
0x19d: {  	[sflag:s8] =	ssyncset.done @!p1 $0x0  }
0x19e: {  	[sflag:s8] =	ssyncadd.s32 @!p1 $0xFFFFFF80  }
0x19f: {  	_ =	swait.ge @!p1 [sflag:s8], $0x80  }
0x1a0: {  	[sflag:s8] =	ssyncset.done @!p1 $0x0  }
0x1a1: {  	[sflag:s8] =	ssyncadd.s32 @!p1 $0xFFFFFF80  }
0x1a2: {  	_ =	swait.ge @!p1 [sflag:s8], $0x1000  }
0x1a3: {  	[sflag:s8] =	ssyncset.done @!p1 $0x0  }
0x1a4: {  	[sflag:s8] =	ssyncadd.s32 @!p1 $0xFFFFF000  }
0x1a5: {  	_ =	swait.ge @!p1 [sflag:s8], $0x80  }
0x1a6: {  	[sflag:s8] =	ssyncset.done @!p1 $0x0  }
0x1a7: {  	[sflag:s8] =	ssyncadd.s32 @!p1 $0xFFFFFF80  }
0x1a8: {  	_ =	swait.ge @!p1 [sflag:s8], $0x80  }
0x1a9: {  	s9 =	rddreg [dreg:$0x6];
	[sflag:s8] =	ssyncset.done @!p1 $0x0  }
0x1aa: {  	[sflag:s8] =	ssyncadd.s32 @!p1 $0xFFFFFF80;
	s14 =	sadd.s32 $0x0, s9  }
0x1ab: {  	[tilespmem:s19], [sflag:$0x5] =	stream.linear.gather [hbm4b:s14+s5], $0x100, $0x38;
	[tilespmem:$0x1FE80] =	vst v63  }
0x1ac: {  	_ =	swait.ge [sflag:s18], $0x100  }
0x1ad: {  	s16 =	rddreg [dreg:$0x5];
	[sflag:s18] =	ssyncset.done $0x0  }
0x1ae: {  	[sflag:s18] =	ssyncadd.s32 $0xFFFFFF00;
	s9 =	sadd.s32 $0x0, s16  }
0x1af: {  	[tilespmem:s20], [sflag:$0x5] =	stream.linear.gather [hbm4b:s9+s5], $0x100, $0x38;
	[tilespmem:$0x1FE80] =	vst v63  }
0x1b0: {  	_ =	swait.ge [sflag:s18], $0x100  }
0x1b1: {  	[sflag:s18] =	ssyncset.done $0x0  }
0x1b2: {  	[sflag:s18] =	ssyncadd.s32 $0xFFFFFF00  }
0x1b3: {  	[tilespmem:s22], [sflag:$0x1] =	stream.indirect.gather [hbm4b:s6+s21], $0x20, s19, s21, $0xb8;
	[tilespmem:$0x1FE80] =	vst v63  }
0x1b4: {  	s11 =	simm.s32 @!p1 $0x2  }
0x1b5: {  	[tilespmem:s24], [sflag:$0x1] =	stream.indirect.gather [hbm4b:s6+s21], $0x20, s23, s21, $0xb8;
	[tilespmem:$0x1FE80] =	vst v63  }
0x1b6: {  	_ =	swait.ge @!p1 [sflag:s11], $0x1000  }
0x1b7: {  	[sflag:s11] =	ssyncset.done @!p1 $0x0  }
0x1b8: {  	[sflag:s11] =	ssyncadd.s32 @!p1 $0xFFFFF000  }
0x1b9: {  	_ =	swait.ge @!p1 [sflag:s11], $0x1000  }
0x1ba: {  	s17 =	simm.s32 @!p1 $0x1DE00;
	[sflag:s11] =	ssyncset.done @!p1 $0x0  }
0x1bb: {  	s15 =	simm.s32 @!p1 $0x1BD00;
	[sflag:s11] =	ssyncadd.s32 @!p1 $0xFFFFF000;
	s11 =	simm.s32 @!p1 $0x80  }
0x1bc: {  	[spmem:s2] =	stream.indirect.scatter.add.f32 @!p1 [tilespmem:s17], [sflag:$0x4], $0x20, s15, s11, $0xb8;
	[tilespmem:$0x1FE80] =	vst v63  }
0x1bd: {  	s17 =	simm.s32 @!p1 $0x1FE00  }
0x1be: {  	[spmem:s3] =	stream.indirect.scatter.add.f32 @!p1 [tilespmem:s17], [sflag:$0x4], $0x1, s15, s11, $0xb8;
	[tilespmem:$0x1FE80] =	vst v63  }
0x1bf: {  	s15 =	simm.s32 @!p1 $0x1BB00  }
0x1c0: {  	[spmem:s4] =	stream.indirect.scatter.add.f32 @!p1 [tilespmem:s17], [sflag:$0x4], $0x1, s15, s11, $0xb8;
	[tilespmem:$0x1FE80] =	vst v63  }
0x1c1: {  	s16 =	simm.s32 @!p1 $0x1EE00;
	s15 =	simm.s32 @!p1 $0x1BD80  }
0x1c2: {  	[spmem:s2] =	stream.indirect.scatter.add.f32 @!p1 [tilespmem:s16], [sflag:$0x4], $0x20, s15, s11, $0xb8;
	[tilespmem:$0x1FE80] =	vst v63  }
0x1c3: {  	_ = 	snop  }
0x1c4: {  	[spmem:s3] =	stream.indirect.scatter.add.f32 @!p1 [tilespmem:s17], [sflag:$0x4], $0x1, s15, s11, $0xb8;
	[tilespmem:$0x1FE80] =	vst v63  }
0x1c5: {  	s15 =	simm.s32 @!p1 $0x1BB80  }
0x1c6: {  	[spmem:s4] =	stream.indirect.scatter.add.f32 @!p1 [tilespmem:s17], [sflag:$0x4], $0x1, s15, s11, $0xb8;
	[tilespmem:$0x1FE80] =	vst v63  }
0x1c7: {  	s11 =	simm.s32 @!p1 $0x4  }
0x1c8: {  	_ =	swait.ge @!p1 [sflag:s11], $0x1000  }
0x1c9: {  	[sflag:s11] =	ssyncset.done @!p1 $0x0  }
0x1ca: {  	[sflag:s11] =	ssyncadd.s32 @!p1 $0xFFFFF000  }
0x1cb: {  	_ =	swait.ge @!p1 [sflag:s11], $0x80  }
0x1cc: {  	[sflag:s11] =	ssyncset.done @!p1 $0x0  }
0x1cd: {  	[sflag:s11] =	ssyncadd.s32 @!p1 $0xFFFFFF80  }
0x1ce: {  	_ =	swait.ge @!p1 [sflag:s11], $0x80  }
0x1cf: {  	[sflag:s11] =	ssyncset.done @!p1 $0x0  }
0x1d0: {  	[sflag:s11] =	ssyncadd.s32 @!p1 $0xFFFFFF80  }
0x1d1: {  	_ =	swait.ge @!p1 [sflag:s11], $0x1000  }
0x1d2: {  	[sflag:s11] =	ssyncset.done @!p1 $0x0  }
0x1d3: {  	[sflag:s11] =	ssyncadd.s32 @!p1 $0xFFFFF000  }
0x1d4: {  	_ =	swait.ge @!p1 [sflag:s11], $0x80  }
0x1d5: {  	[sflag:s11] =	ssyncset.done @!p1 $0x0  }
0x1d6: {  	[sflag:s11] =	ssyncadd.s32 @!p1 $0xFFFFFF80  }
0x1d7: {  	_ =	swait.ge @!p1 [sflag:s11], $0x80  }
0x1d8: {  	[sflag:s11] =	ssyncset.done @!p1 $0x0  }
0x1d9: {  	s8 =	sadd.s32 $0x20, s14;
	[sflag:s11] =	ssyncadd.s32 @!p1 $0xFFFFFF80  }
0x1da: {  	[tilespmem:s25], [sflag:$0x5] =	stream.linear.gather [hbm4b:s8+s5], $0x100, $0x38;
	[tilespmem:$0x1FE80] =	vst v63  }
0x1db: {  	_ =	swait.ge [sflag:s18], $0x100  }
0x1dc: {  	[sflag:s18] =	ssyncset.done $0x0  }
0x1dd: {  	s17 =	sadd.s32 $0x20, s9;
	[sflag:s18] =	ssyncadd.s32 $0xFFFFFF00  }
0x1de: {  	[tilespmem:s26], [sflag:$0x5] =	stream.linear.gather [hbm4b:s17+s5], $0x100, $0x38;
	[tilespmem:$0x1FE80] =	vst v63  }
0x1df: {  	_ =	swait.ge [sflag:s18], $0x100  }
0x1e0: {  	[sflag:s18] =	ssyncset.done $0x0  }
0x1e1: {  	[sflag:s18] =	ssyncadd.s32 $0xFFFFFF00  }
0x1e2: {  	[tilespmem:s28], [sflag:$0x2] =	stream.indirect.gather [hbm4b:s6+s21], $0x20, s25, s21, $0xb8;
	[tilespmem:$0x1FE80] =	vst v63  }
0x1e3: {  	_ = 	snop  }
0x1e4: {  	[tilespmem:s30], [sflag:$0x2] =	stream.indirect.gather [hbm4b:s6+s21], $0x20, s29, s21, $0xb8;
	[tilespmem:$0x1FE80] =	vst v63  }
0x1e5: {  	_ =	swait.ge [sflag:s31], $0x1000  }
0x1e6: {  	[sflag:s31] =	ssyncset.done $0x0  }
0x1e7: {  	[sflag:s31] =	ssyncadd.s32 $0xFFFFF000  }
0x1e8: {  	_ =	swait.ge [sflag:s31], $0x1000  }
0x1e9: {  	[sflag:s31] =	ssyncset.done $0x0  }
0x1ea: {  	[sflag:s31] =	ssyncadd.s32 $0xFFFFF000  }
0x1eb: {  	[spmem:s2] =	stream.indirect.scatter.add.f32 [tilespmem:s22], [sflag:$0x3], $0x20, s20, s21, $0xb8;
	[tilespmem:$0x1FE80] =	vst v63  }
0x1ec: {  	_ = 	snop  }
0x1ed: {  	[spmem:s3] =	stream.indirect.scatter.add.f32 [tilespmem:s0], [sflag:$0x3], $0x1, s20, s21, $0xb8;
	[tilespmem:$0x1FE80] =	vst v63  }
0x1ee: {  	_ = 	snop  }
0x1ef: {  	[spmem:s4] =	stream.indirect.scatter.add.f32 [tilespmem:s0], [sflag:$0x3], $0x1, s19, s21, $0xb8;
	[tilespmem:$0x1FE80] =	vst v63  }
0x1f0: {  	p6 =	por $0x0, $0x0  }
0x1f1: {  	[spmem:s2] =	stream.indirect.scatter.add.f32 [tilespmem:s24], [sflag:$0x3], $0x20, s1, s21, $0xb8;
	[tilespmem:$0x1FE80] =	vst v63  }
0x1f2: {  	s9 =	simm.s32 $0x80;
	s11 =	simm.s32 $0x40;
	p1 =	por p6, p6  }
0x1f3: {  	[spmem:s3] =	stream.indirect.scatter.add.f32 [tilespmem:s0], [sflag:$0x3], $0x1, s1, s21, $0xb8;
	[tilespmem:$0x1FE80] =	vst v63  }
.LBB2_3:
0x1f4: {  	[spmem:s4] =	stream.indirect.scatter.add.f32 [tilespmem:s0], [sflag:$0x3], $0x1, s23, s21, $0xb8;
	[tilespmem:$0x1FE80] =	vst v63  }
0x1f5: {  	s8 =	simm.s32 @!p1 $0x3  }
0x1f6: {  	_ =	swait.ge @!p1 [sflag:s8], $0x1000  }
0x1f7: {  	[sflag:s8] =	ssyncset.done @!p1 $0x0  }
0x1f8: {  	[sflag:s8] =	ssyncadd.s32 @!p1 $0xFFFFF000  }
0x1f9: {  	_ =	swait.ge @!p1 [sflag:s8], $0x80  }
0x1fa: {  	[sflag:s8] =	ssyncset.done @!p1 $0x0  }
0x1fb: {  	[sflag:s8] =	ssyncadd.s32 @!p1 $0xFFFFFF80  }
0x1fc: {  	_ =	swait.ge @!p1 [sflag:s8], $0x80  }
0x1fd: {  	[sflag:s8] =	ssyncset.done @!p1 $0x0  }
0x1fe: {  	[sflag:s8] =	ssyncadd.s32 @!p1 $0xFFFFFF80  }
0x1ff: {  	_ =	swait.ge @!p1 [sflag:s8], $0x1000  }
0x200: {  	[sflag:s8] =	ssyncset.done @!p1 $0x0  }
0x201: {  	[sflag:s8] =	ssyncadd.s32 @!p1 $0xFFFFF000  }
0x202: {  	_ =	swait.ge @!p1 [sflag:s8], $0x80  }
0x203: {  	[sflag:s8] =	ssyncset.done @!p1 $0x0  }
0x204: {  	[sflag:s8] =	ssyncadd.s32 @!p1 $0xFFFFFF80  }
0x205: {  	_ =	swait.ge @!p1 [sflag:s8], $0x80  }
0x206: {  	[sflag:s8] =	ssyncset.done @!p1 $0x0;
	s16 =	rddreg [dreg:$0x6]  }
0x207: {  	[sflag:s8] =	ssyncadd.s32 @!p1 $0xFFFFFF80;
	s17 =	sadd.s32 s11, s16  }
0x208: {  	[tilespmem:s19], [sflag:$0x5] =	stream.linear.gather [hbm4b:s17+s5], $0x100, $0x38;
	[tilespmem:$0x1FE80] =	vst v63  }
0x209: {  	_ =	swait.ge [sflag:s18], $0x100  }
0x20a: {  	s16 =	rddreg [dreg:$0x5];
	[sflag:s18] =	ssyncset.done $0x0  }
0x20b: {  	[sflag:s18] =	ssyncadd.s32 $0xFFFFFF00;
	s8 =	sadd.s32 s11, s16  }
0x20c: {  	[tilespmem:s20], [sflag:$0x5] =	stream.linear.gather [hbm4b:s8+s5], $0x100, $0x38;
	[tilespmem:$0x1FE80] =	vst v63  }
0x20d: {  	_ =	swait.ge [sflag:s18], $0x100  }
0x20e: {  	[sflag:s18] =	ssyncset.done $0x0  }
0x20f: {  	s15 =	smov.u32 s9;
	[sflag:s18] =	ssyncadd.s32 $0xFFFFFF00  }
0x210: {  	[tilespmem:s22], [sflag:$0x1] =	stream.indirect.gather [hbm4b:s6+s21], $0x20, s19, s21, $0xb8;
	[tilespmem:$0x1FE80] =	vst v63  }
0x211: {  	p3 =	seq.s32 s15, $0x0;
	s11 =	smov.u32 s15;
	s15 =	simm.s32 @!p1 $0x2  }
0x212: {  	[tilespmem:s24], [sflag:$0x1] =	stream.indirect.gather [hbm4b:s6+s21], $0x20, s23, s21, $0xb8;
	[tilespmem:$0x1FE80] =	vst v63  }
0x213: {  	_ =	swait.ge @!p1 [sflag:s15], $0x1000  }
0x214: {  	[sflag:s15] =	ssyncset.done @!p1 $0x0  }
0x215: {  	[sflag:s15] =	ssyncadd.s32 @!p1 $0xFFFFF000  }
0x216: {  	_ =	swait.ge @!p1 [sflag:s15], $0x1000  }
0x217: {  	s10 =	simm.s32 @!p1 $0x1BD00;
	[sflag:s15] =	ssyncset.done @!p1 $0x0  }
0x218: {  	s16 =	simm.s32 @!p1 $0x1DE00;
	[sflag:s15] =	ssyncadd.s32 @!p1 $0xFFFFF000;
	s15 =	simm.s32 @!p1 $0x80  }
0x219: {  	[spmem:s2] =	stream.indirect.scatter.add.f32 @!p1 [tilespmem:s16], [sflag:$0x4], $0x20, s10, s15, $0xb8;
	[tilespmem:$0x1FE80] =	vst v63  }
0x21a: {  	s16 =	simm.s32 @!p1 $0x1FE00  }
0x21b: {  	[spmem:s3] =	stream.indirect.scatter.add.f32 @!p1 [tilespmem:s16], [sflag:$0x4], $0x1, s10, s15, $0xb8;
	[tilespmem:$0x1FE80] =	vst v63  }
0x21c: {  	s10 =	simm.s32 @!p1 $0x1BB00  }
0x21d: {  	[spmem:s4] =	stream.indirect.scatter.add.f32 @!p1 [tilespmem:s16], [sflag:$0x4], $0x1, s10, s15, $0xb8;
	[tilespmem:$0x1FE80] =	vst v63  }
0x21e: {  	s14 =	simm.s32 @!p1 $0x1EE00;
	s10 =	simm.s32 @!p1 $0x1BD80  }
0x21f: {  	[spmem:s2] =	stream.indirect.scatter.add.f32 @!p1 [tilespmem:s14], [sflag:$0x4], $0x20, s10, s15, $0xb8;
	[tilespmem:$0x1FE80] =	vst v63  }
0x220: {  	_ = 	snop  }
0x221: {  	[spmem:s3] =	stream.indirect.scatter.add.f32 @!p1 [tilespmem:s16], [sflag:$0x4], $0x1, s10, s15, $0xb8;
	[tilespmem:$0x1FE80] =	vst v63  }
0x222: {  	s14 =	simm.s32 @!p1 $0x4;
	s10 =	simm.s32 @!p1 $0x1BB80  }
0x223: {  	[spmem:s4] =	stream.indirect.scatter.add.f32 @!p1 [tilespmem:s16], [sflag:$0x4], $0x1, s10, s15, $0xb8;
	[tilespmem:$0x1FE80] =	vst v63  }
0x224: {  	_ =	swait.ge @!p1 [sflag:s14], $0x1000  }
0x225: {  	[sflag:s14] =	ssyncset.done @!p1 $0x0  }
0x226: {  	[sflag:s14] =	ssyncadd.s32 @!p1 $0xFFFFF000  }
0x227: {  	_ =	swait.ge @!p1 [sflag:s14], $0x80  }
0x228: {  	[sflag:s14] =	ssyncset.done @!p1 $0x0  }
0x229: {  	[sflag:s14] =	ssyncadd.s32 @!p1 $0xFFFFFF80  }
0x22a: {  	_ =	swait.ge @!p1 [sflag:s14], $0x80  }
0x22b: {  	[sflag:s14] =	ssyncset.done @!p1 $0x0  }
0x22c: {  	[sflag:s14] =	ssyncadd.s32 @!p1 $0xFFFFFF80  }
0x22d: {  	_ =	swait.ge @!p1 [sflag:s14], $0x1000  }
0x22e: {  	[sflag:s14] =	ssyncset.done @!p1 $0x0  }
0x22f: {  	[sflag:s14] =	ssyncadd.s32 @!p1 $0xFFFFF000  }
0x230: {  	_ =	swait.ge @!p1 [sflag:s14], $0x80  }
0x231: {  	[sflag:s14] =	ssyncset.done @!p1 $0x0  }
0x232: {  	[sflag:s14] =	ssyncadd.s32 @!p1 $0xFFFFFF80  }
0x233: {  	_ =	swait.ge @!p1 [sflag:s14], $0x80  }
0x234: {  	[sflag:s14] =	ssyncset.done @!p1 $0x0  }
0x235: {  	s17 =	sadd.s32 $0x20, s17;
	[sflag:s14] =	ssyncadd.s32 @!p1 $0xFFFFFF80  }
0x236: {  	[tilespmem:s25], [sflag:$0x5] =	stream.linear.gather [hbm4b:s17+s5], $0x100, $0x38;
	[tilespmem:$0x1FE80] =	vst v63  }
0x237: {  	_ =	swait.ge [sflag:s18], $0x100  }
0x238: {  	[sflag:s18] =	ssyncset.done $0x0  }
0x239: {  	s8 =	sadd.s32 $0x20, s8;
	[sflag:s18] =	ssyncadd.s32 $0xFFFFFF00  }
0x23a: {  	[tilespmem:s26], [sflag:$0x5] =	stream.linear.gather [hbm4b:s8+s5], $0x100, $0x38;
	[tilespmem:$0x1FE80] =	vst v63  }
0x23b: {  	_ =	swait.ge [sflag:s18], $0x100  }
0x23c: {  	[sflag:s18] =	ssyncset.done $0x0  }
0x23d: {  	[sflag:s18] =	ssyncadd.s32 $0xFFFFFF00  }
0x23e: {  	[tilespmem:s28], [sflag:$0x2] =	stream.indirect.gather [hbm4b:s6+s21], $0x20, s25, s21, $0xb8;
	[tilespmem:$0x1FE80] =	vst v63  }
0x23f: {  	_ = 	snop  }
0x240: {  	[tilespmem:s30], [sflag:$0x2] =	stream.indirect.gather [hbm4b:s6+s21], $0x20, s29, s21, $0xb8;
	[tilespmem:$0x1FE80] =	vst v63  }
0x241: {  	_ =	swait.ge [sflag:s31], $0x1000  }
0x242: {  	[sflag:s31] =	ssyncset.done $0x0  }
0x243: {  	[sflag:s31] =	ssyncadd.s32 $0xFFFFF000  }
0x244: {  	_ =	swait.ge [sflag:s31], $0x1000  }
0x245: {  	[sflag:s31] =	ssyncset.done $0x0  }
0x246: {  	[sflag:s31] =	ssyncadd.s32 $0xFFFFF000  }
0x247: {  	[spmem:s2] =	stream.indirect.scatter.add.f32 [tilespmem:s22], [sflag:$0x3], $0x20, s20, s21, $0xb8;
	[tilespmem:$0x1FE80] =	vst v63  }
0x248: {  	s9 =	sadd.s32 $0x40, s9  }
0x249: {  	[spmem:s3] =	stream.indirect.scatter.add.f32 [tilespmem:s0], [sflag:$0x3], $0x1, s20, s21, $0xb8;
	[tilespmem:$0x1FE80] =	vst v63  }
0x24a: {  	p2 =	seq.s32 s9, $0x1880  }
0x24b: {  	[spmem:s4] =	stream.indirect.scatter.add.f32 [tilespmem:s0], [sflag:$0x3], $0x1, s19, s21, $0xb8;
	[tilespmem:$0x1FE80] =	vst v63  }
.Ltmp5:
0x24c: {  	_ = 	snop;
	(pc) =	sbr.rel @!p2 .LBB2_3-.Ltmp5, $4  }
0x24d: {  	_ = 	snop  }
0x24e: {  	[spmem:s2] =	stream.indirect.scatter.add.f32 [tilespmem:s24], [sflag:$0x3], $0x20, s1, s21, $0xb8;
	[tilespmem:$0x1FE80] =	vst v63  }
0x24f: {  	p1 =	por p3, p3  }
0x250: {  	[spmem:s3] =	stream.indirect.scatter.add.f32 [tilespmem:s0], [sflag:$0x3], $0x1, s1, s21, $0xb8;
	[tilespmem:$0x1FE80] =	vst v63  }
0x251: {  	[spmem:s4] =	stream.indirect.scatter.add.f32 [tilespmem:s0], [sflag:$0x3], $0x1, s23, s21, $0xb8;
	[tilespmem:$0x1FE80] =	vst v63  }
0x252: {  	s8 =	simm.s32 @!p1 $0x3  }
0x253: {  	_ =	swait.ge @!p1 [sflag:s8], $0x1000  }
0x254: {  	[sflag:s8] =	ssyncset.done @!p1 $0x0  }
0x255: {  	[sflag:s8] =	ssyncadd.s32 @!p1 $0xFFFFF000  }
0x256: {  	_ =	swait.ge @!p1 [sflag:s8], $0x80  }
0x257: {  	[sflag:s8] =	ssyncset.done @!p1 $0x0  }
0x258: {  	[sflag:s8] =	ssyncadd.s32 @!p1 $0xFFFFFF80  }
0x259: {  	_ =	swait.ge @!p1 [sflag:s8], $0x80  }
0x25a: {  	[sflag:s8] =	ssyncset.done @!p1 $0x0  }
0x25b: {  	[sflag:s8] =	ssyncadd.s32 @!p1 $0xFFFFFF80  }
0x25c: {  	_ =	swait.ge @!p1 [sflag:s8], $0x1000  }
0x25d: {  	[sflag:s8] =	ssyncset.done @!p1 $0x0  }
0x25e: {  	[sflag:s8] =	ssyncadd.s32 @!p1 $0xFFFFF000  }
0x25f: {  	_ =	swait.ge @!p1 [sflag:s8], $0x80  }
0x260: {  	[sflag:s8] =	ssyncset.done @!p1 $0x0  }
0x261: {  	[sflag:s8] =	ssyncadd.s32 @!p1 $0xFFFFFF80  }
0x262: {  	_ =	swait.ge @!p1 [sflag:s8], $0x80  }
0x263: {  	s9 =	rddreg [dreg:$0x6];
	[sflag:s8] =	ssyncset.done @!p1 $0x0  }
0x264: {  	[sflag:s8] =	ssyncadd.s32 @!p1 $0xFFFFFF80;
	s17 =	sadd.s32 s11, s9  }
0x265: {  	[tilespmem:s19], [sflag:$0x5] =	stream.linear.gather [hbm4b:s17+s5], $0x100, $0x38;
	[tilespmem:$0x1FE80] =	vst v63  }
0x266: {  	_ =	swait.ge [sflag:s18], $0x100  }
0x267: {  	s16 =	rddreg [dreg:$0x5];
	[sflag:s18] =	ssyncset.done $0x0  }
0x268: {  	[sflag:s18] =	ssyncadd.s32 $0xFFFFFF00;
	s9 =	sadd.s32 s11, s16  }
0x269: {  	[tilespmem:s20], [sflag:$0x5] =	stream.linear.gather [hbm4b:s9+s5], $0x100, $0x38;
	[tilespmem:$0x1FE80] =	vst v63  }
0x26a: {  	_ =	swait.ge [sflag:s18], $0x100  }
0x26b: {  	[sflag:s18] =	ssyncset.done $0x0  }
0x26c: {  	[sflag:s18] =	ssyncadd.s32 $0xFFFFFF00  }
0x26d: {  	[tilespmem:s22], [sflag:$0x1] =	stream.indirect.gather [hbm4b:s6+s21], $0x20, s19, s21, $0xb8;
	[tilespmem:$0x1FE80] =	vst v63  }
0x26e: {  	s10 =	simm.s32 @!p1 $0x2  }
0x26f: {  	[tilespmem:s24], [sflag:$0x1] =	stream.indirect.gather [hbm4b:s6+s21], $0x20, s23, s21, $0xb8;
	[tilespmem:$0x1FE80] =	vst v63  }
0x270: {  	_ =	swait.ge @!p1 [sflag:s10], $0x1000  }
0x271: {  	[sflag:s10] =	ssyncset.done @!p1 $0x0  }
0x272: {  	[sflag:s10] =	ssyncadd.s32 @!p1 $0xFFFFF000  }
0x273: {  	_ =	swait.ge @!p1 [sflag:s10], $0x1000  }
0x274: {  	s14 =	simm.s32 @!p1 $0x1BD00;
	[sflag:s10] =	ssyncset.done @!p1 $0x0  }
0x275: {  	s11 =	simm.s32 @!p1 $0x1DE00;
	[sflag:s10] =	ssyncadd.s32 @!p1 $0xFFFFF000;
	s10 =	simm.s32 @!p1 $0x80  }
0x276: {  	[spmem:s2] =	stream.indirect.scatter.add.f32 @!p1 [tilespmem:s11], [sflag:$0x4], $0x20, s14, s10, $0xb8;
	[tilespmem:$0x1FE80] =	vst v63  }
0x277: {  	s11 =	simm.s32 @!p1 $0x1FE00  }
0x278: {  	[spmem:s3] =	stream.indirect.scatter.add.f32 @!p1 [tilespmem:s11], [sflag:$0x4], $0x1, s14, s10, $0xb8;
	[tilespmem:$0x1FE80] =	vst v63  }
0x279: {  	s14 =	simm.s32 @!p1 $0x1BB00  }
0x27a: {  	[spmem:s4] =	stream.indirect.scatter.add.f32 @!p1 [tilespmem:s11], [sflag:$0x4], $0x1, s14, s10, $0xb8;
	[tilespmem:$0x1FE80] =	vst v63  }
0x27b: {  	s15 =	simm.s32 @!p1 $0x1EE00;
	s14 =	simm.s32 @!p1 $0x1BD80  }
0x27c: {  	[spmem:s2] =	stream.indirect.scatter.add.f32 @!p1 [tilespmem:s15], [sflag:$0x4], $0x20, s14, s10, $0xb8;
	[tilespmem:$0x1FE80] =	vst v63  }
0x27d: {  	_ = 	snop  }
0x27e: {  	[spmem:s3] =	stream.indirect.scatter.add.f32 @!p1 [tilespmem:s11], [sflag:$0x4], $0x1, s14, s10, $0xb8;
	[tilespmem:$0x1FE80] =	vst v63  }
0x27f: {  	s15 =	simm.s32 @!p1 $0x4;
	s14 =	simm.s32 @!p1 $0x1BB80  }
0x280: {  	[spmem:s4] =	stream.indirect.scatter.add.f32 @!p1 [tilespmem:s11], [sflag:$0x4], $0x1, s14, s10, $0xb8;
	[tilespmem:$0x1FE80] =	vst v63  }
0x281: {  	_ =	swait.ge @!p1 [sflag:s15], $0x1000  }
0x282: {  	[sflag:s15] =	ssyncset.done @!p1 $0x0  }
0x283: {  	[sflag:s15] =	ssyncadd.s32 @!p1 $0xFFFFF000  }
0x284: {  	_ =	swait.ge @!p1 [sflag:s15], $0x80  }
0x285: {  	[sflag:s15] =	ssyncset.done @!p1 $0x0  }
0x286: {  	[sflag:s15] =	ssyncadd.s32 @!p1 $0xFFFFFF80  }
0x287: {  	_ =	swait.ge @!p1 [sflag:s15], $0x80  }
0x288: {  	[sflag:s15] =	ssyncset.done @!p1 $0x0  }
0x289: {  	[sflag:s15] =	ssyncadd.s32 @!p1 $0xFFFFFF80  }
0x28a: {  	_ =	swait.ge @!p1 [sflag:s15], $0x1000  }
0x28b: {  	[sflag:s15] =	ssyncset.done @!p1 $0x0  }
0x28c: {  	[sflag:s15] =	ssyncadd.s32 @!p1 $0xFFFFF000  }
0x28d: {  	_ =	swait.ge @!p1 [sflag:s15], $0x80  }
0x28e: {  	[sflag:s15] =	ssyncset.done @!p1 $0x0  }
0x28f: {  	[sflag:s15] =	ssyncadd.s32 @!p1 $0xFFFFFF80  }
0x290: {  	_ =	swait.ge @!p1 [sflag:s15], $0x80  }
0x291: {  	[sflag:s15] =	ssyncset.done @!p1 $0x0  }
0x292: {  	s8 =	sadd.s32 $0x20, s17;
	[sflag:s15] =	ssyncadd.s32 @!p1 $0xFFFFFF80  }
0x293: {  	[tilespmem:s25], [sflag:$0x5] =	stream.linear.gather [hbm4b:s8+s5], $0x100, $0x38;
	[tilespmem:$0x1FE80] =	vst v63  }
0x294: {  	_ =	swait.ge [sflag:s18], $0x100  }
0x295: {  	[sflag:s18] =	ssyncset.done $0x0  }
0x296: {  	s17 =	sadd.s32 $0x20, s9;
	[sflag:s18] =	ssyncadd.s32 $0xFFFFFF00  }
0x297: {  	[tilespmem:s26], [sflag:$0x5] =	stream.linear.gather [hbm4b:s17+s5], $0x100, $0x38;
	[tilespmem:$0x1FE80] =	vst v63  }
0x298: {  	_ =	swait.ge [sflag:s18], $0x100  }
0x299: {  	[sflag:s18] =	ssyncset.done $0x0  }
0x29a: {  	[sflag:s18] =	ssyncadd.s32 $0xFFFFFF00  }
0x29b: {  	[tilespmem:s28], [sflag:$0x2] =	stream.indirect.gather [hbm4b:s6+s21], $0x20, s25, s21, $0xb8;
	[tilespmem:$0x1FE80] =	vst v63  }
0x29c: {  	_ = 	snop  }
0x29d: {  	[tilespmem:s30], [sflag:$0x2] =	stream.indirect.gather [hbm4b:s6+s21], $0x20, s29, s21, $0xb8;
	[tilespmem:$0x1FE80] =	vst v63  }
0x29e: {  	_ =	swait.ge [sflag:s31], $0x1000  }
0x29f: {  	[sflag:s31] =	ssyncset.done $0x0  }
0x2a0: {  	[sflag:s31] =	ssyncadd.s32 $0xFFFFF000  }
0x2a1: {  	_ =	swait.ge [sflag:s31], $0x1000  }
0x2a2: {  	[sflag:s31] =	ssyncset.done $0x0  }
0x2a3: {  	[sflag:s31] =	ssyncadd.s32 $0xFFFFF000  }
0x2a4: {  	[spmem:s2] =	stream.indirect.scatter.add.f32 [tilespmem:s22], [sflag:$0x3], $0x20, s20, s21, $0xb8;
	[tilespmem:$0x1FE80] =	vst v63  }
0x2a5: {  	_ = 	snop  }
0x2a6: {  	[spmem:s3] =	stream.indirect.scatter.add.f32 [tilespmem:s0], [sflag:$0x3], $0x1, s20, s21, $0xb8;
	[tilespmem:$0x1FE80] =	vst v63  }
0x2a7: {  	_ = 	snop  }
0x2a8: {  	[spmem:s4] =	stream.indirect.scatter.add.f32 [tilespmem:s0], [sflag:$0x3], $0x1, s19, s21, $0xb8;
	[tilespmem:$0x1FE80] =	vst v63  }
0x2a9: {  	_ = 	snop  }
0x2aa: {  	[spmem:s2] =	stream.indirect.scatter.add.f32 [tilespmem:s24], [sflag:$0x3], $0x20, s1, s21, $0xb8;
	[tilespmem:$0x1FE80] =	vst v63  }
.Ltmp6:
0x2ab: {  	_ = 	snop;
	(pc) =	sbr.rel .LBB2_8-.Ltmp6, $4  }
0x2ac: {  	_ = 	snop  }
0x2ad: {  	[spmem:s3] =	stream.indirect.scatter.add.f32 [tilespmem:s0], [sflag:$0x3], $0x1, s1, s21, $0xb8;
	[tilespmem:$0x1FE80] =	vst v63  }
0x2ae: {  	s11 =	rddreg [dreg:$0x13]  }
0x2af: {  	[spmem:s4] =	stream.indirect.scatter.add.f32 [tilespmem:s0], [sflag:$0x3], $0x1, s23, s21, $0xb8;
	[tilespmem:$0x1FE80] =	vst v63  }
.LBB2_9:
0x2b0: {  	_ =	sfence.sel $0x180000  }
0x2b1: {  	[bflag:$0x0] =	sbarrier.arrive $0xFFFF  }
0x2b2: {  	_ =	strace $0x90000047  }
0x2b3: {  	s0 =	stileid.u32;
	[bflag:$0x2] =	sbarrier.arrive $0xFFFF  }
0x2b4: {  	p0 =	sne.s32 s0, $0x0;
	s0 =	rddreg [dreg:$0x4]  }
0x2b5: {  	s0 =	sadd.s32 @!p0 $0x100000, s0  }
0x2b6: {  	[sflag:s0] =	ssyncadd.tile.s32 @!p0 $0x1;
	_ =	shalt  }
.Lfunc_end2:
_tile_overlayer_lowered:
.L_overlay_start_2:
0x2b7: {  	(tag) =	ssettag $0x2  }
0x2b8: {  	s0 =	rddreg [dreg:$0x0];
	s2 =	stileid.u32  }
0x2b9: {  	s1 =	rddreg [dreg:$0x1];
	p0 =	sne.s32 s2, $0x0  }
0x2ba: {  	s3 =	rddreg [dreg:$0x2];
	[bflag:$0x3] =	sbarrier.arrive $0xFFFF;
	s2 =	simm.s32 @!p0 $0x1C05  }
0x2bb: {  	[timem:s3], [sflag:s2] =	dma.local @!p0 [hbm:s0], s1  }
0x2bc: {  	s0 =	simm.s32 @!p0 $0x5  }
0x2bd: {  	_ =	swait.ge @!p0 [sflag:s0], s1  }
0x2be: {  	s1 =	ssub.s32 @!p0 $0x0, s1;
	[sflag:s0] =	ssyncset.done @!p0 $0x0  }
0x2bf: {  	[sflag:s0] =	ssyncadd.s32 @!p0 s1  }
0x2c0: {  	[bflag:$0x3] =	sbarrier.arrive $0xFFFF  }
0x2c1: {  	_ =	shalt  }

</sc_bundles>
